<compile_context>
chip_gen: v7x
topology: tpu7x:2x2x1
jax: 0.10.2.dev20260603
libtpu: 0.0.44.dev20260713+nightly
codegen_flags: <defaults>
</compile_context>

<pallas_src>
import functools

import jax
import jax.numpy as jnp
from jax import lax
from jax.experimental import pallas as pl
from jax.experimental.pallas import tpu as pltpu
from jax.experimental.pallas import tpu_sc as plsc

N = 10000
D = 128
E = 320000
G = 16
C = 4

NP = 10240
NC = 2
NS = 16
NW = NC * NS
CHUNK = 128
CPT = 80
GRP = CPT * CHUNK // 16
EP = NW * CPT * CHUNK
RPT = NP // NS

BLK = 1024
NBLK = NP // BLK

_mesh = plsc.VectorSubcoreMesh(core_axis_name="c", subcore_axis_name="s")


def _fill_rows(ref, rows, width, value):
    def body(i, _):
        for j in range(width // 16):
            ref[i, pl.ds(j * 16, 16)] = jnp.full((16,), value, jnp.float32)
        return 0
    lax.fori_loop(0, rows, body, 0)


@functools.partial(
    pl.kernel,
    out_type=jax.ShapeDtypeStruct((NC, NP, 16), jnp.float32),
    mesh=_mesh,
    scratch_types=[
        pltpu.VMEM((GRP, 16), jnp.int32),
        pltpu.VMEM((16, 16), jnp.float32),
        pltpu.VMEM((16, 16), jnp.float32),
        pltpu.VMEM_SHARED((NP, 16), jnp.float32),
        pltpu.SemaphoreType.DMA,
    ],
)
def _deg_kernel(dstw_hbm, out_hbm, dst_v, ones_v, stage_v, deg_sh, sem):
    c = lax.axis_index("c")
    s = lax.axis_index("s")
    w = c * NS + s
    iota = lax.broadcasted_iota(jnp.int32, (16,), 0)
    _fill_rows(ones_v, 16, 16, 1.0)
    _fill_rows(stage_v, 16, 16, 0.0)

    def z(k, _):
        pltpu.sync_copy(stage_v, deg_sh.at[s * RPT + k * 16 + iota])
        return 0
    lax.fori_loop(0, RPT // 16, z, 0)
    plsc.subcore_barrier()

    pltpu.sync_copy(dstw_hbm.at[w], dst_v)

    def step(g, _):
        pltpu.sync_copy(ones_v, deg_sh.at[dst_v[g]], add=True)
        return 0
    lax.fori_loop(0, GRP, step, 0)
    plsc.subcore_barrier()

    def dr(k, _):
        pltpu.async_copy(deg_sh.at[s * RPT + k * 16 + iota], stage_v, sem).wait()
        pltpu.sync_copy(stage_v, out_hbm.at[c, pl.ds(s * RPT + k * 16, 16)])
        return 0
    lax.fori_loop(0, RPT // 16, dr, 0)


@functools.partial(
    pl.kernel,
    out_type=jax.ShapeDtypeStruct((NC, NP, D), jnp.float32),
    mesh=_mesh,
    scratch_types=[
        pltpu.VMEM((CHUNK,), jnp.int32),
        pltpu.VMEM((CHUNK,), jnp.int32),
        pltpu.VMEM((CHUNK,), jnp.int32),
        pltpu.VMEM((CHUNK,), jnp.int32),
        pltpu.VMEM((CHUNK, D), jnp.float32),
        pltpu.VMEM((CHUNK, D), jnp.float32),
        pltpu.VMEM((16, D), jnp.float32),
        pltpu.VMEM((16, D), jnp.float32),
        pltpu.VMEM_SHARED((NP, D), jnp.float32),
        pltpu.SemaphoreType.DMA,
        pltpu.SemaphoreType.DMA,
        pltpu.SemaphoreType.DMA,
        pltpu.SemaphoreType.DMA,
        pltpu.SemaphoreType.DMA,
    ],
)
def _scatter_kernel(y_hbm, srcw_hbm, dstw_hbm, out_hbm,
                    ib0, ib1, db0, db1, gb0, gb1, stage_v, stage2_v, acc_sh,
                    sem0, sem1, semd0, semd1, semsc):
    c = lax.axis_index("c")
    s = lax.axis_index("s")
    w = c * NS + s
    iota = lax.broadcasted_iota(jnp.int32, (16,), 0)
    _fill_rows(stage_v, 16, D, 0.0)

    def z(k, _):
        pltpu.sync_copy(stage_v, acc_sh.at[s * RPT + k * 16 + iota])
        return 0
    lax.fori_loop(0, RPT // 16, z, 0)
    plsc.subcore_barrier()

    def stage_and_fire(chunk, ib, db, gb, sem):
        pltpu.sync_copy(srcw_hbm.at[w, chunk], ib)
        pltpu.sync_copy(dstw_hbm.at[w, chunk], db)
        pltpu.async_copy(y_hbm.at[ib], gb, sem)

    def scatters(db, gb):
        for k in range(CHUNK // 16):
            rows = db[pl.ds(k * 16, 16)]
            pltpu.sync_copy(gb.at[pl.ds(k * 16, 16)], acc_sh.at[rows],
                            add=True)

    stage_and_fire(0, ib0, db0, gb0, sem0)
    stage_and_fire(1, ib1, db1, gb1, sem1)

    def pair(t, _):
        a = 2 * t
        pltpu.make_async_copy(y_hbm.at[ib0], gb0, sem0).wait()
        scatters(db0, gb0)

        @pl.when(a + 2 < CPT)
        def _():
            stage_and_fire(a + 2, ib0, db0, gb0, sem0)

        pltpu.make_async_copy(y_hbm.at[ib1], gb1, sem1).wait()
        scatters(db1, gb1)

        @pl.when(a + 3 < CPT)
        def _():
            stage_and_fire(a + 3, ib1, db1, gb1, sem1)
        return 0
    lax.fori_loop(0, CPT // 2, pair, 0)
    plsc.subcore_barrier()

    pltpu.async_copy(acc_sh.at[s * RPT + iota], stage_v, semd0)
    pltpu.async_copy(acc_sh.at[s * RPT + 16 + iota], stage2_v, semd1)

    def drpair(t, _):
        k = 2 * t
        pltpu.make_async_copy(acc_sh.at[s * RPT + iota], stage_v, semd0).wait()
        pltpu.sync_copy(stage_v, out_hbm.at[c, pl.ds(s * RPT + k * 16, 16)])

        @pl.when(k + 2 < RPT // 16)
        def _():
            pltpu.async_copy(acc_sh.at[s * RPT + (k + 2) * 16 + iota],
                             stage_v, semd0)

        pltpu.make_async_copy(acc_sh.at[s * RPT + iota], stage2_v, semd1).wait()
        pltpu.sync_copy(stage2_v, out_hbm.at[c, pl.ds(s * RPT + (k + 1) * 16, 16)])

        @pl.when(k + 3 < RPT // 16)
        def _():
            pltpu.async_copy(acc_sh.at[s * RPT + (k + 3) * 16 + iota],
                             stage2_v, semd1)
        return 0
    lax.fori_loop(0, RPT // 32, drpair, 0)


def _dinv_of(degp_blk):
    deg = degp_blk[0, :, 0:1] + degp_blk[1, :, 0:1] + 1.0
    return lax.rsqrt(deg)


def _y1_body(x_ref, w_ref, degp_ref, y_ref):
    xw = jnp.dot(x_ref[...], w_ref[...], preferred_element_type=jnp.float32)
    y_ref[...] = xw * _dinv_of(degp_ref)


def _mid_body(accp_ref, y1_ref, degp_ref, w2_ref, b1_ref, y2_ref):
    dinv = _dinv_of(degp_ref)
    h = accp_ref[0] + accp_ref[1] + y1_ref[...]
    h = jnp.maximum(h * dinv + b1_ref[...], 0.0)
    y2_ref[...] = jnp.dot(h, w2_ref[...], preferred_element_type=jnp.float32) * dinv


def _fin_body(accp_ref, y2_ref, degp_ref, b2_ref, batch_ref, wc_ref, bc_ref,
              out_ref, sums, cnts):
    i = pl.program_id(0)

    @pl.when(i == 0)
    def _():
        sums[...] = jnp.zeros_like(sums)
        cnts[...] = jnp.zeros_like(cnts)

    dinv = _dinv_of(degp_ref)
    h = accp_ref[0] + accp_ref[1] + y2_ref[...]
    h = jnp.maximum(h * dinv + b2_ref[...], 0.0)
    b = batch_ref[0]
    gi = lax.broadcasted_iota(jnp.int32, (G, BLK), 0)
    onehot_t = (b == gi).astype(jnp.float32)
    sums[...] += jnp.dot(onehot_t, h, preferred_element_type=jnp.float32)
    cnts[...] += jnp.sum(onehot_t, axis=1, keepdims=True)

    @pl.when(i == NBLK - 1)
    def _():
        pooled = sums[...] / jnp.maximum(cnts[...], 1.0)
        out_ref[...] = (jnp.dot(pooled, wc_ref[...],
                                preferred_element_type=jnp.float32) + bc_ref[...])


def _row_spec(): return pl.BlockSpec((BLK, D), lambda i: (i, 0))
def _degp_spec(): return pl.BlockSpec((NC, BLK, 16), lambda i: (0, i, 0))
def _full_spec(shape): return pl.BlockSpec(shape, lambda i: tuple(0 for _ in shape))


_y1_call = pl.pallas_call(
    _y1_body,
    grid=(NBLK,),
    in_specs=[_row_spec(), _full_spec((D, D)), _degp_spec()],
    out_specs=_row_spec(),
    out_shape=jax.ShapeDtypeStruct((NP, D), jnp.float32),
)

_mid_call = pl.pallas_call(
    _mid_body,
    grid=(NBLK,),
    in_specs=[pl.BlockSpec((NC, BLK, D), lambda i: (0, i, 0)), _row_spec(),
              _degp_spec(), _full_spec((D, D)), _full_spec((1, D))],
    out_specs=_row_spec(),
    out_shape=jax.ShapeDtypeStruct((NP, D), jnp.float32),
)

_fin_call = pl.pallas_call(
    _fin_body,
    grid=(NBLK,),
    in_specs=[pl.BlockSpec((NC, BLK, D), lambda i: (0, i, 0)), _row_spec(),
              _degp_spec(), _full_spec((1, D)),
              pl.BlockSpec((1, 1, BLK), lambda i: (i, 0, 0)),
              _full_spec((D, D)), _full_spec((1, D))],
    out_specs=_full_spec((G, D)),
    out_shape=jax.ShapeDtypeStruct((G, D), jnp.float32),
    scratch_shapes=[pltpu.VMEM((G, D), jnp.float32),
                    pltpu.VMEM((G, D), jnp.float32)],
)


def kernel(x, edge_index, batch, W1, b1, W2, b2, Wc, bc):
    x_p = jnp.pad(x, ((0, NP - N), (0, 0)))
    pad_src = jnp.arange(EP - E, dtype=jnp.int32) % N
    src = jnp.concatenate([edge_index[0], pad_src])
    dst = jnp.pad(edge_index[1], (0, EP - E), constant_values=NP - 1)
    srcw = src.reshape(NW, CPT, CHUNK)
    dstw = dst.reshape(NW, CPT, CHUNK)
    dstg = dst.reshape(NW, GRP, 16)
    batch3 = jnp.pad(batch, (0, NP - N), constant_values=G).reshape(NBLK, 1, BLK)
    wc_p = jnp.pad(Wc, ((0, 0), (0, D - C)))
    bc_p = jnp.pad(bc, (0, D - C)).reshape(1, D)

    degp = _deg_kernel(dstg)
    y1 = _y1_call(x_p, W1, degp)
    acc1 = _scatter_kernel(y1, srcw, dstw)
    y2 = _mid_call(acc1, y1, degp, W2, b1.reshape(1, D))
    acc2 = _scatter_kernel(y2, srcw, dstw)
    outp = _fin_call(acc2, y2, degp, b2.reshape(1, D), batch3, wc_p, bc_p)
    return outp[:, :C]

# --- scband reference (transcript-rebuilt; emitter-appended) ---
"""Pipeline reference for scband-eegconnectome-gnn-64896955843198 (READ-ONLY COPY).

The authoritative reference and input builder live on the scoring server;
editing this copy changes nothing except your own understanding.
"""

import jax, jax.numpy as jnp
import numpy as np

N = 10000
E = 320000
D = 128
H = 128
C = 4
G = 16


def setup_inputs(seed: int = 0) -> dict:
    key = jax.random.key(seed)
    ks = jax.random.split(key, 10)
    x = jax.random.normal(ks[0], (N, D), dtype=jnp.float32)
    edge_index = jax.random.randint(ks[1], (2, E), 0, N, dtype=jnp.int32)
    batch = jnp.sort(jax.random.randint(ks[2], (N,), 0, G, dtype=jnp.int32))
    # GCNConv layer 1 params (glorot-ish init)
    W1 = jax.random.normal(ks[3], (D, H), dtype=jnp.float32) * jnp.sqrt(2.0 / (D + H))
    b1 = jnp.zeros((H,), dtype=jnp.float32)
    # GCNConv layer 2 params
    W2 = jax.random.normal(ks[4], (H, H), dtype=jnp.float32) * jnp.sqrt(2.0 / (H + H))
    b2 = jnp.zeros((H,), dtype=jnp.float32)
    # classifier params
    Wc = jax.random.normal(ks[5], (H, C), dtype=jnp.float32) * jnp.sqrt(2.0 / (H + C))
    bc = jnp.zeros((C,), dtype=jnp.float32)
    return {"x": x, "edge_index": edge_index, "batch": batch,
            "W1": W1, "b1": b1, "W2": W2, "b2": b2, "Wc": Wc, "bc": bc}


def _gcn_conv(x, edge_index, W, b):
    # Faithful GCNConv: add self-loops, symmetric D^-1/2 (A+I) D^-1/2 normalization
    n = x.shape[0]
    src = edge_index[0]
    dst = edge_index[1]
    loop = jnp.arange(n, dtype=src.dtype)
    src = jnp.concatenate([src, loop])
    dst = jnp.concatenate([dst, loop])
    deg = jnp.zeros((n,), dtype=x.dtype).at[dst].add(1.0)
    dinv = jnp.where(deg > 0, jax.lax.rsqrt(deg), 0.0)
    norm = dinv[src] * dinv[dst]
    xw = x @ W
    msg = jnp.take(xw, src, axis=0) * norm[:, None]
    agg = jax.ops.segment_sum(msg, dst, num_segments=n)
    return agg + b


def _global_mean_pool(x, batch, num_graphs):
    sums = jax.ops.segment_sum(x, batch, num_segments=num_graphs)
    counts = jax.ops.segment_sum(jnp.ones((x.shape[0],), dtype=x.dtype), batch, num_segments=num_graphs)
    return sums / jnp.maximum(counts, 1.0)[:, None]


def reference(x, edge_index, batch, W1, b1, W2, b2, Wc, bc):
    h = _gcn_conv(x, edge_index, W1, b1)
    h = jax.nn.relu(h)
    h = _gcn_conv(h, edge_index, W2, b2)
    h = jax.nn.relu(h)
    pooled = _global_mean_pool(h, batch, G)
    logits = pooled @ Wc + bc
    return logits

if __name__ == "__main__":
    import jax
    _d = setup_inputs()
    print(jax.jit(kernel)(*tuple(_d.values())))

</pallas_src>

<mosaic_0001>
#map = affine_map<(d0, d1) -> (0, 0)>
#map1 = affine_map<(d0, d1) -> (0, 0, 0)>
module attributes {stable_mosaic.version = 14 : i64} {
  func.func @_scatter_kernel(%arg0: i32, %arg1: i32, %arg2: memref<10240x128xf32, #tpu.memory_space<hbm>>, %arg3: memref<32x80x128xi32, #tpu.memory_space<hbm>>, %arg4: memref<32x80x128xi32, #tpu.memory_space<hbm>>, %arg5: memref<2x10240x128xf32, #tpu.memory_space<hbm>>, %arg6: memref<128xi32, #tpu.memory_space<vmem>>, %arg7: memref<128xi32, #tpu.memory_space<vmem>>, %arg8: memref<128xi32, #tpu.memory_space<vmem>>, %arg9: memref<128xi32, #tpu.memory_space<vmem>>, %arg10: memref<128x128xf32, #tpu.memory_space<vmem>>, %arg11: memref<128x128xf32, #tpu.memory_space<vmem>>, %arg12: memref<16x128xf32, #tpu.memory_space<vmem>>, %arg13: memref<16x128xf32, #tpu.memory_space<vmem>>, %arg14: memref<10240x128xf32, #tpu.memory_space<vmem_shared>>, %arg15: memref<!tpu.dma_semaphore, #tpu.memory_space<semaphore_mem>>, %arg16: memref<!tpu.dma_semaphore, #tpu.memory_space<semaphore_mem>>, %arg17: memref<!tpu.dma_semaphore, #tpu.memory_space<semaphore_mem>>, %arg18: memref<!tpu.dma_semaphore, #tpu.memory_space<semaphore_mem>>, %arg19: memref<!tpu.dma_semaphore, #tpu.memory_space<semaphore_mem>>) attributes {dimension_semantics = [#tpu.dimension_semantics<core_parallel>, #tpu.dimension_semantics<subcore_parallel>], iteration_bounds = array<i64: 2, 16>, scalar_prefetch = 0 : i64, scratch_operands = 14 : i64, tpu.core_type = #tpu.core_type<sc_vector_subcore>, window_params = [{transform_indices = #map}, {transform_indices = #map1}, {transform_indices = #map1}, {transform_indices = #map1}]} {
    %mul3A = arith.constant 16 : i32
    %mul3A_0 = arith.muli %arg0, %mul3A : i32
    %add3A = arith.addi %mul3A_0, %arg1 : i32
    %iota3A = tpu.iota {dimensions = array<i32: 0>} : vector<16xi32>
    %scan3A = arith.constant 0 : i32
    %scan3A_1 = arith.constant 0 : i32
    %scan3A_2 = arith.constant 16 : i32
    %scan3A_3 = arith.addi %scan3A_1, %scan3A_2 : i32
    %scan3A_4 = arith.constant 1 : i32
    %scan3A_5 = scf.for %scan3A_53 = %scan3A_1 to %scan3A_3 step %scan3A_4 iter_args(%scan3A_54 = %scan3A) -> (i32)  : i32 {
      %broadcast_in_dim3A = arith.constant 0.000000e+00 : f32
      %broadcast_in_dim3A_55 = vector.broadcast %broadcast_in_dim3A : f32 to vector<16xf32>
      %swap3A = arith.index_cast %scan3A_53 : i32 to index
      %swap3A_56 = arith.constant 0 : index
      %swap3A_57 = tpu.vector_load %arg12[%swap3A, %swap3A_56] {strides = array<i32>} : memref<16x128xf32, #tpu.memory_space<vmem>>, vector<1x16xf32>,
      %swap3A_58 = vector.shape_cast %swap3A_57 : vector<1x16xf32> to vector<16xf32>
      %swap3A_59 = vector.shape_cast %broadcast_in_dim3A_55 : vector<16xf32> to vector<1x16xf32>
      tpu.vector_store %arg12[%swap3A, %swap3A_56], %swap3A_59 {strides = array<i32>} : memref<16x128xf32, #tpu.memory_space<vmem>>, vector<1x16xf32>,
      %broadcast_in_dim3A_60 = arith.constant 0.000000e+00 : f32
      %broadcast_in_dim3A_61 = vector.broadcast %broadcast_in_dim3A_60 : f32 to vector<16xf32>
      %swap3A_62 = arith.index_cast %scan3A_53 : i32 to index
      %swap3A_63 = arith.constant 16 : index
      %swap3A_64 = tpu.vector_load %arg12[%swap3A_62, %swap3A_63] {strides = array<i32>} : memref<16x128xf32, #tpu.memory_space<vmem>>, vector<1x16xf32>,
      %swap3A_65 = vector.shape_cast %swap3A_64 : vector<1x16xf32> to vector<16xf32>
      %swap3A_66 = vector.shape_cast %broadcast_in_dim3A_61 : vector<16xf32> to vector<1x16xf32>
      tpu.vector_store %arg12[%swap3A_62, %swap3A_63], %swap3A_66 {strides = array<i32>} : memref<16x128xf32, #tpu.memory_space<vmem>>, vector<1x16xf32>,
      %broadcast_in_dim3A_67 = arith.constant 0.000000e+00 : f32
      %broadcast_in_dim3A_68 = vector.broadcast %broadcast_in_dim3A_67 : f32 to vector<16xf32>
      %swap3A_69 = arith.index_cast %scan3A_53 : i32 to index
      %swap3A_70 = arith.constant 32 : index
      %swap3A_71 = tpu.vector_load %arg12[%swap3A_69, %swap3A_70] {strides = array<i32>} : memref<16x128xf32, #tpu.memory_space<vmem>>, vector<1x16xf32>,
      %swap3A_72 = vector.shape_cast %swap3A_71 : vector<1x16xf32> to vector<16xf32>
      %swap3A_73 = vector.shape_cast %broadcast_in_dim3A_68 : vector<16xf32> to vector<1x16xf32>
      tpu.vector_store %arg12[%swap3A_69, %swap3A_70], %swap3A_73 {strides = array<i32>} : memref<16x128xf32, #tpu.memory_space<vmem>>, vector<1x16xf32>,
      %broadcast_in_dim3A_74 = arith.constant 0.000000e+00 : f32
      %broadcast_in_dim3A_75 = vector.broadcast %broadcast_in_dim3A_74 : f32 to vector<16xf32>
      %swap3A_76 = arith.index_cast %scan3A_53 : i32 to index
      %swap3A_77 = arith.constant 48 : index
      %swap3A_78 = tpu.vector_load %arg12[%swap3A_76, %swap3A_77] {strides = array<i32>} : memref<16x128xf32, #tpu.memory_space<vmem>>, vector<1x16xf32>,
      %swap3A_79 = vector.shape_cast %swap3A_78 : vector<1x16xf32> to vector<16xf32>
      %swap3A_80 = vector.shape_cast %broadcast_in_dim3A_75 : vector<16xf32> to vector<1x16xf32>
      tpu.vector_store %arg12[%swap3A_76, %swap3A_77], %swap3A_80 {strides = array<i32>} : memref<16x128xf32, #tpu.memory_space<vmem>>, vector<1x16xf32>,
      %broadcast_in_dim3A_81 = arith.constant 0.000000e+00 : f32
      %broadcast_in_dim3A_82 = vector.broadcast %broadcast_in_dim3A_81 : f32 to vector<16xf32>
      %swap3A_83 = arith.index_cast %scan3A_53 : i32 to index
      %swap3A_84 = arith.constant 64 : index
      %swap3A_85 = tpu.vector_load %arg12[%swap3A_83, %swap3A_84] {strides = array<i32>} : memref<16x128xf32, #tpu.memory_space<vmem>>, vector<1x16xf32>,
      %swap3A_86 = vector.shape_cast %swap3A_85 : vector<1x16xf32> to vector<16xf32>
      %swap3A_87 = vector.shape_cast %broadcast_in_dim3A_82 : vector<16xf32> to vector<1x16xf32>
      tpu.vector_store %arg12[%swap3A_83, %swap3A_84], %swap3A_87 {strides = array<i32>} : memref<16x128xf32, #tpu.memory_space<vmem>>, vector<1x16xf32>,
      %broadcast_in_dim3A_88 = arith.constant 0.000000e+00 : f32
      %broadcast_in_dim3A_89 = vector.broadcast %broadcast_in_dim3A_88 : f32 to vector<16xf32>
      %swap3A_90 = arith.index_cast %scan3A_53 : i32 to index
      %swap3A_91 = arith.constant 80 : index
      %swap3A_92 = tpu.vector_load %arg12[%swap3A_90, %swap3A_91] {strides = array<i32>} : memref<16x128xf32, #tpu.memory_space<vmem>>, vector<1x16xf32>,
      %swap3A_93 = vector.shape_cast %swap3A_92 : vector<1x16xf32> to vector<16xf32>
      %swap3A_94 = vector.shape_cast %broadcast_in_dim3A_89 : vector<16xf32> to vector<1x16xf32>
      tpu.vector_store %arg12[%swap3A_90, %swap3A_91], %swap3A_94 {strides = array<i32>} : memref<16x128xf32, #tpu.memory_space<vmem>>, vector<1x16xf32>,
      %broadcast_in_dim3A_95 = arith.constant 0.000000e+00 : f32
      %broadcast_in_dim3A_96 = vector.broadcast %broadcast_in_dim3A_95 : f32 to vector<16xf32>
      %swap3A_97 = arith.index_cast %scan3A_53 : i32 to index
      %swap3A_98 = arith.constant 96 : index
      %swap3A_99 = tpu.vector_load %arg12[%swap3A_97, %swap3A_98] {strides = array<i32>} : memref<16x128xf32, #tpu.memory_space<vmem>>, vector<1x16xf32>,
      %swap3A_100 = vector.shape_cast %swap3A_99 : vector<1x16xf32> to vector<16xf32>
      %swap3A_101 = vector.shape_cast %broadcast_in_dim3A_96 : vector<16xf32> to vector<1x16xf32>
      tpu.vector_store %arg12[%swap3A_97, %swap3A_98], %swap3A_101 {strides = array<i32>} : memref<16x128xf32, #tpu.memory_space<vmem>>, vector<1x16xf32>,
      %broadcast_in_dim3A_102 = arith.constant 0.000000e+00 : f32
      %broadcast_in_dim3A_103 = vector.broadcast %broadcast_in_dim3A_102 : f32 to vector<16xf32>
      %swap3A_104 = arith.index_cast %scan3A_53 : i32 to index
      %swap3A_105 = arith.constant 112 : index
      %swap3A_106 = tpu.vector_load %arg12[%swap3A_104, %swap3A_105] {strides = array<i32>} : memref<16x128xf32, #tpu.memory_space<vmem>>, vector<1x16xf32>,
      %swap3A_107 = vector.shape_cast %swap3A_106 : vector<1x16xf32> to vector<16xf32>
      %swap3A_108 = vector.shape_cast %broadcast_in_dim3A_103 : vector<16xf32> to vector<1x16xf32>
      tpu.vector_store %arg12[%swap3A_104, %swap3A_105], %swap3A_108 {strides = array<i32>} : memref<16x128xf32, #tpu.memory_space<vmem>>, vector<1x16xf32>,
      %scan3A_109 = arith.constant 0 : i32
      scf.yield %scan3A_109 : i32
    }
    %scan3A_6 = arith.constant 16 : i32
    %scan3A_7 = arith.constant 0 : i32
    %scan3A_8 = arith.constant 0 : i32
    %scan3A_9 = arith.constant 40 : i32
    %scan3A_10 = arith.addi %scan3A_8, %scan3A_9 : i32
    %scan3A_11 = arith.constant 1 : i32
    %scan3A_12 = scf.for %scan3A_53 = %scan3A_8 to %scan3A_10 step %scan3A_11 iter_args(%scan3A_54 = %scan3A_7) -> (i32)  : i32 {
      %mul3A_55 = arith.constant 640 : i32
      %mul3A_56 = arith.muli %arg1, %mul3A_55 : i32
      %mul3A_57 = arith.constant 16 : i32
      %mul3A_58 = arith.muli %scan3A_53, %mul3A_57 : i32
      %add3A_59 = arith.addi %mul3A_56, %mul3A_58 : i32
      %add3A_60 = vector.broadcast %add3A_59 : i32 to vector<16xi32>
      %add3A_61 = arith.addi %add3A_60, %iota3A : vector<16xi32>
      "tpu.region"() ({
        %run_scoped3A_63 = tpu.sem_alloc : memref<!tpu.dma_semaphore, #tpu.memory_space<semaphore_mem>>
        %dma_start3A_64 = arith.constant 0 : i32
        %dma_start3A_65 = arith.constant 0 : i32
        %dma_start3A_66 = tpu.memref_slice %arg14[%dma_start3A_64, %dma_start3A_65] : memref<10240x128xf32, #tpu.memory_space<vmem_shared>> -> memref<10240x128xf32, #tpu.memory_space<vmem_shared>>
        tpu.enqueue_indirect_dma source(%arg12 : memref<16x128xf32, #tpu.memory_space<vmem>>) target(%dma_start3A_66 : memref<10240x128xf32, #tpu.memory_space<vmem_shared>>) offsets(%add3A_61 : vector<16xi32>) semaphore(%run_scoped3A_63 : memref<!tpu.dma_semaphore, #tpu.memory_space<semaphore_mem>>)
        %dma_wait3A = arith.constant 0 : i32
        %dma_wait3A_67 = arith.constant 0 : i32
        %dma_wait3A_68 = tpu.memref_slice %arg14[%dma_wait3A, %dma_wait3A_67] : memref<10240x128xf32, #tpu.memory_space<vmem_shared>> -> memref<10240x128xf32, #tpu.memory_space<vmem_shared>>
        tpu.wait_indirect_dma semaphore(%run_scoped3A_63 : memref<!tpu.dma_semaphore, #tpu.memory_space<semaphore_mem>>) src(%arg12 : memref<16x128xf32, #tpu.memory_space<vmem>>) dst(%dma_wait3A_68 : memref<10240x128xf32, #tpu.memory_space<vmem_shared>>)
        tpu.yield
      }) : () -> ()
      %scan3A_62 = arith.constant 0 : i32
      scf.yield %scan3A_62 : i32
    }
    %scan3A_13 = arith.constant 40 : i32
    %barrier3A = arith.constant 0 : index
    tpu.barrier barrier_id(%barrier3A)
    %run_scoped3A = arith.constant 0 : i32
    "tpu.region"() ({
      %run_scoped3A_53 = tpu.sem_alloc : memref<!tpu.dma_semaphore, #tpu.memory_space<semaphore_mem>>
      %dma_start3A_54 = arith.constant 0 : i32
      %dma_start3A_55 = tpu.memref_slice %arg3[%add3A, %run_scoped3A, %dma_start3A_54] : memref<32x80x128xi32, #tpu.memory_space<hbm>> -> memref<1x1x128xi32, #tpu.memory_space<hbm>>
      %dma_start3A_56 = tpu.memref_squeeze %dma_start3A_55 : memref<1x1x128xi32, #tpu.memory_space<hbm>> -> memref<128xi32, #tpu.memory_space<hbm>>
      %dma_start3A_57 = arith.constant 0 : i32
      %dma_start3A_58 = tpu.memref_slice %arg3[%add3A, %run_scoped3A, %dma_start3A_57] : memref<32x80x128xi32, #tpu.memory_space<hbm>> -> memref<1x1x128xi32, #tpu.memory_space<hbm>>
      %dma_start3A_59 = tpu.memref_squeeze %dma_start3A_58 : memref<1x1x128xi32, #tpu.memory_space<hbm>> -> memref<128xi32, #tpu.memory_space<hbm>>
      tpu.enqueue_dma source(%dma_start3A_59 : memref<128xi32, #tpu.memory_space<hbm>>) target(%arg6 : memref<128xi32, #tpu.memory_space<vmem>>) target_semaphore(%run_scoped3A_53 : memref<!tpu.dma_semaphore, #tpu.memory_space<semaphore_mem>>)
      %dma_wait3A = arith.constant 0 : i32
      %dma_wait3A_60 = tpu.memref_slice %arg3[%add3A, %run_scoped3A, %dma_wait3A] : memref<32x80x128xi32, #tpu.memory_space<hbm>> -> memref<1x1x128xi32, #tpu.memory_space<hbm>>
      %dma_wait3A_61 = tpu.memref_squeeze %dma_wait3A_60 : memref<1x1x128xi32, #tpu.memory_space<hbm>> -> memref<128xi32, #tpu.memory_space<hbm>>
      %dma_wait3A_62 = arith.constant 0 : i32
      %dma_wait3A_63 = tpu.memref_slice %arg3[%add3A, %run_scoped3A, %dma_wait3A_62] : memref<32x80x128xi32, #tpu.memory_space<hbm>> -> memref<1x1x128xi32, #tpu.memory_space<hbm>>
      %dma_wait3A_64 = tpu.memref_squeeze %dma_wait3A_63 : memref<1x1x128xi32, #tpu.memory_space<hbm>> -> memref<128xi32, #tpu.memory_space<hbm>>
      tpu.wait_dma2 semaphore(%run_scoped3A_53 : memref<!tpu.dma_semaphore, #tpu.memory_space<semaphore_mem>>) src(%dma_wait3A_64 : memref<128xi32, #tpu.memory_space<hbm>>) dst(%arg6 : memref<128xi32, #tpu.memory_space<vmem>>)
      tpu.yield
    }) : () -> ()
    %run_scoped3A_14 = arith.constant 0 : i32
    "tpu.region"() ({
      %run_scoped3A_53 = tpu.sem_alloc : memref<!tpu.dma_semaphore, #tpu.memory_space<semaphore_mem>>
      %dma_start3A_54 = arith.constant 0 : i32
      %dma_start3A_55 = tpu.memref_slice %arg4[%add3A, %run_scoped3A_14, %dma_start3A_54] : memref<32x80x128xi32, #tpu.memory_space<hbm>> -> memref<1x1x128xi32, #tpu.memory_space<hbm>>
      %dma_start3A_56 = tpu.memref_squeeze %dma_start3A_55 : memref<1x1x128xi32, #tpu.memory_space<hbm>> -> memref<128xi32, #tpu.memory_space<hbm>>
      %dma_start3A_57 = arith.constant 0 : i32
      %dma_start3A_58 = tpu.memref_slice %arg4[%add3A, %run_scoped3A_14, %dma_start3A_57] : memref<32x80x128xi32, #tpu.memory_space<hbm>> -> memref<1x1x128xi32, #tpu.memory_space<hbm>>
      %dma_start3A_59 = tpu.memref_squeeze %dma_start3A_58 : memref<1x1x128xi32, #tpu.memory_space<hbm>> -> memref<128xi32, #tpu.memory_space<hbm>>
      tpu.enqueue_dma source(%dma_start3A_59 : memref<128xi32, #tpu.memory_space<hbm>>) target(%arg8 : memref<128xi32, #tpu.memory_space<vmem>>) target_semaphore(%run_scoped3A_53 : memref<!tpu.dma_semaphore, #tpu.memory_space<semaphore_mem>>)
      %dma_wait3A = arith.constant 0 : i32
      %dma_wait3A_60 = tpu.memref_slice %arg4[%add3A, %run_scoped3A_14, %dma_wait3A] : memref<32x80x128xi32, #tpu.memory_space<hbm>> -> memref<1x1x128xi32, #tpu.memory_space<hbm>>
      %dma_wait3A_61 = tpu.memref_squeeze %dma_wait3A_60 : memref<1x1x128xi32, #tpu.memory_space<hbm>> -> memref<128xi32, #tpu.memory_space<hbm>>
      %dma_wait3A_62 = arith.constant 0 : i32
      %dma_wait3A_63 = tpu.memref_slice %arg4[%add3A, %run_scoped3A_14, %dma_wait3A_62] : memref<32x80x128xi32, #tpu.memory_space<hbm>> -> memref<1x1x128xi32, #tpu.memory_space<hbm>>
      %dma_wait3A_64 = tpu.memref_squeeze %dma_wait3A_63 : memref<1x1x128xi32, #tpu.memory_space<hbm>> -> memref<128xi32, #tpu.memory_space<hbm>>
      tpu.wait_dma2 semaphore(%run_scoped3A_53 : memref<!tpu.dma_semaphore, #tpu.memory_space<semaphore_mem>>) src(%dma_wait3A_64 : memref<128xi32, #tpu.memory_space<hbm>>) dst(%arg8 : memref<128xi32, #tpu.memory_space<vmem>>)
      tpu.yield
    }) : () -> ()
    %dma_start3A = arith.constant 0 : i32
    %dma_start3A_15 = arith.constant 0 : i32
    %dma_start3A_16 = tpu.memref_slice %arg2[%dma_start3A, %dma_start3A_15] : memref<10240x128xf32, #tpu.memory_space<hbm>> -> memref<10240x128xf32, #tpu.memory_space<hbm>>
    tpu.enqueue_indirect_dma source(%dma_start3A_16 : memref<10240x128xf32, #tpu.memory_space<hbm>>) target(%arg10 : memref<128x128xf32, #tpu.memory_space<vmem>>) offsets(%arg6 : memref<128xi32, #tpu.memory_space<vmem>>) semaphore(%arg15 : memref<!tpu.dma_semaphore, #tpu.memory_space<semaphore_mem>>)
    %run_scoped3A_17 = arith.constant 1 : i32
    "tpu.region"() ({
      %run_scoped3A_53 = tpu.sem_alloc : memref<!tpu.dma_semaphore, #tpu.memory_space<semaphore_mem>>
      %dma_start3A_54 = arith.constant 0 : i32
      %dma_start3A_55 = tpu.memref_slice %arg3[%add3A, %run_scoped3A_17, %dma_start3A_54] : memref<32x80x128xi32, #tpu.memory_space<hbm>> -> memref<1x1x128xi32, #tpu.memory_space<hbm>>
      %dma_start3A_56 = tpu.memref_squeeze %dma_start3A_55 : memref<1x1x128xi32, #tpu.memory_space<hbm>> -> memref<128xi32, #tpu.memory_space<hbm>>
      %dma_start3A_57 = arith.constant 0 : i32
      %dma_start3A_58 = tpu.memref_slice %arg3[%add3A, %run_scoped3A_17, %dma_start3A_57] : memref<32x80x128xi32, #tpu.memory_space<hbm>> -> memref<1x1x128xi32, #tpu.memory_space<hbm>>
      %dma_start3A_59 = tpu.memref_squeeze %dma_start3A_58 : memref<1x1x128xi32, #tpu.memory_space<hbm>> -> memref<128xi32, #tpu.memory_space<hbm>>
      tpu.enqueue_dma source(%dma_start3A_59 : memref<128xi32, #tpu.memory_space<hbm>>) target(%arg7 : memref<128xi32, #tpu.memory_space<vmem>>) target_semaphore(%run_scoped3A_53 : memref<!tpu.dma_semaphore, #tpu.memory_space<semaphore_mem>>)
      %dma_wait3A = arith.constant 0 : i32
      %dma_wait3A_60 = tpu.memref_slice %arg3[%add3A, %run_scoped3A_17, %dma_wait3A] : memref<32x80x128xi32, #tpu.memory_space<hbm>> -> memref<1x1x128xi32, #tpu.memory_space<hbm>>
      %dma_wait3A_61 = tpu.memref_squeeze %dma_wait3A_60 : memref<1x1x128xi32, #tpu.memory_space<hbm>> -> memref<128xi32, #tpu.memory_space<hbm>>
      %dma_wait3A_62 = arith.constant 0 : i32
      %dma_wait3A_63 = tpu.memref_slice %arg3[%add3A, %run_scoped3A_17, %dma_wait3A_62] : memref<32x80x128xi32, #tpu.memory_space<hbm>> -> memref<1x1x128xi32, #tpu.memory_space<hbm>>
      %dma_wait3A_64 = tpu.memref_squeeze %dma_wait3A_63 : memref<1x1x128xi32, #tpu.memory_space<hbm>> -> memref<128xi32, #tpu.memory_space<hbm>>
      tpu.wait_dma2 semaphore(%run_scoped3A_53 : memref<!tpu.dma_semaphore, #tpu.memory_space<semaphore_mem>>) src(%dma_wait3A_64 : memref<128xi32, #tpu.memory_space<hbm>>) dst(%arg7 : memref<128xi32, #tpu.memory_space<vmem>>)
      tpu.yield
    }) : () -> ()
    %run_scoped3A_18 = arith.constant 1 : i32
    "tpu.region"() ({
      %run_scoped3A_53 = tpu.sem_alloc : memref<!tpu.dma_semaphore, #tpu.memory_space<semaphore_mem>>
      %dma_start3A_54 = arith.constant 0 : i32
      %dma_start3A_55 = tpu.memref_slice %arg4[%add3A, %run_scoped3A_18, %dma_start3A_54] : memref<32x80x128xi32, #tpu.memory_space<hbm>> -> memref<1x1x128xi32, #tpu.memory_space<hbm>>
      %dma_start3A_56 = tpu.memref_squeeze %dma_start3A_55 : memref<1x1x128xi32, #tpu.memory_space<hbm>> -> memref<128xi32, #tpu.memory_space<hbm>>
      %dma_start3A_57 = arith.constant 0 : i32
      %dma_start3A_58 = tpu.memref_slice %arg4[%add3A, %run_scoped3A_18, %dma_start3A_57] : memref<32x80x128xi32, #tpu.memory_space<hbm>> -> memref<1x1x128xi32, #tpu.memory_space<hbm>>
      %dma_start3A_59 = tpu.memref_squeeze %dma_start3A_58 : memref<1x1x128xi32, #tpu.memory_space<hbm>> -> memref<128xi32, #tpu.memory_space<hbm>>
      tpu.enqueue_dma source(%dma_start3A_59 : memref<128xi32, #tpu.memory_space<hbm>>) target(%arg9 : memref<128xi32, #tpu.memory_space<vmem>>) target_semaphore(%run_scoped3A_53 : memref<!tpu.dma_semaphore, #tpu.memory_space<semaphore_mem>>)
      %dma_wait3A = arith.constant 0 : i32
      %dma_wait3A_60 = tpu.memref_slice %arg4[%add3A, %run_scoped3A_18, %dma_wait3A] : memref<32x80x128xi32, #tpu.memory_space<hbm>> -> memref<1x1x128xi32, #tpu.memory_space<hbm>>
      %dma_wait3A_61 = tpu.memref_squeeze %dma_wait3A_60 : memref<1x1x128xi32, #tpu.memory_space<hbm>> -> memref<128xi32, #tpu.memory_space<hbm>>
      %dma_wait3A_62 = arith.constant 0 : i32
      %dma_wait3A_63 = tpu.memref_slice %arg4[%add3A, %run_scoped3A_18, %dma_wait3A_62] : memref<32x80x128xi32, #tpu.memory_space<hbm>> -> memref<1x1x128xi32, #tpu.memory_space<hbm>>
      %dma_wait3A_64 = tpu.memref_squeeze %dma_wait3A_63 : memref<1x1x128xi32, #tpu.memory_space<hbm>> -> memref<128xi32, #tpu.memory_space<hbm>>
      tpu.wait_dma2 semaphore(%run_scoped3A_53 : memref<!tpu.dma_semaphore, #tpu.memory_space<semaphore_mem>>) src(%dma_wait3A_64 : memref<128xi32, #tpu.memory_space<hbm>>) dst(%arg9 : memref<128xi32, #tpu.memory_space<vmem>>)
      tpu.yield
    }) : () -> ()
    %dma_start3A_19 = arith.constant 0 : i32
    %dma_start3A_20 = arith.constant 0 : i32
    %dma_start3A_21 = tpu.memref_slice %arg2[%dma_start3A_19, %dma_start3A_20] : memref<10240x128xf32, #tpu.memory_space<hbm>> -> memref<10240x128xf32, #tpu.memory_space<hbm>>
    tpu.enqueue_indirect_dma source(%dma_start3A_21 : memref<10240x128xf32, #tpu.memory_space<hbm>>) target(%arg11 : memref<128x128xf32, #tpu.memory_space<vmem>>) offsets(%arg7 : memref<128xi32, #tpu.memory_space<vmem>>) semaphore(%arg16 : memref<!tpu.dma_semaphore, #tpu.memory_space<semaphore_mem>>)
    %scan3A_22 = arith.constant 0 : i32
    %scan3A_23 = arith.constant 0 : i32
    %scan3A_24 = arith.constant 40 : i32
    %scan3A_25 = arith.addi %scan3A_23, %scan3A_24 : i32
    %scan3A_26 = arith.constant 1 : i32
    %scan3A_27 = scf.for %scan3A_53 = %scan3A_23 to %scan3A_25 step %scan3A_26 iter_args(%scan3A_54 = %scan3A_22) -> (i32)  : i32 {
      %mul3A_55 = arith.constant 2 : i32
      %mul3A_56 = arith.muli %mul3A_55, %scan3A_53 : i32
      %dma_wait3A = arith.constant 0 : i32
      %dma_wait3A_57 = arith.constant 0 : i32
      %dma_wait3A_58 = tpu.memref_slice %arg2[%dma_wait3A, %dma_wait3A_57] : memref<10240x128xf32, #tpu.memory_space<hbm>> -> memref<10240x128xf32, #tpu.memory_space<hbm>>
      tpu.wait_indirect_dma semaphore(%arg15 : memref<!tpu.dma_semaphore, #tpu.memory_space<semaphore_mem>>) src(%dma_wait3A_58 : memref<10240x128xf32, #tpu.memory_space<hbm>>) dst(%arg10 : memref<128x128xf32, #tpu.memory_space<vmem>>)
      %get3A = arith.constant 0 : index
      %get3A_59 = tpu.vector_load %arg8[%get3A] {strides = array<i32>} : memref<128xi32, #tpu.memory_space<vmem>>, vector<16xi32>,
      %get3A_60 = vector.shape_cast %get3A_59 : vector<16xi32> to vector<16xi32>
      "tpu.region"() ({
        %run_scoped3A_121 = tpu.sem_alloc : memref<!tpu.dma_semaphore, #tpu.memory_space<semaphore_mem>>
        %dma_start3A_122 = arith.constant 0 : i32
        %dma_start3A_123 = arith.constant 0 : i32
        %dma_start3A_124 = tpu.memref_slice %arg10[%dma_start3A_122, %dma_start3A_123] : memref<128x128xf32, #tpu.memory_space<vmem>> -> memref<16x128xf32, #tpu.memory_space<vmem>>
        %dma_start3A_125 = arith.constant 0 : i32
        %dma_start3A_126 = arith.constant 0 : i32
        %dma_start3A_127 = tpu.memref_slice %arg14[%dma_start3A_125, %dma_start3A_126] : memref<10240x128xf32, #tpu.memory_space<vmem_shared>> -> memref<10240x128xf32, #tpu.memory_space<vmem_shared>>
        tpu.enqueue_indirect_dma source(%dma_start3A_124 : memref<16x128xf32, #tpu.memory_space<vmem>>) target(%dma_start3A_127 : memref<10240x128xf32, #tpu.memory_space<vmem_shared>>) offsets(%get3A_60 : vector<16xi32>) semaphore(%run_scoped3A_121 : memref<!tpu.dma_semaphore, #tpu.memory_space<semaphore_mem>>) {add = true}
        %dma_wait3A_128 = arith.constant 0 : i32
        %dma_wait3A_129 = arith.constant 0 : i32
        %dma_wait3A_130 = tpu.memref_slice %arg10[%dma_wait3A_128, %dma_wait3A_129] : memref<128x128xf32, #tpu.memory_space<vmem>> -> memref<16x128xf32, #tpu.memory_space<vmem>>
        %dma_wait3A_131 = arith.constant 0 : i32
        %dma_wait3A_132 = arith.constant 0 : i32
        %dma_wait3A_133 = tpu.memref_slice %arg14[%dma_wait3A_131, %dma_wait3A_132] : memref<10240x128xf32, #tpu.memory_space<vmem_shared>> -> memref<10240x128xf32, #tpu.memory_space<vmem_shared>>
        tpu.wait_indirect_dma semaphore(%run_scoped3A_121 : memref<!tpu.dma_semaphore, #tpu.memory_space<semaphore_mem>>) src(%dma_wait3A_130 : memref<16x128xf32, #tpu.memory_space<vmem>>) dst(%dma_wait3A_133 : memref<10240x128xf32, #tpu.memory_space<vmem_shared>>)
        tpu.yield
      }) : () -> ()
      %get3A_61 = arith.constant 16 : index
      %get3A_62 = tpu.vector_load %arg8[%get3A_61] {strides = array<i32>} : memref<128xi32, #tpu.memory_space<vmem>>, vector<16xi32>,
      %get3A_63 = vector.shape_cast %get3A_62 : vector<16xi32> to vector<16xi32>
      "tpu.region"() ({
        %run_scoped3A_121 = tpu.sem_alloc : memref<!tpu.dma_semaphore, #tpu.memory_space<semaphore_mem>>
        %dma_start3A_122 = arith.constant 16 : i32
        %dma_start3A_123 = arith.constant 0 : i32
        %dma_start3A_124 = tpu.memref_slice %arg10[%dma_start3A_122, %dma_start3A_123] : memref<128x128xf32, #tpu.memory_space<vmem>> -> memref<16x128xf32, #tpu.memory_space<vmem>>
        %dma_start3A_125 = arith.constant 0 : i32
        %dma_start3A_126 = arith.constant 0 : i32
        %dma_start3A_127 = tpu.memref_slice %arg14[%dma_start3A_125, %dma_start3A_126] : memref<10240x128xf32, #tpu.memory_space<vmem_shared>> -> memref<10240x128xf32, #tpu.memory_space<vmem_shared>>
        tpu.enqueue_indirect_dma source(%dma_start3A_124 : memref<16x128xf32, #tpu.memory_space<vmem>>) target(%dma_start3A_127 : memref<10240x128xf32, #tpu.memory_space<vmem_shared>>) offsets(%get3A_63 : vector<16xi32>) semaphore(%run_scoped3A_121 : memref<!tpu.dma_semaphore, #tpu.memory_space<semaphore_mem>>) {add = true}
        %dma_wait3A_128 = arith.constant 16 : i32
        %dma_wait3A_129 = arith.constant 0 : i32
        %dma_wait3A_130 = tpu.memref_slice %arg10[%dma_wait3A_128, %dma_wait3A_129] : memref<128x128xf32, #tpu.memory_space<vmem>> -> memref<16x128xf32, #tpu.memory_space<vmem>>
        %dma_wait3A_131 = arith.constant 0 : i32
        %dma_wait3A_132 = arith.constant 0 : i32
        %dma_wait3A_133 = tpu.memref_slice %arg14[%dma_wait3A_131, %dma_wait3A_132] : memref<10240x128xf32, #tpu.memory_space<vmem_shared>> -> memref<10240x128xf32, #tpu.memory_space<vmem_shared>>
        tpu.wait_indirect_dma semaphore(%run_scoped3A_121 : memref<!tpu.dma_semaphore, #tpu.memory_space<semaphore_mem>>) src(%dma_wait3A_130 : memref<16x128xf32, #tpu.memory_space<vmem>>) dst(%dma_wait3A_133 : memref<10240x128xf32, #tpu.memory_space<vmem_shared>>)
        tpu.yield
      }) : () -> ()
      %get3A_64 = arith.constant 32 : index
      %get3A_65 = tpu.vector_load %arg8[%get3A_64] {strides = array<i32>} : memref<128xi32, #tpu.memory_space<vmem>>, vector<16xi32>,
      %get3A_66 = vector.shape_cast %get3A_65 : vector<16xi32> to vector<16xi32>
      "tpu.region"() ({
        %run_scoped3A_121 = tpu.sem_alloc : memref<!tpu.dma_semaphore, #tpu.memory_space<semaphore_mem>>
        %dma_start3A_122 = arith.constant 32 : i32
        %dma_start3A_123 = arith.constant 0 : i32
        %dma_start3A_124 = tpu.memref_slice %arg10[%dma_start3A_122, %dma_start3A_123] : memref<128x128xf32, #tpu.memory_space<vmem>> -> memref<16x128xf32, #tpu.memory_space<vmem>>
        %dma_start3A_125 = arith.constant 0 : i32
        %dma_start3A_126 = arith.constant 0 : i32
        %dma_start3A_127 = tpu.memref_slice %arg14[%dma_start3A_125, %dma_start3A_126] : memref<10240x128xf32, #tpu.memory_space<vmem_shared>> -> memref<10240x128xf32, #tpu.memory_space<vmem_shared>>
        tpu.enqueue_indirect_dma source(%dma_start3A_124 : memref<16x128xf32, #tpu.memory_space<vmem>>) target(%dma_start3A_127 : memref<10240x128xf32, #tpu.memory_space<vmem_shared>>) offsets(%get3A_66 : vector<16xi32>) semaphore(%run_scoped3A_121 : memref<!tpu.dma_semaphore, #tpu.memory_space<semaphore_mem>>) {add = true}
        %dma_wait3A_128 = arith.constant 32 : i32
        %dma_wait3A_129 = arith.constant 0 : i32
        %dma_wait3A_130 = tpu.memref_slice %arg10[%dma_wait3A_128, %dma_wait3A_129] : memref<128x128xf32, #tpu.memory_space<vmem>> -> memref<16x128xf32, #tpu.memory_space<vmem>>
        %dma_wait3A_131 = arith.constant 0 : i32
        %dma_wait3A_132 = arith.constant 0 : i32
        %dma_wait3A_133 = tpu.memref_slice %arg14[%dma_wait3A_131, %dma_wait3A_132] : memref<10240x128xf32, #tpu.memory_space<vmem_shared>> -> memref<10240x128xf32, #tpu.memory_space<vmem_shared>>
        tpu.wait_indirect_dma semaphore(%run_scoped3A_121 : memref<!tpu.dma_semaphore, #tpu.memory_space<semaphore_mem>>) src(%dma_wait3A_130 : memref<16x128xf32, #tpu.memory_space<vmem>>) dst(%dma_wait3A_133 : memref<10240x128xf32, #tpu.memory_space<vmem_shared>>)
        tpu.yield
      }) : () -> ()
      %get3A_67 = arith.constant 48 : index
      %get3A_68 = tpu.vector_load %arg8[%get3A_67] {strides = array<i32>} : memref<128xi32, #tpu.memory_space<vmem>>, vector<16xi32>,
      %get3A_69 = vector.shape_cast %get3A_68 : vector<16xi32> to vector<16xi32>
      "tpu.region"() ({
        %run_scoped3A_121 = tpu.sem_alloc : memref<!tpu.dma_semaphore, #tpu.memory_space<semaphore_mem>>
        %dma_start3A_122 = arith.constant 48 : i32
        %dma_start3A_123 = arith.constant 0 : i32
        %dma_start3A_124 = tpu.memref_slice %arg10[%dma_start3A_122, %dma_start3A_123] : memref<128x128xf32, #tpu.memory_space<vmem>> -> memref<16x128xf32, #tpu.memory_space<vmem>>
        %dma_start3A_125 = arith.constant 0 : i32
        %dma_start3A_126 = arith.constant 0 : i32
        %dma_start3A_127 = tpu.memref_slice %arg14[%dma_start3A_125, %dma_start3A_126] : memref<10240x128xf32, #tpu.memory_space<vmem_shared>> -> memref<10240x128xf32, #tpu.memory_space<vmem_shared>>
        tpu.enqueue_indirect_dma source(%dma_start3A_124 : memref<16x128xf32, #tpu.memory_space<vmem>>) target(%dma_start3A_127 : memref<10240x128xf32, #tpu.memory_space<vmem_shared>>) offsets(%get3A_69 : vector<16xi32>) semaphore(%run_scoped3A_121 : memref<!tpu.dma_semaphore, #tpu.memory_space<semaphore_mem>>) {add = true}
        %dma_wait3A_128 = arith.constant 48 : i32
        %dma_wait3A_129 = arith.constant 0 : i32
        %dma_wait3A_130 = tpu.memref_slice %arg10[%dma_wait3A_128, %dma_wait3A_129] : memref<128x128xf32, #tpu.memory_space<vmem>> -> memref<16x128xf32, #tpu.memory_space<vmem>>
        %dma_wait3A_131 = arith.constant 0 : i32
        %dma_wait3A_132 = arith.constant 0 : i32
        %dma_wait3A_133 = tpu.memref_slice %arg14[%dma_wait3A_131, %dma_wait3A_132] : memref<10240x128xf32, #tpu.memory_space<vmem_shared>> -> memref<10240x128xf32, #tpu.memory_space<vmem_shared>>
        tpu.wait_indirect_dma semaphore(%run_scoped3A_121 : memref<!tpu.dma_semaphore, #tpu.memory_space<semaphore_mem>>) src(%dma_wait3A_130 : memref<16x128xf32, #tpu.memory_space<vmem>>) dst(%dma_wait3A_133 : memref<10240x128xf32, #tpu.memory_space<vmem_shared>>)
        tpu.yield
      }) : () -> ()
      %get3A_70 = arith.constant 64 : index
      %get3A_71 = tpu.vector_load %arg8[%get3A_70] {strides = array<i32>} : memref<128xi32, #tpu.memory_space<vmem>>, vector<16xi32>,
      %get3A_72 = vector.shape_cast %get3A_71 : vector<16xi32> to vector<16xi32>
      "tpu.region"() ({
        %run_scoped3A_121 = tpu.sem_alloc : memref<!tpu.dma_semaphore, #tpu.memory_space<semaphore_mem>>
        %dma_start3A_122 = arith.constant 64 : i32
        %dma_start3A_123 = arith.constant 0 : i32
        %dma_start3A_124 = tpu.memref_slice %arg10[%dma_start3A_122, %dma_start3A_123] : memref<128x128xf32, #tpu.memory_space<vmem>> -> memref<16x128xf32, #tpu.memory_space<vmem>>
        %dma_start3A_125 = arith.constant 0 : i32
        %dma_start3A_126 = arith.constant 0 : i32
        %dma_start3A_127 = tpu.memref_slice %arg14[%dma_start3A_125, %dma_start3A_126] : memref<10240x128xf32, #tpu.memory_space<vmem_shared>> -> memref<10240x128xf32, #tpu.memory_space<vmem_shared>>
        tpu.enqueue_indirect_dma source(%dma_start3A_124 : memref<16x128xf32, #tpu.memory_space<vmem>>) target(%dma_start3A_127 : memref<10240x128xf32, #tpu.memory_space<vmem_shared>>) offsets(%get3A_72 : vector<16xi32>) semaphore(%run_scoped3A_121 : memref<!tpu.dma_semaphore, #tpu.memory_space<semaphore_mem>>) {add = true}
        %dma_wait3A_128 = arith.constant 64 : i32
        %dma_wait3A_129 = arith.constant 0 : i32
        %dma_wait3A_130 = tpu.memref_slice %arg10[%dma_wait3A_128, %dma_wait3A_129] : memref<128x128xf32, #tpu.memory_space<vmem>> -> memref<16x128xf32, #tpu.memory_space<vmem>>
        %dma_wait3A_131 = arith.constant 0 : i32
        %dma_wait3A_132 = arith.constant 0 : i32
        %dma_wait3A_133 = tpu.memref_slice %arg14[%dma_wait3A_131, %dma_wait3A_132] : memref<10240x128xf32, #tpu.memory_space<vmem_shared>> -> memref<10240x128xf32, #tpu.memory_space<vmem_shared>>
        tpu.wait_indirect_dma semaphore(%run_scoped3A_121 : memref<!tpu.dma_semaphore, #tpu.memory_space<semaphore_mem>>) src(%dma_wait3A_130 : memref<16x128xf32, #tpu.memory_space<vmem>>) dst(%dma_wait3A_133 : memref<10240x128xf32, #tpu.memory_space<vmem_shared>>)
        tpu.yield
      }) : () -> ()
      %get3A_73 = arith.constant 80 : index
      %get3A_74 = tpu.vector_load %arg8[%get3A_73] {strides = array<i32>} : memref<128xi32, #tpu.memory_space<vmem>>, vector<16xi32>,
      %get3A_75 = vector.shape_cast %get3A_74 : vector<16xi32> to vector<16xi32>
      "tpu.region"() ({
        %run_scoped3A_121 = tpu.sem_alloc : memref<!tpu.dma_semaphore, #tpu.memory_space<semaphore_mem>>
        %dma_start3A_122 = arith.constant 80 : i32
        %dma_start3A_123 = arith.constant 0 : i32
        %dma_start3A_124 = tpu.memref_slice %arg10[%dma_start3A_122, %dma_start3A_123] : memref<128x128xf32, #tpu.memory_space<vmem>> -> memref<16x128xf32, #tpu.memory_space<vmem>>
        %dma_start3A_125 = arith.constant 0 : i32
        %dma_start3A_126 = arith.constant 0 : i32
        %dma_start3A_127 = tpu.memref_slice %arg14[%dma_start3A_125, %dma_start3A_126] : memref<10240x128xf32, #tpu.memory_space<vmem_shared>> -> memref<10240x128xf32, #tpu.memory_space<vmem_shared>>
        tpu.enqueue_indirect_dma source(%dma_start3A_124 : memref<16x128xf32, #tpu.memory_space<vmem>>) target(%dma_start3A_127 : memref<10240x128xf32, #tpu.memory_space<vmem_shared>>) offsets(%get3A_75 : vector<16xi32>) semaphore(%run_scoped3A_121 : memref<!tpu.dma_semaphore, #tpu.memory_space<semaphore_mem>>) {add = true}
        %dma_wait3A_128 = arith.constant 80 : i32
        %dma_wait3A_129 = arith.constant 0 : i32
        %dma_wait3A_130 = tpu.memref_slice %arg10[%dma_wait3A_128, %dma_wait3A_129] : memref<128x128xf32, #tpu.memory_space<vmem>> -> memref<16x128xf32, #tpu.memory_space<vmem>>
        %dma_wait3A_131 = arith.constant 0 : i32
        %dma_wait3A_132 = arith.constant 0 : i32
        %dma_wait3A_133 = tpu.memref_slice %arg14[%dma_wait3A_131, %dma_wait3A_132] : memref<10240x128xf32, #tpu.memory_space<vmem_shared>> -> memref<10240x128xf32, #tpu.memory_space<vmem_shared>>
        tpu.wait_indirect_dma semaphore(%run_scoped3A_121 : memref<!tpu.dma_semaphore, #tpu.memory_space<semaphore_mem>>) src(%dma_wait3A_130 : memref<16x128xf32, #tpu.memory_space<vmem>>) dst(%dma_wait3A_133 : memref<10240x128xf32, #tpu.memory_space<vmem_shared>>)
        tpu.yield
      }) : () -> ()
      %get3A_76 = arith.constant 96 : index
      %get3A_77 = tpu.vector_load %arg8[%get3A_76] {strides = array<i32>} : memref<128xi32, #tpu.memory_space<vmem>>, vector<16xi32>,
      %get3A_78 = vector.shape_cast %get3A_77 : vector<16xi32> to vector<16xi32>
      "tpu.region"() ({
        %run_scoped3A_121 = tpu.sem_alloc : memref<!tpu.dma_semaphore, #tpu.memory_space<semaphore_mem>>
        %dma_start3A_122 = arith.constant 96 : i32
        %dma_start3A_123 = arith.constant 0 : i32
        %dma_start3A_124 = tpu.memref_slice %arg10[%dma_start3A_122, %dma_start3A_123] : memref<128x128xf32, #tpu.memory_space<vmem>> -> memref<16x128xf32, #tpu.memory_space<vmem>>
        %dma_start3A_125 = arith.constant 0 : i32
        %dma_start3A_126 = arith.constant 0 : i32
        %dma_start3A_127 = tpu.memref_slice %arg14[%dma_start3A_125, %dma_start3A_126] : memref<10240x128xf32, #tpu.memory_space<vmem_shared>> -> memref<10240x128xf32, #tpu.memory_space<vmem_shared>>
        tpu.enqueue_indirect_dma source(%dma_start3A_124 : memref<16x128xf32, #tpu.memory_space<vmem>>) target(%dma_start3A_127 : memref<10240x128xf32, #tpu.memory_space<vmem_shared>>) offsets(%get3A_78 : vector<16xi32>) semaphore(%run_scoped3A_121 : memref<!tpu.dma_semaphore, #tpu.memory_space<semaphore_mem>>) {add = true}
        %dma_wait3A_128 = arith.constant 96 : i32
        %dma_wait3A_129 = arith.constant 0 : i32
        %dma_wait3A_130 = tpu.memref_slice %arg10[%dma_wait3A_128, %dma_wait3A_129] : memref<128x128xf32, #tpu.memory_space<vmem>> -> memref<16x128xf32, #tpu.memory_space<vmem>>
        %dma_wait3A_131 = arith.constant 0 : i32
        %dma_wait3A_132 = arith.constant 0 : i32
        %dma_wait3A_133 = tpu.memref_slice %arg14[%dma_wait3A_131, %dma_wait3A_132] : memref<10240x128xf32, #tpu.memory_space<vmem_shared>> -> memref<10240x128xf32, #tpu.memory_space<vmem_shared>>
        tpu.wait_indirect_dma semaphore(%run_scoped3A_121 : memref<!tpu.dma_semaphore, #tpu.memory_space<semaphore_mem>>) src(%dma_wait3A_130 : memref<16x128xf32, #tpu.memory_space<vmem>>) dst(%dma_wait3A_133 : memref<10240x128xf32, #tpu.memory_space<vmem_shared>>)
        tpu.yield
      }) : () -> ()
      %get3A_79 = arith.constant 112 : index
      %get3A_80 = tpu.vector_load %arg8[%get3A_79] {strides = array<i32>} : memref<128xi32, #tpu.memory_space<vmem>>, vector<16xi32>,
      %get3A_81 = vector.shape_cast %get3A_80 : vector<16xi32> to vector<16xi32>
      "tpu.region"() ({
        %run_scoped3A_121 = tpu.sem_alloc : memref<!tpu.dma_semaphore, #tpu.memory_space<semaphore_mem>>
        %dma_start3A_122 = arith.constant 112 : i32
        %dma_start3A_123 = arith.constant 0 : i32
        %dma_start3A_124 = tpu.memref_slice %arg10[%dma_start3A_122, %dma_start3A_123] : memref<128x128xf32, #tpu.memory_space<vmem>> -> memref<16x128xf32, #tpu.memory_space<vmem>>
        %dma_start3A_125 = arith.constant 0 : i32
        %dma_start3A_126 = arith.constant 0 : i32
        %dma_start3A_127 = tpu.memref_slice %arg14[%dma_start3A_125, %dma_start3A_126] : memref<10240x128xf32, #tpu.memory_space<vmem_shared>> -> memref<10240x128xf32, #tpu.memory_space<vmem_shared>>
        tpu.enqueue_indirect_dma source(%dma_start3A_124 : memref<16x128xf32, #tpu.memory_space<vmem>>) target(%dma_start3A_127 : memref<10240x128xf32, #tpu.memory_space<vmem_shared>>) offsets(%get3A_81 : vector<16xi32>) semaphore(%run_scoped3A_121 : memref<!tpu.dma_semaphore, #tpu.memory_space<semaphore_mem>>) {add = true}
        %dma_wait3A_128 = arith.constant 112 : i32
        %dma_wait3A_129 = arith.constant 0 : i32
        %dma_wait3A_130 = tpu.memref_slice %arg10[%dma_wait3A_128, %dma_wait3A_129] : memref<128x128xf32, #tpu.memory_space<vmem>> -> memref<16x128xf32, #tpu.memory_space<vmem>>
        %dma_wait3A_131 = arith.constant 0 : i32
        %dma_wait3A_132 = arith.constant 0 : i32
        %dma_wait3A_133 = tpu.memref_slice %arg14[%dma_wait3A_131, %dma_wait3A_132] : memref<10240x128xf32, #tpu.memory_space<vmem_shared>> -> memref<10240x128xf32, #tpu.memory_space<vmem_shared>>
        tpu.wait_indirect_dma semaphore(%run_scoped3A_121 : memref<!tpu.dma_semaphore, #tpu.memory_space<semaphore_mem>>) src(%dma_wait3A_130 : memref<16x128xf32, #tpu.memory_space<vmem>>) dst(%dma_wait3A_133 : memref<10240x128xf32, #tpu.memory_space<vmem_shared>>)
        tpu.yield
      }) : () -> ()
      %add3A_82 = arith.constant 2 : i32
      %add3A_83 = arith.addi %mul3A_56, %add3A_82 : i32
      %lt3A = arith.constant 80 : i32
      %lt3A_84 = arith.cmpi slt, %add3A_83, %lt3A : i32
      %convert_element_type3A = arith.extui %lt3A_84 : i1 to i32
      %cond3A = arith.constant 0 : i32
      %cond3A_85 = arith.cmpi ne, %convert_element_type3A, %cond3A : i32
      scf.if %cond3A_85 {
        %add3A_121 = arith.constant 2 : i32
        %add3A_122 = arith.addi %mul3A_56, %add3A_121 : i32
        "tpu.region"() ({
          %run_scoped3A_126 = tpu.sem_alloc : memref<!tpu.dma_semaphore, #tpu.memory_space<semaphore_mem>>
          %dma_start3A_127 = arith.constant 0 : i32
          %dma_start3A_128 = tpu.memref_slice %arg3[%add3A, %add3A_122, %dma_start3A_127] : memref<32x80x128xi32, #tpu.memory_space<hbm>> -> memref<1x1x128xi32, #tpu.memory_space<hbm>>
          %dma_start3A_129 = tpu.memref_squeeze %dma_start3A_128 : memref<1x1x128xi32, #tpu.memory_space<hbm>> -> memref<128xi32, #tpu.memory_space<hbm>>
          %dma_start3A_130 = arith.constant 0 : i32
          %dma_start3A_131 = tpu.memref_slice %arg3[%add3A, %add3A_122, %dma_start3A_130] : memref<32x80x128xi32, #tpu.memory_space<hbm>> -> memref<1x1x128xi32, #tpu.memory_space<hbm>>
          %dma_start3A_132 = tpu.memref_squeeze %dma_start3A_131 : memref<1x1x128xi32, #tpu.memory_space<hbm>> -> memref<128xi32, #tpu.memory_space<hbm>>
          tpu.enqueue_dma source(%dma_start3A_132 : memref<128xi32, #tpu.memory_space<hbm>>) target(%arg6 : memref<128xi32, #tpu.memory_space<vmem>>) target_semaphore(%run_scoped3A_126 : memref<!tpu.dma_semaphore, #tpu.memory_space<semaphore_mem>>)
          %dma_wait3A_133 = arith.constant 0 : i32
          %dma_wait3A_134 = tpu.memref_slice %arg3[%add3A, %add3A_122, %dma_wait3A_133] : memref<32x80x128xi32, #tpu.memory_space<hbm>> -> memref<1x1x128xi32, #tpu.memory_space<hbm>>
          %dma_wait3A_135 = tpu.memref_squeeze %dma_wait3A_134 : memref<1x1x128xi32, #tpu.memory_space<hbm>> -> memref<128xi32, #tpu.memory_space<hbm>>
          %dma_wait3A_136 = arith.constant 0 : i32
          %dma_wait3A_137 = tpu.memref_slice %arg3[%add3A, %add3A_122, %dma_wait3A_136] : memref<32x80x128xi32, #tpu.memory_space<hbm>> -> memref<1x1x128xi32, #tpu.memory_space<hbm>>
          %dma_wait3A_138 = tpu.memref_squeeze %dma_wait3A_137 : memref<1x1x128xi32, #tpu.memory_space<hbm>> -> memref<128xi32, #tpu.memory_space<hbm>>
          tpu.wait_dma2 semaphore(%run_scoped3A_126 : memref<!tpu.dma_semaphore, #tpu.memory_space<semaphore_mem>>) src(%dma_wait3A_138 : memref<128xi32, #tpu.memory_space<hbm>>) dst(%arg6 : memref<128xi32, #tpu.memory_space<vmem>>)
          tpu.yield
        }) : () -> ()
        "tpu.region"() ({
          %run_scoped3A_126 = tpu.sem_alloc : memref<!tpu.dma_semaphore, #tpu.memory_space<semaphore_mem>>
          %dma_start3A_127 = arith.constant 0 : i32
          %dma_start3A_128 = tpu.memref_slice %arg4[%add3A, %add3A_122, %dma_start3A_127] : memref<32x80x128xi32, #tpu.memory_space<hbm>> -> memref<1x1x128xi32, #tpu.memory_space<hbm>>
          %dma_start3A_129 = tpu.memref_squeeze %dma_start3A_128 : memref<1x1x128xi32, #tpu.memory_space<hbm>> -> memref<128xi32, #tpu.memory_space<hbm>>
          %dma_start3A_130 = arith.constant 0 : i32
          %dma_start3A_131 = tpu.memref_slice %arg4[%add3A, %add3A_122, %dma_start3A_130] : memref<32x80x128xi32, #tpu.memory_space<hbm>> -> memref<1x1x128xi32, #tpu.memory_space<hbm>>
          %dma_start3A_132 = tpu.memref_squeeze %dma_start3A_131 : memref<1x1x128xi32, #tpu.memory_space<hbm>> -> memref<128xi32, #tpu.memory_space<hbm>>
          tpu.enqueue_dma source(%dma_start3A_132 : memref<128xi32, #tpu.memory_space<hbm>>) target(%arg8 : memref<128xi32, #tpu.memory_space<vmem>>) target_semaphore(%run_scoped3A_126 : memref<!tpu.dma_semaphore, #tpu.memory_space<semaphore_mem>>)
          %dma_wait3A_133 = arith.constant 0 : i32
          %dma_wait3A_134 = tpu.memref_slice %arg4[%add3A, %add3A_122, %dma_wait3A_133] : memref<32x80x128xi32, #tpu.memory_space<hbm>> -> memref<1x1x128xi32, #tpu.memory_space<hbm>>
          %dma_wait3A_135 = tpu.memref_squeeze %dma_wait3A_134 : memref<1x1x128xi32, #tpu.memory_space<hbm>> -> memref<128xi32, #tpu.memory_space<hbm>>
          %dma_wait3A_136 = arith.constant 0 : i32
          %dma_wait3A_137 = tpu.memref_slice %arg4[%add3A, %add3A_122, %dma_wait3A_136] : memref<32x80x128xi32, #tpu.memory_space<hbm>> -> memref<1x1x128xi32, #tpu.memory_space<hbm>>
          %dma_wait3A_138 = tpu.memref_squeeze %dma_wait3A_137 : memref<1x1x128xi32, #tpu.memory_space<hbm>> -> memref<128xi32, #tpu.memory_space<hbm>>
          tpu.wait_dma2 semaphore(%run_scoped3A_126 : memref<!tpu.dma_semaphore, #tpu.memory_space<semaphore_mem>>) src(%dma_wait3A_138 : memref<128xi32, #tpu.memory_space<hbm>>) dst(%arg8 : memref<128xi32, #tpu.memory_space<vmem>>)
          tpu.yield
        }) : () -> ()
        %dma_start3A_123 = arith.constant 0 : i32
        %dma_start3A_124 = arith.constant 0 : i32
        %dma_start3A_125 = tpu.memref_slice %arg2[%dma_start3A_123, %dma_start3A_124] : memref<10240x128xf32, #tpu.memory_space<hbm>> -> memref<10240x128xf32, #tpu.memory_space<hbm>>
        tpu.enqueue_indirect_dma source(%dma_start3A_125 : memref<10240x128xf32, #tpu.memory_space<hbm>>) target(%arg10 : memref<128x128xf32, #tpu.memory_space<vmem>>) offsets(%arg6 : memref<128xi32, #tpu.memory_space<vmem>>) semaphore(%arg15 : memref<!tpu.dma_semaphore, #tpu.memory_space<semaphore_mem>>)
      } else {
      }
      %dma_wait3A_86 = arith.constant 0 : i32
      %dma_wait3A_87 = arith.constant 0 : i32
      %dma_wait3A_88 = tpu.memref_slice %arg2[%dma_wait3A_86, %dma_wait3A_87] : memref<10240x128xf32, #tpu.memory_space<hbm>> -> memref<10240x128xf32, #tpu.memory_space<hbm>>
      tpu.wait_indirect_dma semaphore(%arg16 : memref<!tpu.dma_semaphore, #tpu.memory_space<semaphore_mem>>) src(%dma_wait3A_88 : memref<10240x128xf32, #tpu.memory_space<hbm>>) dst(%arg11 : memref<128x128xf32, #tpu.memory_space<vmem>>)
      %get3A_89 = arith.constant 0 : index
      %get3A_90 = tpu.vector_load %arg9[%get3A_89] {strides = array<i32>} : memref<128xi32, #tpu.memory_space<vmem>>, vector<16xi32>,
      %get3A_91 = vector.shape_cast %get3A_90 : vector<16xi32> to vector<16xi32>
      "tpu.region"() ({
        %run_scoped3A_121 = tpu.sem_alloc : memref<!tpu.dma_semaphore, #tpu.memory_space<semaphore_mem>>
        %dma_start3A_122 = arith.constant 0 : i32
        %dma_start3A_123 = arith.constant 0 : i32
        %dma_start3A_124 = tpu.memref_slice %arg11[%dma_start3A_122, %dma_start3A_123] : memref<128x128xf32, #tpu.memory_space<vmem>> -> memref<16x128xf32, #tpu.memory_space<vmem>>
        %dma_start3A_125 = arith.constant 0 : i32
        %dma_start3A_126 = arith.constant 0 : i32
        %dma_start3A_127 = tpu.memref_slice %arg14[%dma_start3A_125, %dma_start3A_126] : memref<10240x128xf32, #tpu.memory_space<vmem_shared>> -> memref<10240x128xf32, #tpu.memory_space<vmem_shared>>
        tpu.enqueue_indirect_dma source(%dma_start3A_124 : memref<16x128xf32, #tpu.memory_space<vmem>>) target(%dma_start3A_127 : memref<10240x128xf32, #tpu.memory_space<vmem_shared>>) offsets(%get3A_91 : vector<16xi32>) semaphore(%run_scoped3A_121 : memref<!tpu.dma_semaphore, #tpu.memory_space<semaphore_mem>>) {add = true}
        %dma_wait3A_128 = arith.constant 0 : i32
        %dma_wait3A_129 = arith.constant 0 : i32
        %dma_wait3A_130 = tpu.memref_slice %arg11[%dma_wait3A_128, %dma_wait3A_129] : memref<128x128xf32, #tpu.memory_space<vmem>> -> memref<16x128xf32, #tpu.memory_space<vmem>>
        %dma_wait3A_131 = arith.constant 0 : i32
        %dma_wait3A_132 = arith.constant 0 : i32
        %dma_wait3A_133 = tpu.memref_slice %arg14[%dma_wait3A_131, %dma_wait3A_132] : memref<10240x128xf32, #tpu.memory_space<vmem_shared>> -> memref<10240x128xf32, #tpu.memory_space<vmem_shared>>
        tpu.wait_indirect_dma semaphore(%run_scoped3A_121 : memref<!tpu.dma_semaphore, #tpu.memory_space<semaphore_mem>>) src(%dma_wait3A_130 : memref<16x128xf32, #tpu.memory_space<vmem>>) dst(%dma_wait3A_133 : memref<10240x128xf32, #tpu.memory_space<vmem_shared>>)
        tpu.yield
      }) : () -> ()
      %get3A_92 = arith.constant 16 : index
      %get3A_93 = tpu.vector_load %arg9[%get3A_92] {strides = array<i32>} : memref<128xi32, #tpu.memory_space<vmem>>, vector<16xi32>,
      %get3A_94 = vector.shape_cast %get3A_93 : vector<16xi32> to vector<16xi32>
      "tpu.region"() ({
        %run_scoped3A_121 = tpu.sem_alloc : memref<!tpu.dma_semaphore, #tpu.memory_space<semaphore_mem>>
        %dma_start3A_122 = arith.constant 16 : i32
        %dma_start3A_123 = arith.constant 0 : i32
        %dma_start3A_124 = tpu.memref_slice %arg11[%dma_start3A_122, %dma_start3A_123] : memref<128x128xf32, #tpu.memory_space<vmem>> -> memref<16x128xf32, #tpu.memory_space<vmem>>
        %dma_start3A_125 = arith.constant 0 : i32
        %dma_start3A_126 = arith.constant 0 : i32
        %dma_start3A_127 = tpu.memref_slice %arg14[%dma_start3A_125, %dma_start3A_126] : memref<10240x128xf32, #tpu.memory_space<vmem_shared>> -> memref<10240x128xf32, #tpu.memory_space<vmem_shared>>
        tpu.enqueue_indirect_dma source(%dma_start3A_124 : memref<16x128xf32, #tpu.memory_space<vmem>>) target(%dma_start3A_127 : memref<10240x128xf32, #tpu.memory_space<vmem_shared>>) offsets(%get3A_94 : vector<16xi32>) semaphore(%run_scoped3A_121 : memref<!tpu.dma_semaphore, #tpu.memory_space<semaphore_mem>>) {add = true}
        %dma_wait3A_128 = arith.constant 16 : i32
        %dma_wait3A_129 = arith.constant 0 : i32
        %dma_wait3A_130 = tpu.memref_slice %arg11[%dma_wait3A_128, %dma_wait3A_129] : memref<128x128xf32, #tpu.memory_space<vmem>> -> memref<16x128xf32, #tpu.memory_space<vmem>>
        %dma_wait3A_131 = arith.constant 0 : i32
        %dma_wait3A_132 = arith.constant 0 : i32
        %dma_wait3A_133 = tpu.memref_slice %arg14[%dma_wait3A_131, %dma_wait3A_132] : memref<10240x128xf32, #tpu.memory_space<vmem_shared>> -> memref<10240x128xf32, #tpu.memory_space<vmem_shared>>
        tpu.wait_indirect_dma semaphore(%run_scoped3A_121 : memref<!tpu.dma_semaphore, #tpu.memory_space<semaphore_mem>>) src(%dma_wait3A_130 : memref<16x128xf32, #tpu.memory_space<vmem>>) dst(%dma_wait3A_133 : memref<10240x128xf32, #tpu.memory_space<vmem_shared>>)
        tpu.yield
      }) : () -> ()
      %get3A_95 = arith.constant 32 : index
      %get3A_96 = tpu.vector_load %arg9[%get3A_95] {strides = array<i32>} : memref<128xi32, #tpu.memory_space<vmem>>, vector<16xi32>,
      %get3A_97 = vector.shape_cast %get3A_96 : vector<16xi32> to vector<16xi32>
      "tpu.region"() ({
        %run_scoped3A_121 = tpu.sem_alloc : memref<!tpu.dma_semaphore, #tpu.memory_space<semaphore_mem>>
        %dma_start3A_122 = arith.constant 32 : i32
        %dma_start3A_123 = arith.constant 0 : i32
        %dma_start3A_124 = tpu.memref_slice %arg11[%dma_start3A_122, %dma_start3A_123] : memref<128x128xf32, #tpu.memory_space<vmem>> -> memref<16x128xf32, #tpu.memory_space<vmem>>
        %dma_start3A_125 = arith.constant 0 : i32
        %dma_start3A_126 = arith.constant 0 : i32
        %dma_start3A_127 = tpu.memref_slice %arg14[%dma_start3A_125, %dma_start3A_126] : memref<10240x128xf32, #tpu.memory_space<vmem_shared>> -> memref<10240x128xf32, #tpu.memory_space<vmem_shared>>
        tpu.enqueue_indirect_dma source(%dma_start3A_124 : memref<16x128xf32, #tpu.memory_space<vmem>>) target(%dma_start3A_127 : memref<10240x128xf32, #tpu.memory_space<vmem_shared>>) offsets(%get3A_97 : vector<16xi32>) semaphore(%run_scoped3A_121 : memref<!tpu.dma_semaphore, #tpu.memory_space<semaphore_mem>>) {add = true}
        %dma_wait3A_128 = arith.constant 32 : i32
        %dma_wait3A_129 = arith.constant 0 : i32
        %dma_wait3A_130 = tpu.memref_slice %arg11[%dma_wait3A_128, %dma_wait3A_129] : memref<128x128xf32, #tpu.memory_space<vmem>> -> memref<16x128xf32, #tpu.memory_space<vmem>>
        %dma_wait3A_131 = arith.constant 0 : i32
        %dma_wait3A_132 = arith.constant 0 : i32
        %dma_wait3A_133 = tpu.memref_slice %arg14[%dma_wait3A_131, %dma_wait3A_132] : memref<10240x128xf32, #tpu.memory_space<vmem_shared>> -> memref<10240x128xf32, #tpu.memory_space<vmem_shared>>
        tpu.wait_indirect_dma semaphore(%run_scoped3A_121 : memref<!tpu.dma_semaphore, #tpu.memory_space<semaphore_mem>>) src(%dma_wait3A_130 : memref<16x128xf32, #tpu.memory_space<vmem>>) dst(%dma_wait3A_133 : memref<10240x128xf32, #tpu.memory_space<vmem_shared>>)
        tpu.yield
      }) : () -> ()
      %get3A_98 = arith.constant 48 : index
      %get3A_99 = tpu.vector_load %arg9[%get3A_98] {strides = array<i32>} : memref<128xi32, #tpu.memory_space<vmem>>, vector<16xi32>,
      %get3A_100 = vector.shape_cast %get3A_99 : vector<16xi32> to vector<16xi32>
      "tpu.region"() ({
        %run_scoped3A_121 = tpu.sem_alloc : memref<!tpu.dma_semaphore, #tpu.memory_space<semaphore_mem>>
        %dma_start3A_122 = arith.constant 48 : i32
        %dma_start3A_123 = arith.constant 0 : i32
        %dma_start3A_124 = tpu.memref_slice %arg11[%dma_start3A_122, %dma_start3A_123] : memref<128x128xf32, #tpu.memory_space<vmem>> -> memref<16x128xf32, #tpu.memory_space<vmem>>
        %dma_start3A_125 = arith.constant 0 : i32
        %dma_start3A_126 = arith.constant 0 : i32
        %dma_start3A_127 = tpu.memref_slice %arg14[%dma_start3A_125, %dma_start3A_126] : memref<10240x128xf32, #tpu.memory_space<vmem_shared>> -> memref<10240x128xf32, #tpu.memory_space<vmem_shared>>
        tpu.enqueue_indirect_dma source(%dma_start3A_124 : memref<16x128xf32, #tpu.memory_space<vmem>>) target(%dma_start3A_127 : memref<10240x128xf32, #tpu.memory_space<vmem_shared>>) offsets(%get3A_100 : vector<16xi32>) semaphore(%run_scoped3A_121 : memref<!tpu.dma_semaphore, #tpu.memory_space<semaphore_mem>>) {add = true}
        %dma_wait3A_128 = arith.constant 48 : i32
        %dma_wait3A_129 = arith.constant 0 : i32
        %dma_wait3A_130 = tpu.memref_slice %arg11[%dma_wait3A_128, %dma_wait3A_129] : memref<128x128xf32, #tpu.memory_space<vmem>> -> memref<16x128xf32, #tpu.memory_space<vmem>>
        %dma_wait3A_131 = arith.constant 0 : i32
        %dma_wait3A_132 = arith.constant 0 : i32
        %dma_wait3A_133 = tpu.memref_slice %arg14[%dma_wait3A_131, %dma_wait3A_132] : memref<10240x128xf32, #tpu.memory_space<vmem_shared>> -> memref<10240x128xf32, #tpu.memory_space<vmem_shared>>
        tpu.wait_indirect_dma semaphore(%run_scoped3A_121 : memref<!tpu.dma_semaphore, #tpu.memory_space<semaphore_mem>>) src(%dma_wait3A_130 : memref<16x128xf32, #tpu.memory_space<vmem>>) dst(%dma_wait3A_133 : memref<10240x128xf32, #tpu.memory_space<vmem_shared>>)
        tpu.yield
      }) : () -> ()
      %get3A_101 = arith.constant 64 : index
      %get3A_102 = tpu.vector_load %arg9[%get3A_101] {strides = array<i32>} : memref<128xi32, #tpu.memory_space<vmem>>, vector<16xi32>,
      %get3A_103 = vector.shape_cast %get3A_102 : vector<16xi32> to vector<16xi32>
      "tpu.region"() ({
        %run_scoped3A_121 = tpu.sem_alloc : memref<!tpu.dma_semaphore, #tpu.memory_space<semaphore_mem>>
        %dma_start3A_122 = arith.constant 64 : i32
        %dma_start3A_123 = arith.constant 0 : i32
        %dma_start3A_124 = tpu.memref_slice %arg11[%dma_start3A_122, %dma_start3A_123] : memref<128x128xf32, #tpu.memory_space<vmem>> -> memref<16x128xf32, #tpu.memory_space<vmem>>
        %dma_start3A_125 = arith.constant 0 : i32
        %dma_start3A_126 = arith.constant 0 : i32
        %dma_start3A_127 = tpu.memref_slice %arg14[%dma_start3A_125, %dma_start3A_126] : memref<10240x128xf32, #tpu.memory_space<vmem_shared>> -> memref<10240x128xf32, #tpu.memory_space<vmem_shared>>
        tpu.enqueue_indirect_dma source(%dma_start3A_124 : memref<16x128xf32, #tpu.memory_space<vmem>>) target(%dma_start3A_127 : memref<10240x128xf32, #tpu.memory_space<vmem_shared>>) offsets(%get3A_103 : vector<16xi32>) semaphore(%run_scoped3A_121 : memref<!tpu.dma_semaphore, #tpu.memory_space<semaphore_mem>>) {add = true}
        %dma_wait3A_128 = arith.constant 64 : i32
        %dma_wait3A_129 = arith.constant 0 : i32
        %dma_wait3A_130 = tpu.memref_slice %arg11[%dma_wait3A_128, %dma_wait3A_129] : memref<128x128xf32, #tpu.memory_space<vmem>> -> memref<16x128xf32, #tpu.memory_space<vmem>>
        %dma_wait3A_131 = arith.constant 0 : i32
        %dma_wait3A_132 = arith.constant 0 : i32
        %dma_wait3A_133 = tpu.memref_slice %arg14[%dma_wait3A_131, %dma_wait3A_132] : memref<10240x128xf32, #tpu.memory_space<vmem_shared>> -> memref<10240x128xf32, #tpu.memory_space<vmem_shared>>
        tpu.wait_indirect_dma semaphore(%run_scoped3A_121 : memref<!tpu.dma_semaphore, #tpu.memory_space<semaphore_mem>>) src(%dma_wait3A_130 : memref<16x128xf32, #tpu.memory_space<vmem>>) dst(%dma_wait3A_133 : memref<10240x128xf32, #tpu.memory_space<vmem_shared>>)
        tpu.yield
      }) : () -> ()
      %get3A_104 = arith.constant 80 : index
      %get3A_105 = tpu.vector_load %arg9[%get3A_104] {strides = array<i32>} : memref<128xi32, #tpu.memory_space<vmem>>, vector<16xi32>,
      %get3A_106 = vector.shape_cast %get3A_105 : vector<16xi32> to vector<16xi32>
      "tpu.region"() ({
        %run_scoped3A_121 = tpu.sem_alloc : memref<!tpu.dma_semaphore, #tpu.memory_space<semaphore_mem>>
        %dma_start3A_122 = arith.constant 80 : i32
        %dma_start3A_123 = arith.constant 0 : i32
        %dma_start3A_124 = tpu.memref_slice %arg11[%dma_start3A_122, %dma_start3A_123] : memref<128x128xf32, #tpu.memory_space<vmem>> -> memref<16x128xf32, #tpu.memory_space<vmem>>
        %dma_start3A_125 = arith.constant 0 : i32
        %dma_start3A_126 = arith.constant 0 : i32
        %dma_start3A_127 = tpu.memref_slice %arg14[%dma_start3A_125, %dma_start3A_126] : memref<10240x128xf32, #tpu.memory_space<vmem_shared>> -> memref<10240x128xf32, #tpu.memory_space<vmem_shared>>
        tpu.enqueue_indirect_dma source(%dma_start3A_124 : memref<16x128xf32, #tpu.memory_space<vmem>>) target(%dma_start3A_127 : memref<10240x128xf32, #tpu.memory_space<vmem_shared>>) offsets(%get3A_106 : vector<16xi32>) semaphore(%run_scoped3A_121 : memref<!tpu.dma_semaphore, #tpu.memory_space<semaphore_mem>>) {add = true}
        %dma_wait3A_128 = arith.constant 80 : i32
        %dma_wait3A_129 = arith.constant 0 : i32
        %dma_wait3A_130 = tpu.memref_slice %arg11[%dma_wait3A_128, %dma_wait3A_129] : memref<128x128xf32, #tpu.memory_space<vmem>> -> memref<16x128xf32, #tpu.memory_space<vmem>>
        %dma_wait3A_131 = arith.constant 0 : i32
        %dma_wait3A_132 = arith.constant 0 : i32
        %dma_wait3A_133 = tpu.memref_slice %arg14[%dma_wait3A_131, %dma_wait3A_132] : memref<10240x128xf32, #tpu.memory_space<vmem_shared>> -> memref<10240x128xf32, #tpu.memory_space<vmem_shared>>
        tpu.wait_indirect_dma semaphore(%run_scoped3A_121 : memref<!tpu.dma_semaphore, #tpu.memory_space<semaphore_mem>>) src(%dma_wait3A_130 : memref<16x128xf32, #tpu.memory_space<vmem>>) dst(%dma_wait3A_133 : memref<10240x128xf32, #tpu.memory_space<vmem_shared>>)
        tpu.yield
      }) : () -> ()
      %get3A_107 = arith.constant 96 : index
      %get3A_108 = tpu.vector_load %arg9[%get3A_107] {strides = array<i32>} : memref<128xi32, #tpu.memory_space<vmem>>, vector<16xi32>,
      %get3A_109 = vector.shape_cast %get3A_108 : vector<16xi32> to vector<16xi32>
      "tpu.region"() ({
        %run_scoped3A_121 = tpu.sem_alloc : memref<!tpu.dma_semaphore, #tpu.memory_space<semaphore_mem>>
        %dma_start3A_122 = arith.constant 96 : i32
        %dma_start3A_123 = arith.constant 0 : i32
        %dma_start3A_124 = tpu.memref_slice %arg11[%dma_start3A_122, %dma_start3A_123] : memref<128x128xf32, #tpu.memory_space<vmem>> -> memref<16x128xf32, #tpu.memory_space<vmem>>
        %dma_start3A_125 = arith.constant 0 : i32
        %dma_start3A_126 = arith.constant 0 : i32
        %dma_start3A_127 = tpu.memref_slice %arg14[%dma_start3A_125, %dma_start3A_126] : memref<10240x128xf32, #tpu.memory_space<vmem_shared>> -> memref<10240x128xf32, #tpu.memory_space<vmem_shared>>
        tpu.enqueue_indirect_dma source(%dma_start3A_124 : memref<16x128xf32, #tpu.memory_space<vmem>>) target(%dma_start3A_127 : memref<10240x128xf32, #tpu.memory_space<vmem_shared>>) offsets(%get3A_109 : vector<16xi32>) semaphore(%run_scoped3A_121 : memref<!tpu.dma_semaphore, #tpu.memory_space<semaphore_mem>>) {add = true}
        %dma_wait3A_128 = arith.constant 96 : i32
        %dma_wait3A_129 = arith.constant 0 : i32
        %dma_wait3A_130 = tpu.memref_slice %arg11[%dma_wait3A_128, %dma_wait3A_129] : memref<128x128xf32, #tpu.memory_space<vmem>> -> memref<16x128xf32, #tpu.memory_space<vmem>>
        %dma_wait3A_131 = arith.constant 0 : i32
        %dma_wait3A_132 = arith.constant 0 : i32
        %dma_wait3A_133 = tpu.memref_slice %arg14[%dma_wait3A_131, %dma_wait3A_132] : memref<10240x128xf32, #tpu.memory_space<vmem_shared>> -> memref<10240x128xf32, #tpu.memory_space<vmem_shared>>
        tpu.wait_indirect_dma semaphore(%run_scoped3A_121 : memref<!tpu.dma_semaphore, #tpu.memory_space<semaphore_mem>>) src(%dma_wait3A_130 : memref<16x128xf32, #tpu.memory_space<vmem>>) dst(%dma_wait3A_133 : memref<10240x128xf32, #tpu.memory_space<vmem_shared>>)
        tpu.yield
      }) : () -> ()
      %get3A_110 = arith.constant 112 : index
      %get3A_111 = tpu.vector_load %arg9[%get3A_110] {strides = array<i32>} : memref<128xi32, #tpu.memory_space<vmem>>, vector<16xi32>,
      %get3A_112 = vector.shape_cast %get3A_111 : vector<16xi32> to vector<16xi32>
      "tpu.region"() ({
        %run_scoped3A_121 = tpu.sem_alloc : memref<!tpu.dma_semaphore, #tpu.memory_space<semaphore_mem>>
        %dma_start3A_122 = arith.constant 112 : i32
        %dma_start3A_123 = arith.constant 0 : i32
        %dma_start3A_124 = tpu.memref_slice %arg11[%dma_start3A_122, %dma_start3A_123] : memref<128x128xf32, #tpu.memory_space<vmem>> -> memref<16x128xf32, #tpu.memory_space<vmem>>
        %dma_start3A_125 = arith.constant 0 : i32
        %dma_start3A_126 = arith.constant 0 : i32
        %dma_start3A_127 = tpu.memref_slice %arg14[%dma_start3A_125, %dma_start3A_126] : memref<10240x128xf32, #tpu.memory_space<vmem_shared>> -> memref<10240x128xf32, #tpu.memory_space<vmem_shared>>
        tpu.enqueue_indirect_dma source(%dma_start3A_124 : memref<16x128xf32, #tpu.memory_space<vmem>>) target(%dma_start3A_127 : memref<10240x128xf32, #tpu.memory_space<vmem_shared>>) offsets(%get3A_112 : vector<16xi32>) semaphore(%run_scoped3A_121 : memref<!tpu.dma_semaphore, #tpu.memory_space<semaphore_mem>>) {add = true}
        %dma_wait3A_128 = arith.constant 112 : i32
        %dma_wait3A_129 = arith.constant 0 : i32
        %dma_wait3A_130 = tpu.memref_slice %arg11[%dma_wait3A_128, %dma_wait3A_129] : memref<128x128xf32, #tpu.memory_space<vmem>> -> memref<16x128xf32, #tpu.memory_space<vmem>>
        %dma_wait3A_131 = arith.constant 0 : i32
        %dma_wait3A_132 = arith.constant 0 : i32
        %dma_wait3A_133 = tpu.memref_slice %arg14[%dma_wait3A_131, %dma_wait3A_132] : memref<10240x128xf32, #tpu.memory_space<vmem_shared>> -> memref<10240x128xf32, #tpu.memory_space<vmem_shared>>
        tpu.wait_indirect_dma semaphore(%run_scoped3A_121 : memref<!tpu.dma_semaphore, #tpu.memory_space<semaphore_mem>>) src(%dma_wait3A_130 : memref<16x128xf32, #tpu.memory_space<vmem>>) dst(%dma_wait3A_133 : memref<10240x128xf32, #tpu.memory_space<vmem_shared>>)
        tpu.yield
      }) : () -> ()
      %add3A_113 = arith.constant 3 : i32
      %add3A_114 = arith.addi %mul3A_56, %add3A_113 : i32
      %lt3A_115 = arith.constant 80 : i32
      %lt3A_116 = arith.cmpi slt, %add3A_114, %lt3A_115 : i32
      %convert_element_type3A_117 = arith.extui %lt3A_116 : i1 to i32
      %cond3A_118 = arith.constant 0 : i32
      %cond3A_119 = arith.cmpi ne, %convert_element_type3A_117, %cond3A_118 : i32
      scf.if %cond3A_119 {
        %add3A_121 = arith.constant 3 : i32
        %add3A_122 = arith.addi %mul3A_56, %add3A_121 : i32
        "tpu.region"() ({
          %run_scoped3A_126 = tpu.sem_alloc : memref<!tpu.dma_semaphore, #tpu.memory_space<semaphore_mem>>
          %dma_start3A_127 = arith.constant 0 : i32
          %dma_start3A_128 = tpu.memref_slice %arg3[%add3A, %add3A_122, %dma_start3A_127] : memref<32x80x128xi32, #tpu.memory_space<hbm>> -> memref<1x1x128xi32, #tpu.memory_space<hbm>>
          %dma_start3A_129 = tpu.memref_squeeze %dma_start3A_128 : memref<1x1x128xi32, #tpu.memory_space<hbm>> -> memref<128xi32, #tpu.memory_space<hbm>>
          %dma_start3A_130 = arith.constant 0 : i32
          %dma_start3A_131 = tpu.memref_slice %arg3[%add3A, %add3A_122, %dma_start3A_130] : memref<32x80x128xi32, #tpu.memory_space<hbm>> -> memref<1x1x128xi32, #tpu.memory_space<hbm>>
          %dma_start3A_132 = tpu.memref_squeeze %dma_start3A_131 : memref<1x1x128xi32, #tpu.memory_space<hbm>> -> memref<128xi32, #tpu.memory_space<hbm>>
          tpu.enqueue_dma source(%dma_start3A_132 : memref<128xi32, #tpu.memory_space<hbm>>) target(%arg7 : memref<128xi32, #tpu.memory_space<vmem>>) target_semaphore(%run_scoped3A_126 : memref<!tpu.dma_semaphore, #tpu.memory_space<semaphore_mem>>)
          %dma_wait3A_133 = arith.constant 0 : i32
          %dma_wait3A_134 = tpu.memref_slice %arg3[%add3A, %add3A_122, %dma_wait3A_133] : memref<32x80x128xi32, #tpu.memory_space<hbm>> -> memref<1x1x128xi32, #tpu.memory_space<hbm>>
          %dma_wait3A_135 = tpu.memref_squeeze %dma_wait3A_134 : memref<1x1x128xi32, #tpu.memory_space<hbm>> -> memref<128xi32, #tpu.memory_space<hbm>>
          %dma_wait3A_136 = arith.constant 0 : i32
          %dma_wait3A_137 = tpu.memref_slice %arg3[%add3A, %add3A_122, %dma_wait3A_136] : memref<32x80x128xi32, #tpu.memory_space<hbm>> -> memref<1x1x128xi32, #tpu.memory_space<hbm>>
          %dma_wait3A_138 = tpu.memref_squeeze %dma_wait3A_137 : memref<1x1x128xi32, #tpu.memory_space<hbm>> -> memref<128xi32, #tpu.memory_space<hbm>>
          tpu.wait_dma2 semaphore(%run_scoped3A_126 : memref<!tpu.dma_semaphore, #tpu.memory_space<semaphore_mem>>) src(%dma_wait3A_138 : memref<128xi32, #tpu.memory_space<hbm>>) dst(%arg7 : memref<128xi32, #tpu.memory_space<vmem>>)
          tpu.yield
        }) : () -> ()
        "tpu.region"() ({
          %run_scoped3A_126 = tpu.sem_alloc : memref<!tpu.dma_semaphore, #tpu.memory_space<semaphore_mem>>
          %dma_start3A_127 = arith.constant 0 : i32
          %dma_start3A_128 = tpu.memref_slice %arg4[%add3A, %add3A_122, %dma_start3A_127] : memref<32x80x128xi32, #tpu.memory_space<hbm>> -> memref<1x1x128xi32, #tpu.memory_space<hbm>>
          %dma_start3A_129 = tpu.memref_squeeze %dma_start3A_128 : memref<1x1x128xi32, #tpu.memory_space<hbm>> -> memref<128xi32, #tpu.memory_space<hbm>>
          %dma_start3A_130 = arith.constant 0 : i32
          %dma_start3A_131 = tpu.memref_slice %arg4[%add3A, %add3A_122, %dma_start3A_130] : memref<32x80x128xi32, #tpu.memory_space<hbm>> -> memref<1x1x128xi32, #tpu.memory_space<hbm>>
          %dma_start3A_132 = tpu.memref_squeeze %dma_start3A_131 : memref<1x1x128xi32, #tpu.memory_space<hbm>> -> memref<128xi32, #tpu.memory_space<hbm>>
          tpu.enqueue_dma source(%dma_start3A_132 : memref<128xi32, #tpu.memory_space<hbm>>) target(%arg9 : memref<128xi32, #tpu.memory_space<vmem>>) target_semaphore(%run_scoped3A_126 : memref<!tpu.dma_semaphore, #tpu.memory_space<semaphore_mem>>)
          %dma_wait3A_133 = arith.constant 0 : i32
          %dma_wait3A_134 = tpu.memref_slice %arg4[%add3A, %add3A_122, %dma_wait3A_133] : memref<32x80x128xi32, #tpu.memory_space<hbm>> -> memref<1x1x128xi32, #tpu.memory_space<hbm>>
          %dma_wait3A_135 = tpu.memref_squeeze %dma_wait3A_134 : memref<1x1x128xi32, #tpu.memory_space<hbm>> -> memref<128xi32, #tpu.memory_space<hbm>>
          %dma_wait3A_136 = arith.constant 0 : i32
          %dma_wait3A_137 = tpu.memref_slice %arg4[%add3A, %add3A_122, %dma_wait3A_136] : memref<32x80x128xi32, #tpu.memory_space<hbm>> -> memref<1x1x128xi32, #tpu.memory_space<hbm>>
          %dma_wait3A_138 = tpu.memref_squeeze %dma_wait3A_137 : memref<1x1x128xi32, #tpu.memory_space<hbm>> -> memref<128xi32, #tpu.memory_space<hbm>>
          tpu.wait_dma2 semaphore(%run_scoped3A_126 : memref<!tpu.dma_semaphore, #tpu.memory_space<semaphore_mem>>) src(%dma_wait3A_138 : memref<128xi32, #tpu.memory_space<hbm>>) dst(%arg9 : memref<128xi32, #tpu.memory_space<vmem>>)
          tpu.yield
        }) : () -> ()
        %dma_start3A_123 = arith.constant 0 : i32
        %dma_start3A_124 = arith.constant 0 : i32
        %dma_start3A_125 = tpu.memref_slice %arg2[%dma_start3A_123, %dma_start3A_124] : memref<10240x128xf32, #tpu.memory_space<hbm>> -> memref<10240x128xf32, #tpu.memory_space<hbm>>
        tpu.enqueue_indirect_dma source(%dma_start3A_125 : memref<10240x128xf32, #tpu.memory_space<hbm>>) target(%arg11 : memref<128x128xf32, #tpu.memory_space<vmem>>) offsets(%arg7 : memref<128xi32, #tpu.memory_space<vmem>>) semaphore(%arg16 : memref<!tpu.dma_semaphore, #tpu.memory_space<semaphore_mem>>)
      } else {
      }
      %scan3A_120 = arith.constant 0 : i32
      scf.yield %scan3A_120 : i32
    }
    %scan3A_28 = arith.constant 40 : i32
    %barrier3A_29 = arith.constant 0 : index
    tpu.barrier barrier_id(%barrier3A_29)
    %mul3A_30 = arith.constant 640 : i32
    %mul3A_31 = arith.muli %arg1, %mul3A_30 : i32
    %add3A_32 = vector.broadcast %mul3A_31 : i32 to vector<16xi32>
    %add3A_33 = arith.addi %add3A_32, %iota3A : vector<16xi32>
    %dma_start3A_34 = arith.constant 0 : i32
    %dma_start3A_35 = arith.constant 0 : i32
    %dma_start3A_36 = tpu.memref_slice %arg14[%dma_start3A_34, %dma_start3A_35] : memref<10240x128xf32, #tpu.memory_space<vmem_shared>> -> memref<10240x128xf32, #tpu.memory_space<vmem_shared>>
    tpu.enqueue_indirect_dma source(%dma_start3A_36 : memref<10240x128xf32, #tpu.memory_space<vmem_shared>>) target(%arg12 : memref<16x128xf32, #tpu.memory_space<vmem>>) offsets(%add3A_33 : vector<16xi32>) semaphore(%arg17 : memref<!tpu.dma_semaphore, #tpu.memory_space<semaphore_mem>>)
    %mul3A_37 = arith.constant 640 : i32
    %mul3A_38 = arith.muli %arg1, %mul3A_37 : i32
    %add3A_39 = arith.constant 16 : i32
    %add3A_40 = arith.addi %mul3A_38, %add3A_39 : i32
    %add3A_41 = vector.broadcast %add3A_40 : i32 to vector<16xi32>
    %add3A_42 = arith.addi %add3A_41, %iota3A : vector<16xi32>
    %dma_start3A_43 = arith.constant 0 : i32
    %dma_start3A_44 = arith.constant 0 : i32
    %dma_start3A_45 = tpu.memref_slice %arg14[%dma_start3A_43, %dma_start3A_44] : memref<10240x128xf32, #tpu.memory_space<vmem_shared>> -> memref<10240x128xf32, #tpu.memory_space<vmem_shared>>
    tpu.enqueue_indirect_dma source(%dma_start3A_45 : memref<10240x128xf32, #tpu.memory_space<vmem_shared>>) target(%arg13 : memref<16x128xf32, #tpu.memory_space<vmem>>) offsets(%add3A_42 : vector<16xi32>) semaphore(%arg18 : memref<!tpu.dma_semaphore, #tpu.memory_space<semaphore_mem>>)
    %scan3A_46 = arith.constant 0 : i32
    %scan3A_47 = arith.constant 0 : i32
    %scan3A_48 = arith.constant 20 : i32
    %scan3A_49 = arith.addi %scan3A_47, %scan3A_48 : i32
    %scan3A_50 = arith.constant 1 : i32
    %scan3A_51 = scf.for %scan3A_53 = %scan3A_47 to %scan3A_49 step %scan3A_50 iter_args(%scan3A_54 = %scan3A_46) -> (i32)  : i32 {
      %mul3A_55 = arith.constant 2 : i32
      %mul3A_56 = arith.muli %mul3A_55, %scan3A_53 : i32
      %mul3A_57 = arith.constant 640 : i32
      %mul3A_58 = arith.muli %arg1, %mul3A_57 : i32
      %add3A_59 = vector.broadcast %mul3A_58 : i32 to vector<16xi32>
      %add3A_60 = arith.addi %add3A_59, %iota3A : vector<16xi32>
      %dma_wait3A = arith.constant 0 : i32
      %dma_wait3A_61 = arith.constant 0 : i32
      %dma_wait3A_62 = tpu.memref_slice %arg14[%dma_wait3A, %dma_wait3A_61] : memref<10240x128xf32, #tpu.memory_space<vmem_shared>> -> memref<10240x128xf32, #tpu.memory_space<vmem_shared>>
      tpu.wait_indirect_dma semaphore(%arg17 : memref<!tpu.dma_semaphore, #tpu.memory_space<semaphore_mem>>) src(%dma_wait3A_62 : memref<10240x128xf32, #tpu.memory_space<vmem_shared>>) dst(%arg12 : memref<16x128xf32, #tpu.memory_space<vmem>>)
      %mul3A_63 = arith.constant 640 : i32
      %mul3A_64 = arith.muli %arg1, %mul3A_63 : i32
      %mul3A_65 = arith.constant 16 : i32
      %mul3A_66 = arith.muli %mul3A_56, %mul3A_65 : i32
      %add3A_67 = arith.addi %mul3A_64, %mul3A_66 : i32
      "tpu.region"() ({
        %run_scoped3A_94 = tpu.sem_alloc : memref<!tpu.dma_semaphore, #tpu.memory_space<semaphore_mem>>
        %dma_start3A_95 = arith.constant 0 : i32
        %dma_start3A_96 = tpu.memref_slice %arg5[%arg0, %add3A_67, %dma_start3A_95] : memref<2x10240x128xf32, #tpu.memory_space<hbm>> -> memref<1x16x128xf32, #tpu.memory_space<hbm>>
        %dma_start3A_97 = tpu.memref_squeeze %dma_start3A_96 : memref<1x16x128xf32, #tpu.memory_space<hbm>> -> memref<16x128xf32, #tpu.memory_space<hbm>>
        %dma_start3A_98 = arith.constant 0 : i32
        %dma_start3A_99 = tpu.memref_slice %arg5[%arg0, %add3A_67, %dma_start3A_98] : memref<2x10240x128xf32, #tpu.memory_space<hbm>> -> memref<1x16x128xf32, #tpu.memory_space<hbm>>
        %dma_start3A_100 = tpu.memref_squeeze %dma_start3A_99 : memref<1x16x128xf32, #tpu.memory_space<hbm>> -> memref<16x128xf32, #tpu.memory_space<hbm>>
        tpu.enqueue_dma source(%arg12 : memref<16x128xf32, #tpu.memory_space<vmem>>) target(%dma_start3A_100 : memref<16x128xf32, #tpu.memory_space<hbm>>) target_semaphore(%run_scoped3A_94 : memref<!tpu.dma_semaphore, #tpu.memory_space<semaphore_mem>>)
        %dma_wait3A_101 = arith.constant 0 : i32
        %dma_wait3A_102 = tpu.memref_slice %arg5[%arg0, %add3A_67, %dma_wait3A_101] : memref<2x10240x128xf32, #tpu.memory_space<hbm>> -> memref<1x16x128xf32, #tpu.memory_space<hbm>>
        %dma_wait3A_103 = tpu.memref_squeeze %dma_wait3A_102 : memref<1x16x128xf32, #tpu.memory_space<hbm>> -> memref<16x128xf32, #tpu.memory_space<hbm>>
        %dma_wait3A_104 = arith.constant 0 : i32
        %dma_wait3A_105 = tpu.memref_slice %arg5[%arg0, %add3A_67, %dma_wait3A_104] : memref<2x10240x128xf32, #tpu.memory_space<hbm>> -> memref<1x16x128xf32, #tpu.memory_space<hbm>>
        %dma_wait3A_106 = tpu.memref_squeeze %dma_wait3A_105 : memref<1x16x128xf32, #tpu.memory_space<hbm>> -> memref<16x128xf32, #tpu.memory_space<hbm>>
        tpu.wait_dma2 semaphore(%run_scoped3A_94 : memref<!tpu.dma_semaphore, #tpu.memory_space<semaphore_mem>>) src(%arg12 : memref<16x128xf32, #tpu.memory_space<vmem>>) dst(%dma_wait3A_106 : memref<16x128xf32, #tpu.memory_space<hbm>>)
        tpu.yield
      }) : () -> ()
      %add3A_68 = arith.constant 2 : i32
      %add3A_69 = arith.addi %mul3A_56, %add3A_68 : i32
      %lt3A = arith.constant 40 : i32
      %lt3A_70 = arith.cmpi slt, %add3A_69, %lt3A : i32
      %convert_element_type3A = arith.extui %lt3A_70 : i1 to i32
      %cond3A = arith.constant 0 : i32
      %cond3A_71 = arith.cmpi ne, %convert_element_type3A, %cond3A : i32
      scf.if %cond3A_71 {
        %mul3A_94 = arith.constant 640 : i32
        %mul3A_95 = arith.muli %arg1, %mul3A_94 : i32
        %add3A_96 = arith.constant 2 : i32
        %add3A_97 = arith.addi %mul3A_56, %add3A_96 : i32
        %mul3A_98 = arith.constant 16 : i32
        %mul3A_99 = arith.muli %add3A_97, %mul3A_98 : i32
        %add3A_100 = arith.addi %mul3A_95, %mul3A_99 : i32
        %add3A_101 = vector.broadcast %add3A_100 : i32 to vector<16xi32>
        %add3A_102 = arith.addi %add3A_101, %iota3A : vector<16xi32>
        %dma_start3A_103 = arith.constant 0 : i32
        %dma_start3A_104 = arith.constant 0 : i32
        %dma_start3A_105 = tpu.memref_slice %arg14[%dma_start3A_103, %dma_start3A_104] : memref<10240x128xf32, #tpu.memory_space<vmem_shared>> -> memref<10240x128xf32, #tpu.memory_space<vmem_shared>>
        tpu.enqueue_indirect_dma source(%dma_start3A_105 : memref<10240x128xf32, #tpu.memory_space<vmem_shared>>) target(%arg12 : memref<16x128xf32, #tpu.memory_space<vmem>>) offsets(%add3A_102 : vector<16xi32>) semaphore(%arg17 : memref<!tpu.dma_semaphore, #tpu.memory_space<semaphore_mem>>)
      } else {
      }
      %mul3A_72 = arith.constant 640 : i32
      %mul3A_73 = arith.muli %arg1, %mul3A_72 : i32
      %add3A_74 = vector.broadcast %mul3A_73 : i32 to vector<16xi32>
      %add3A_75 = arith.addi %add3A_74, %iota3A : vector<16xi32>
      %dma_wait3A_76 = arith.constant 0 : i32
      %dma_wait3A_77 = arith.constant 0 : i32
      %dma_wait3A_78 = tpu.memref_slice %arg14[%dma_wait3A_76, %dma_wait3A_77] : memref<10240x128xf32, #tpu.memory_space<vmem_shared>> -> memref<10240x128xf32, #tpu.memory_space<vmem_shared>>
      tpu.wait_indirect_dma semaphore(%arg18 : memref<!tpu.dma_semaphore, #tpu.memory_space<semaphore_mem>>) src(%dma_wait3A_78 : memref<10240x128xf32, #tpu.memory_space<vmem_shared>>) dst(%arg13 : memref<16x128xf32, #tpu.memory_space<vmem>>)
      %mul3A_79 = arith.constant 640 : i32
      %mul3A_80 = arith.muli %arg1, %mul3A_79 : i32
      %add3A_81 = arith.constant 1 : i32
      %add3A_82 = arith.addi %mul3A_56, %add3A_81 : i32
      %mul3A_83 = arith.constant 16 : i32
      %mul3A_84 = arith.muli %add3A_82, %mul3A_83 : i32
      %add3A_85 = arith.addi %mul3A_80, %mul3A_84 : i32
      "tpu.region"() ({
        %run_scoped3A_94 = tpu.sem_alloc : memref<!tpu.dma_semaphore, #tpu.memory_space<semaphore_mem>>
        %dma_start3A_95 = arith.constant 0 : i32
        %dma_start3A_96 = tpu.memref_slice %arg5[%arg0, %add3A_85, %dma_start3A_95] : memref<2x10240x128xf32, #tpu.memory_space<hbm>> -> memref<1x16x128xf32, #tpu.memory_space<hbm>>
        %dma_start3A_97 = tpu.memref_squeeze %dma_start3A_96 : memref<1x16x128xf32, #tpu.memory_space<hbm>> -> memref<16x128xf32, #tpu.memory_space<hbm>>
        %dma_start3A_98 = arith.constant 0 : i32
        %dma_start3A_99 = tpu.memref_slice %arg5[%arg0, %add3A_85, %dma_start3A_98] : memref<2x10240x128xf32, #tpu.memory_space<hbm>> -> memref<1x16x128xf32, #tpu.memory_space<hbm>>
        %dma_start3A_100 = tpu.memref_squeeze %dma_start3A_99 : memref<1x16x128xf32, #tpu.memory_space<hbm>> -> memref<16x128xf32, #tpu.memory_space<hbm>>
        tpu.enqueue_dma source(%arg13 : memref<16x128xf32, #tpu.memory_space<vmem>>) target(%dma_start3A_100 : memref<16x128xf32, #tpu.memory_space<hbm>>) target_semaphore(%run_scoped3A_94 : memref<!tpu.dma_semaphore, #tpu.memory_space<semaphore_mem>>)
        %dma_wait3A_101 = arith.constant 0 : i32
        %dma_wait3A_102 = tpu.memref_slice %arg5[%arg0, %add3A_85, %dma_wait3A_101] : memref<2x10240x128xf32, #tpu.memory_space<hbm>> -> memref<1x16x128xf32, #tpu.memory_space<hbm>>
        %dma_wait3A_103 = tpu.memref_squeeze %dma_wait3A_102 : memref<1x16x128xf32, #tpu.memory_space<hbm>> -> memref<16x128xf32, #tpu.memory_space<hbm>>
        %dma_wait3A_104 = arith.constant 0 : i32
        %dma_wait3A_105 = tpu.memref_slice %arg5[%arg0, %add3A_85, %dma_wait3A_104] : memref<2x10240x128xf32, #tpu.memory_space<hbm>> -> memref<1x16x128xf32, #tpu.memory_space<hbm>>
        %dma_wait3A_106 = tpu.memref_squeeze %dma_wait3A_105 : memref<1x16x128xf32, #tpu.memory_space<hbm>> -> memref<16x128xf32, #tpu.memory_space<hbm>>
        tpu.wait_dma2 semaphore(%run_scoped3A_94 : memref<!tpu.dma_semaphore, #tpu.memory_space<semaphore_mem>>) src(%arg13 : memref<16x128xf32, #tpu.memory_space<vmem>>) dst(%dma_wait3A_106 : memref<16x128xf32, #tpu.memory_space<hbm>>)
        tpu.yield
      }) : () -> ()
      %add3A_86 = arith.constant 3 : i32
      %add3A_87 = arith.addi %mul3A_56, %add3A_86 : i32
      %lt3A_88 = arith.constant 40 : i32
      %lt3A_89 = arith.cmpi slt, %add3A_87, %lt3A_88 : i32
      %convert_element_type3A_90 = arith.extui %lt3A_89 : i1 to i32
      %cond3A_91 = arith.constant 0 : i32
      %cond3A_92 = arith.cmpi ne, %convert_element_type3A_90, %cond3A_91 : i32
      scf.if %cond3A_92 {
        %mul3A_94 = arith.constant 640 : i32
        %mul3A_95 = arith.muli %arg1, %mul3A_94 : i32
        %add3A_96 = arith.constant 3 : i32
        %add3A_97 = arith.addi %mul3A_56, %add3A_96 : i32
        %mul3A_98 = arith.constant 16 : i32
        %mul3A_99 = arith.muli %add3A_97, %mul3A_98 : i32
        %add3A_100 = arith.addi %mul3A_95, %mul3A_99 : i32
        %add3A_101 = vector.broadcast %add3A_100 : i32 to vector<16xi32>
        %add3A_102 = arith.addi %add3A_101, %iota3A : vector<16xi32>
        %dma_start3A_103 = arith.constant 0 : i32
        %dma_start3A_104 = arith.constant 0 : i32
        %dma_start3A_105 = tpu.memref_slice %arg14[%dma_start3A_103, %dma_start3A_104] : memref<10240x128xf32, #tpu.memory_space<vmem_shared>> -> memref<10240x128xf32, #tpu.memory_space<vmem_shared>>
        tpu.enqueue_indirect_dma source(%dma_start3A_105 : memref<10240x128xf32, #tpu.memory_space<vmem_shared>>) target(%arg13 : memref<16x128xf32, #tpu.memory_space<vmem>>) offsets(%add3A_102 : vector<16xi32>) semaphore(%arg18 : memref<!tpu.dma_semaphore, #tpu.memory_space<semaphore_mem>>)
      } else {
      }
      %scan3A_93 = arith.constant 0 : i32
      scf.yield %scan3A_93 : i32
    }
    %scan3A_52 = arith.constant 20 : i32
    return
  }
}

#map = affine_map<(d0, d1) -> (0, 0, 0)>
module attributes {stable_mosaic.version = 14 : i64} {
  func.func @_deg_kernel(%arg0: i32, %arg1: i32, %arg2: memref<32x640x16xi32, #tpu.memory_space<hbm>>, %arg3: memref<2x10240x16xf32, #tpu.memory_space<hbm>>, %arg4: memref<640x16xi32, #tpu.memory_space<vmem>>, %arg5: memref<16x16xf32, #tpu.memory_space<vmem>>, %arg6: memref<16x16xf32, #tpu.memory_space<vmem>>, %arg7: memref<10240x16xf32, #tpu.memory_space<vmem_shared>>, %arg8: memref<!tpu.dma_semaphore, #tpu.memory_space<semaphore_mem>>) attributes {dimension_semantics = [#tpu.dimension_semantics<core_parallel>, #tpu.dimension_semantics<subcore_parallel>], iteration_bounds = array<i64: 2, 16>, scalar_prefetch = 0 : i64, scratch_operands = 5 : i64, tpu.core_type = #tpu.core_type<sc_vector_subcore>, window_params = [{transform_indices = #map}, {transform_indices = #map}]} {
    %mul3A = arith.constant 16 : i32
    %mul3A_0 = arith.muli %arg0, %mul3A : i32
    %add3A = arith.addi %mul3A_0, %arg1 : i32
    %iota3A = tpu.iota {dimensions = array<i32: 0>} : vector<16xi32>
    %scan3A = arith.constant 0 : i32
    %scan3A_1 = arith.constant 0 : i32
    %scan3A_2 = arith.constant 16 : i32
    %scan3A_3 = arith.addi %scan3A_1, %scan3A_2 : i32
    %scan3A_4 = arith.constant 1 : i32
    %scan3A_5 = scf.for %scan3A_36 = %scan3A_1 to %scan3A_3 step %scan3A_4 iter_args(%scan3A_37 = %scan3A) -> (i32)  : i32 {
      %broadcast_in_dim3A = arith.constant 1.000000e+00 : f32
      %broadcast_in_dim3A_38 = vector.broadcast %broadcast_in_dim3A : f32 to vector<16xf32>
      %swap3A = arith.index_cast %scan3A_36 : i32 to index
      %swap3A_39 = arith.constant 0 : index
      %swap3A_40 = tpu.vector_load %arg5[%swap3A, %swap3A_39] {strides = array<i32>} : memref<16x16xf32, #tpu.memory_space<vmem>>, vector<1x16xf32>,
      %swap3A_41 = vector.shape_cast %swap3A_40 : vector<1x16xf32> to vector<16xf32>
      %swap3A_42 = vector.shape_cast %broadcast_in_dim3A_38 : vector<16xf32> to vector<1x16xf32>
      tpu.vector_store %arg5[%swap3A, %swap3A_39], %swap3A_42 {strides = array<i32>} : memref<16x16xf32, #tpu.memory_space<vmem>>, vector<1x16xf32>,
      %scan3A_43 = arith.constant 0 : i32
      scf.yield %scan3A_43 : i32
    }
    %scan3A_6 = arith.constant 16 : i32
    %scan3A_7 = arith.constant 0 : i32
    %scan3A_8 = arith.constant 0 : i32
    %scan3A_9 = arith.constant 16 : i32
    %scan3A_10 = arith.addi %scan3A_8, %scan3A_9 : i32
    %scan3A_11 = arith.constant 1 : i32
    %scan3A_12 = scf.for %scan3A_36 = %scan3A_8 to %scan3A_10 step %scan3A_11 iter_args(%scan3A_37 = %scan3A_7) -> (i32)  : i32 {
      %broadcast_in_dim3A = arith.constant 0.000000e+00 : f32
      %broadcast_in_dim3A_38 = vector.broadcast %broadcast_in_dim3A : f32 to vector<16xf32>
      %swap3A = arith.index_cast %scan3A_36 : i32 to index
      %swap3A_39 = arith.constant 0 : index
      %swap3A_40 = tpu.vector_load %arg6[%swap3A, %swap3A_39] {strides = array<i32>} : memref<16x16xf32, #tpu.memory_space<vmem>>, vector<1x16xf32>,
      %swap3A_41 = vector.shape_cast %swap3A_40 : vector<1x16xf32> to vector<16xf32>
      %swap3A_42 = vector.shape_cast %broadcast_in_dim3A_38 : vector<16xf32> to vector<1x16xf32>
      tpu.vector_store %arg6[%swap3A, %swap3A_39], %swap3A_42 {strides = array<i32>} : memref<16x16xf32, #tpu.memory_space<vmem>>, vector<1x16xf32>,
      %scan3A_43 = arith.constant 0 : i32
      scf.yield %scan3A_43 : i32
    }
    %scan3A_13 = arith.constant 16 : i32
    %scan3A_14 = arith.constant 0 : i32
    %scan3A_15 = arith.constant 0 : i32
    %scan3A_16 = arith.constant 40 : i32
    %scan3A_17 = arith.addi %scan3A_15, %scan3A_16 : i32
    %scan3A_18 = arith.constant 1 : i32
    %scan3A_19 = scf.for %scan3A_36 = %scan3A_15 to %scan3A_17 step %scan3A_18 iter_args(%scan3A_37 = %scan3A_14) -> (i32)  : i32 {
      %mul3A_38 = arith.constant 640 : i32
      %mul3A_39 = arith.muli %arg1, %mul3A_38 : i32
      %mul3A_40 = arith.constant 16 : i32
      %mul3A_41 = arith.muli %scan3A_36, %mul3A_40 : i32
      %add3A_42 = arith.addi %mul3A_39, %mul3A_41 : i32
      %add3A_43 = vector.broadcast %add3A_42 : i32 to vector<16xi32>
      %add3A_44 = arith.addi %add3A_43, %iota3A : vector<16xi32>
      "tpu.region"() ({
        %run_scoped3A = tpu.sem_alloc : memref<!tpu.dma_semaphore, #tpu.memory_space<semaphore_mem>>
        %dma_start3A = arith.constant 0 : i32
        %dma_start3A_46 = arith.constant 0 : i32
        %dma_start3A_47 = tpu.memref_slice %arg7[%dma_start3A, %dma_start3A_46] : memref<10240x16xf32, #tpu.memory_space<vmem_shared>> -> memref<10240x16xf32, #tpu.memory_space<vmem_shared>>
        tpu.enqueue_indirect_dma source(%arg6 : memref<16x16xf32, #tpu.memory_space<vmem>>) target(%dma_start3A_47 : memref<10240x16xf32, #tpu.memory_space<vmem_shared>>) offsets(%add3A_44 : vector<16xi32>) semaphore(%run_scoped3A : memref<!tpu.dma_semaphore, #tpu.memory_space<semaphore_mem>>)
        %dma_wait3A = arith.constant 0 : i32
        %dma_wait3A_48 = arith.constant 0 : i32
        %dma_wait3A_49 = tpu.memref_slice %arg7[%dma_wait3A, %dma_wait3A_48] : memref<10240x16xf32, #tpu.memory_space<vmem_shared>> -> memref<10240x16xf32, #tpu.memory_space<vmem_shared>>
        tpu.wait_indirect_dma semaphore(%run_scoped3A : memref<!tpu.dma_semaphore, #tpu.memory_space<semaphore_mem>>) src(%arg6 : memref<16x16xf32, #tpu.memory_space<vmem>>) dst(%dma_wait3A_49 : memref<10240x16xf32, #tpu.memory_space<vmem_shared>>)
        tpu.yield
      }) : () -> ()
      %scan3A_45 = arith.constant 0 : i32
      scf.yield %scan3A_45 : i32
    }
    %scan3A_20 = arith.constant 40 : i32
    %barrier3A = arith.constant 0 : index
    tpu.barrier barrier_id(%barrier3A)
    "tpu.region"() ({
      %run_scoped3A = tpu.sem_alloc : memref<!tpu.dma_semaphore, #tpu.memory_space<semaphore_mem>>
      %dma_start3A = arith.constant 0 : i32
      %dma_start3A_36 = arith.constant 0 : i32
      %dma_start3A_37 = tpu.memref_slice %arg2[%add3A, %dma_start3A, %dma_start3A_36] : memref<32x640x16xi32, #tpu.memory_space<hbm>> -> memref<1x640x16xi32, #tpu.memory_space<hbm>>
      %dma_start3A_38 = tpu.memref_squeeze %dma_start3A_37 : memref<1x640x16xi32, #tpu.memory_space<hbm>> -> memref<640x16xi32, #tpu.memory_space<hbm>>
      %dma_start3A_39 = arith.constant 0 : i32
      %dma_start3A_40 = arith.constant 0 : i32
      %dma_start3A_41 = tpu.memref_slice %arg2[%add3A, %dma_start3A_39, %dma_start3A_40] : memref<32x640x16xi32, #tpu.memory_space<hbm>> -> memref<1x640x16xi32, #tpu.memory_space<hbm>>
      %dma_start3A_42 = tpu.memref_squeeze %dma_start3A_41 : memref<1x640x16xi32, #tpu.memory_space<hbm>> -> memref<640x16xi32, #tpu.memory_space<hbm>>
      tpu.enqueue_dma source(%dma_start3A_42 : memref<640x16xi32, #tpu.memory_space<hbm>>) target(%arg4 : memref<640x16xi32, #tpu.memory_space<vmem>>) target_semaphore(%run_scoped3A : memref<!tpu.dma_semaphore, #tpu.memory_space<semaphore_mem>>)
      %dma_wait3A = arith.constant 0 : i32
      %dma_wait3A_43 = arith.constant 0 : i32
      %dma_wait3A_44 = tpu.memref_slice %arg2[%add3A, %dma_wait3A, %dma_wait3A_43] : memref<32x640x16xi32, #tpu.memory_space<hbm>> -> memref<1x640x16xi32, #tpu.memory_space<hbm>>
      %dma_wait3A_45 = tpu.memref_squeeze %dma_wait3A_44 : memref<1x640x16xi32, #tpu.memory_space<hbm>> -> memref<640x16xi32, #tpu.memory_space<hbm>>
      %dma_wait3A_46 = arith.constant 0 : i32
      %dma_wait3A_47 = arith.constant 0 : i32
      %dma_wait3A_48 = tpu.memref_slice %arg2[%add3A, %dma_wait3A_46, %dma_wait3A_47] : memref<32x640x16xi32, #tpu.memory_space<hbm>> -> memref<1x640x16xi32, #tpu.memory_space<hbm>>
      %dma_wait3A_49 = tpu.memref_squeeze %dma_wait3A_48 : memref<1x640x16xi32, #tpu.memory_space<hbm>> -> memref<640x16xi32, #tpu.memory_space<hbm>>
      tpu.wait_dma2 semaphore(%run_scoped3A : memref<!tpu.dma_semaphore, #tpu.memory_space<semaphore_mem>>) src(%dma_wait3A_49 : memref<640x16xi32, #tpu.memory_space<hbm>>) dst(%arg4 : memref<640x16xi32, #tpu.memory_space<vmem>>)
      tpu.yield
    }) : () -> ()
    %scan3A_21 = arith.constant 0 : i32
    %scan3A_22 = arith.constant 0 : i32
    %scan3A_23 = arith.constant 640 : i32
    %scan3A_24 = arith.addi %scan3A_22, %scan3A_23 : i32
    %scan3A_25 = arith.constant 1 : i32
    %scan3A_26 = scf.for %scan3A_36 = %scan3A_22 to %scan3A_24 step %scan3A_25 iter_args(%scan3A_37 = %scan3A_21) -> (i32)  : i32 {
      %get3A = arith.index_cast %scan3A_36 : i32 to index
      %get3A_38 = arith.constant 0 : index
      %get3A_39 = tpu.vector_load %arg4[%get3A, %get3A_38] {strides = array<i32>} : memref<640x16xi32, #tpu.memory_space<vmem>>, vector<1x16xi32>,
      %get3A_40 = vector.shape_cast %get3A_39 : vector<1x16xi32> to vector<16xi32>
      "tpu.region"() ({
        %run_scoped3A = tpu.sem_alloc : memref<!tpu.dma_semaphore, #tpu.memory_space<semaphore_mem>>
        %dma_start3A = arith.constant 0 : i32
        %dma_start3A_42 = arith.constant 0 : i32
        %dma_start3A_43 = tpu.memref_slice %arg7[%dma_start3A, %dma_start3A_42] : memref<10240x16xf32, #tpu.memory_space<vmem_shared>> -> memref<10240x16xf32, #tpu.memory_space<vmem_shared>>
        tpu.enqueue_indirect_dma source(%arg5 : memref<16x16xf32, #tpu.memory_space<vmem>>) target(%dma_start3A_43 : memref<10240x16xf32, #tpu.memory_space<vmem_shared>>) offsets(%get3A_40 : vector<16xi32>) semaphore(%run_scoped3A : memref<!tpu.dma_semaphore, #tpu.memory_space<semaphore_mem>>) {add = true}
        %dma_wait3A = arith.constant 0 : i32
        %dma_wait3A_44 = arith.constant 0 : i32
        %dma_wait3A_45 = tpu.memref_slice %arg7[%dma_wait3A, %dma_wait3A_44] : memref<10240x16xf32, #tpu.memory_space<vmem_shared>> -> memref<10240x16xf32, #tpu.memory_space<vmem_shared>>
        tpu.wait_indirect_dma semaphore(%run_scoped3A : memref<!tpu.dma_semaphore, #tpu.memory_space<semaphore_mem>>) src(%arg5 : memref<16x16xf32, #tpu.memory_space<vmem>>) dst(%dma_wait3A_45 : memref<10240x16xf32, #tpu.memory_space<vmem_shared>>)
        tpu.yield
      }) : () -> ()
      %scan3A_41 = arith.constant 0 : i32
      scf.yield %scan3A_41 : i32
    }
    %scan3A_27 = arith.constant 640 : i32
    %barrier3A_28 = arith.constant 0 : index
    tpu.barrier barrier_id(%barrier3A_28)
    %scan3A_29 = arith.constant 0 : i32
    %scan3A_30 = arith.constant 0 : i32
    %scan3A_31 = arith.constant 40 : i32
    %scan3A_32 = arith.addi %scan3A_30, %scan3A_31 : i32
    %scan3A_33 = arith.constant 1 : i32
    %scan3A_34 = scf.for %scan3A_36 = %scan3A_30 to %scan3A_32 step %scan3A_33 iter_args(%scan3A_37 = %scan3A_29) -> (i32)  : i32 {
      %mul3A_38 = arith.constant 640 : i32
      %mul3A_39 = arith.muli %arg1, %mul3A_38 : i32
      %mul3A_40 = arith.constant 16 : i32
      %mul3A_41 = arith.muli %scan3A_36, %mul3A_40 : i32
      %add3A_42 = arith.addi %mul3A_39, %mul3A_41 : i32
      %add3A_43 = vector.broadcast %add3A_42 : i32 to vector<16xi32>
      %add3A_44 = arith.addi %add3A_43, %iota3A : vector<16xi32>
      %dma_start3A = arith.constant 0 : i32
      %dma_start3A_45 = arith.constant 0 : i32
      %dma_start3A_46 = tpu.memref_slice %arg7[%dma_start3A, %dma_start3A_45] : memref<10240x16xf32, #tpu.memory_space<vmem_shared>> -> memref<10240x16xf32, #tpu.memory_space<vmem_shared>>
      tpu.enqueue_indirect_dma source(%dma_start3A_46 : memref<10240x16xf32, #tpu.memory_space<vmem_shared>>) target(%arg6 : memref<16x16xf32, #tpu.memory_space<vmem>>) offsets(%add3A_44 : vector<16xi32>) semaphore(%arg8 : memref<!tpu.dma_semaphore, #tpu.memory_space<semaphore_mem>>)
      %dma_wait3A = arith.constant 0 : i32
      %dma_wait3A_47 = arith.constant 0 : i32
      %dma_wait3A_48 = tpu.memref_slice %arg7[%dma_wait3A, %dma_wait3A_47] : memref<10240x16xf32, #tpu.memory_space<vmem_shared>> -> memref<10240x16xf32, #tpu.memory_space<vmem_shared>>
      tpu.wait_indirect_dma semaphore(%arg8 : memref<!tpu.dma_semaphore, #tpu.memory_space<semaphore_mem>>) src(%dma_wait3A_48 : memref<10240x16xf32, #tpu.memory_space<vmem_shared>>) dst(%arg6 : memref<16x16xf32, #tpu.memory_space<vmem>>)
      %mul3A_49 = arith.constant 640 : i32
      %mul3A_50 = arith.muli %arg1, %mul3A_49 : i32
      %mul3A_51 = arith.constant 16 : i32
      %mul3A_52 = arith.muli %scan3A_36, %mul3A_51 : i32
      %add3A_53 = arith.addi %mul3A_50, %mul3A_52 : i32
      "tpu.region"() ({
        %run_scoped3A = tpu.sem_alloc : memref<!tpu.dma_semaphore, #tpu.memory_space<semaphore_mem>>
        %dma_start3A_55 = arith.constant 0 : i32
        %dma_start3A_56 = tpu.memref_slice %arg3[%arg0, %add3A_53, %dma_start3A_55] : memref<2x10240x16xf32, #tpu.memory_space<hbm>> -> memref<1x16x16xf32, #tpu.memory_space<hbm>>
        %dma_start3A_57 = tpu.memref_squeeze %dma_start3A_56 : memref<1x16x16xf32, #tpu.memory_space<hbm>> -> memref<16x16xf32, #tpu.memory_space<hbm>>
        %dma_start3A_58 = arith.constant 0 : i32
        %dma_start3A_59 = tpu.memref_slice %arg3[%arg0, %add3A_53, %dma_start3A_58] : memref<2x10240x16xf32, #tpu.memory_space<hbm>> -> memref<1x16x16xf32, #tpu.memory_space<hbm>>
        %dma_start3A_60 = tpu.memref_squeeze %dma_start3A_59 : memref<1x16x16xf32, #tpu.memory_space<hbm>> -> memref<16x16xf32, #tpu.memory_space<hbm>>
        tpu.enqueue_dma source(%arg6 : memref<16x16xf32, #tpu.memory_space<vmem>>) target(%dma_start3A_60 : memref<16x16xf32, #tpu.memory_space<hbm>>) target_semaphore(%run_scoped3A : memref<!tpu.dma_semaphore, #tpu.memory_space<semaphore_mem>>)
        %dma_wait3A_61 = arith.constant 0 : i32
        %dma_wait3A_62 = tpu.memref_slice %arg3[%arg0, %add3A_53, %dma_wait3A_61] : memref<2x10240x16xf32, #tpu.memory_space<hbm>> -> memref<1x16x16xf32, #tpu.memory_space<hbm>>
        %dma_wait3A_63 = tpu.memref_squeeze %dma_wait3A_62 : memref<1x16x16xf32, #tpu.memory_space<hbm>> -> memref<16x16xf32, #tpu.memory_space<hbm>>
        %dma_wait3A_64 = arith.constant 0 : i32
        %dma_wait3A_65 = tpu.memref_slice %arg3[%arg0, %add3A_53, %dma_wait3A_64] : memref<2x10240x16xf32, #tpu.memory_space<hbm>> -> memref<1x16x16xf32, #tpu.memory_space<hbm>>
        %dma_wait3A_66 = tpu.memref_squeeze %dma_wait3A_65 : memref<1x16x16xf32, #tpu.memory_space<hbm>> -> memref<16x16xf32, #tpu.memory_space<hbm>>
        tpu.wait_dma2 semaphore(%run_scoped3A : memref<!tpu.dma_semaphore, #tpu.memory_space<semaphore_mem>>) src(%arg6 : memref<16x16xf32, #tpu.memory_space<vmem>>) dst(%dma_wait3A_66 : memref<16x16xf32, #tpu.memory_space<hbm>>)
        tpu.yield
      }) : () -> ()
      %scan3A_54 = arith.constant 0 : i32
      scf.yield %scan3A_54 : i32
    }
    %scan3A_35 = arith.constant 40 : i32
    return
  }
}

#map = affine_map<(d0, d1) -> (0, 0)>
#map1 = affine_map<(d0, d1) -> (0, 0, 0)>
module attributes {stable_mosaic.version = 14 : i64} {
  func.func @_scatter_kernel(%arg0: i32, %arg1: i32, %arg2: memref<10240x128xf32, #tpu.memory_space<hbm>>, %arg3: memref<32x80x128xi32, #tpu.memory_space<hbm>>, %arg4: memref<32x80x128xi32, #tpu.memory_space<hbm>>, %arg5: memref<2x10240x128xf32, #tpu.memory_space<hbm>>, %arg6: memref<128xi32, #tpu.memory_space<vmem>>, %arg7: memref<128xi32, #tpu.memory_space<vmem>>, %arg8: memref<128xi32, #tpu.memory_space<vmem>>, %arg9: memref<128xi32, #tpu.memory_space<vmem>>, %arg10: memref<128x128xf32, #tpu.memory_space<vmem>>, %arg11: memref<128x128xf32, #tpu.memory_space<vmem>>, %arg12: memref<16x128xf32, #tpu.memory_space<vmem>>, %arg13: memref<16x128xf32, #tpu.memory_space<vmem>>, %arg14: memref<10240x128xf32, #tpu.memory_space<vmem_shared>>, %arg15: memref<!tpu.dma_semaphore, #tpu.memory_space<semaphore_mem>>, %arg16: memref<!tpu.dma_semaphore, #tpu.memory_space<semaphore_mem>>, %arg17: memref<!tpu.dma_semaphore, #tpu.memory_space<semaphore_mem>>, %arg18: memref<!tpu.dma_semaphore, #tpu.memory_space<semaphore_mem>>, %arg19: memref<!tpu.dma_semaphore, #tpu.memory_space<semaphore_mem>>) attributes {dimension_semantics = [#tpu.dimension_semantics<core_parallel>, #tpu.dimension_semantics<subcore_parallel>], iteration_bounds = array<i64: 2, 16>, scalar_prefetch = 0 : i64, scratch_operands = 14 : i64, tpu.core_type = #tpu.core_type<sc_vector_subcore>, window_params = [{transform_indices = #map}, {transform_indices = #map1}, {transform_indices = #map1}, {transform_indices = #map1}]} {
    %mul3A = arith.constant 16 : i32
    %mul3A_0 = arith.muli %arg0, %mul3A : i32
    %add3A = arith.addi %mul3A_0, %arg1 : i32
    %iota3A = tpu.iota {dimensions = array<i32: 0>} : vector<16xi32>
    %scan3A = arith.constant 0 : i32
    %scan3A_1 = arith.constant 0 : i32
    %scan3A_2 = arith.constant 16 : i32
    %scan3A_3 = arith.addi %scan3A_1, %scan3A_2 : i32
    %scan3A_4 = arith.constant 1 : i32
    %scan3A_5 = scf.for %scan3A_53 = %scan3A_1 to %scan3A_3 step %scan3A_4 iter_args(%scan3A_54 = %scan3A) -> (i32)  : i32 {
      %broadcast_in_dim3A = arith.constant 0.000000e+00 : f32
      %broadcast_in_dim3A_55 = vector.broadcast %broadcast_in_dim3A : f32 to vector<16xf32>
      %swap3A = arith.index_cast %scan3A_53 : i32 to index
      %swap3A_56 = arith.constant 0 : index
      %swap3A_57 = tpu.vector_load %arg12[%swap3A, %swap3A_56] {strides = array<i32>} : memref<16x128xf32, #tpu.memory_space<vmem>>, vector<1x16xf32>,
      %swap3A_58 = vector.shape_cast %swap3A_57 : vector<1x16xf32> to vector<16xf32>
      %swap3A_59 = vector.shape_cast %broadcast_in_dim3A_55 : vector<16xf32> to vector<1x16xf32>
      tpu.vector_store %arg12[%swap3A, %swap3A_56], %swap3A_59 {strides = array<i32>} : memref<16x128xf32, #tpu.memory_space<vmem>>, vector<1x16xf32>,
      %broadcast_in_dim3A_60 = arith.constant 0.000000e+00 : f32
      %broadcast_in_dim3A_61 = vector.broadcast %broadcast_in_dim3A_60 : f32 to vector<16xf32>
      %swap3A_62 = arith.index_cast %scan3A_53 : i32 to index
      %swap3A_63 = arith.constant 16 : index
      %swap3A_64 = tpu.vector_load %arg12[%swap3A_62, %swap3A_63] {strides = array<i32>} : memref<16x128xf32, #tpu.memory_space<vmem>>, vector<1x16xf32>,
      %swap3A_65 = vector.shape_cast %swap3A_64 : vector<1x16xf32> to vector<16xf32>
      %swap3A_66 = vector.shape_cast %broadcast_in_dim3A_61 : vector<16xf32> to vector<1x16xf32>
      tpu.vector_store %arg12[%swap3A_62, %swap3A_63], %swap3A_66 {strides = array<i32>} : memref<16x128xf32, #tpu.memory_space<vmem>>, vector<1x16xf32>,
      %broadcast_in_dim3A_67 = arith.constant 0.000000e+00 : f32
      %broadcast_in_dim3A_68 = vector.broadcast %broadcast_in_dim3A_67 : f32 to vector<16xf32>
      %swap3A_69 = arith.index_cast %scan3A_53 : i32 to index
      %swap3A_70 = arith.constant 32 : index
      %swap3A_71 = tpu.vector_load %arg12[%swap3A_69, %swap3A_70] {strides = array<i32>} : memref<16x128xf32, #tpu.memory_space<vmem>>, vector<1x16xf32>,
      %swap3A_72 = vector.shape_cast %swap3A_71 : vector<1x16xf32> to vector<16xf32>
      %swap3A_73 = vector.shape_cast %broadcast_in_dim3A_68 : vector<16xf32> to vector<1x16xf32>
      tpu.vector_store %arg12[%swap3A_69, %swap3A_70], %swap3A_73 {strides = array<i32>} : memref<16x128xf32, #tpu.memory_space<vmem>>, vector<1x16xf32>,
      %broadcast_in_dim3A_74 = arith.constant 0.000000e+00 : f32
      %broadcast_in_dim3A_75 = vector.broadcast %broadcast_in_dim3A_74 : f32 to vector<16xf32>
      %swap3A_76 = arith.index_cast %scan3A_53 : i32 to index
      %swap3A_77 = arith.constant 48 : index
      %swap3A_78 = tpu.vector_load %arg12[%swap3A_76, %swap3A_77] {strides = array<i32>} : memref<16x128xf32, #tpu.memory_space<vmem>>, vector<1x16xf32>,
      %swap3A_79 = vector.shape_cast %swap3A_78 : vector<1x16xf32> to vector<16xf32>
      %swap3A_80 = vector.shape_cast %broadcast_in_dim3A_75 : vector<16xf32> to vector<1x16xf32>
      tpu.vector_store %arg12[%swap3A_76, %swap3A_77], %swap3A_80 {strides = array<i32>} : memref<16x128xf32, #tpu.memory_space<vmem>>, vector<1x16xf32>,
      %broadcast_in_dim3A_81 = arith.constant 0.000000e+00 : f32
      %broadcast_in_dim3A_82 = vector.broadcast %broadcast_in_dim3A_81 : f32 to vector<16xf32>
      %swap3A_83 = arith.index_cast %scan3A_53 : i32 to index
      %swap3A_84 = arith.constant 64 : index
      %swap3A_85 = tpu.vector_load %arg12[%swap3A_83, %swap3A_84] {strides = array<i32>} : memref<16x128xf32, #tpu.memory_space<vmem>>, vector<1x16xf32>,
      %swap3A_86 = vector.shape_cast %swap3A_85 : vector<1x16xf32> to vector<16xf32>
      %swap3A_87 = vector.shape_cast %broadcast_in_dim3A_82 : vector<16xf32> to vector<1x16xf32>
      tpu.vector_store %arg12[%swap3A_83, %swap3A_84], %swap3A_87 {strides = array<i32>} : memref<16x128xf32, #tpu.memory_space<vmem>>, vector<1x16xf32>,
      %broadcast_in_dim3A_88 = arith.constant 0.000000e+00 : f32
      %broadcast_in_dim3A_89 = vector.broadcast %broadcast_in_dim3A_88 : f32 to vector<16xf32>
      %swap3A_90 = arith.index_cast %scan3A_53 : i32 to index
      %swap3A_91 = arith.constant 80 : index
      %swap3A_92 = tpu.vector_load %arg12[%swap3A_90, %swap3A_91] {strides = array<i32>} : memref<16x128xf32, #tpu.memory_space<vmem>>, vector<1x16xf32>,
      %swap3A_93 = vector.shape_cast %swap3A_92 : vector<1x16xf32> to vector<16xf32>
      %swap3A_94 = vector.shape_cast %broadcast_in_dim3A_89 : vector<16xf32> to vector<1x16xf32>
      tpu.vector_store %arg12[%swap3A_90, %swap3A_91], %swap3A_94 {strides = array<i32>} : memref<16x128xf32, #tpu.memory_space<vmem>>, vector<1x16xf32>,
      %broadcast_in_dim3A_95 = arith.constant 0.000000e+00 : f32
      %broadcast_in_dim3A_96 = vector.broadcast %broadcast_in_dim3A_95 : f32 to vector<16xf32>
      %swap3A_97 = arith.index_cast %scan3A_53 : i32 to index
      %swap3A_98 = arith.constant 96 : index
      %swap3A_99 = tpu.vector_load %arg12[%swap3A_97, %swap3A_98] {strides = array<i32>} : memref<16x128xf32, #tpu.memory_space<vmem>>, vector<1x16xf32>,
      %swap3A_100 = vector.shape_cast %swap3A_99 : vector<1x16xf32> to vector<16xf32>
      %swap3A_101 = vector.shape_cast %broadcast_in_dim3A_96 : vector<16xf32> to vector<1x16xf32>
      tpu.vector_store %arg12[%swap3A_97, %swap3A_98], %swap3A_101 {strides = array<i32>} : memref<16x128xf32, #tpu.memory_space<vmem>>, vector<1x16xf32>,
      %broadcast_in_dim3A_102 = arith.constant 0.000000e+00 : f32
      %broadcast_in_dim3A_103 = vector.broadcast %broadcast_in_dim3A_102 : f32 to vector<16xf32>
      %swap3A_104 = arith.index_cast %scan3A_53 : i32 to index
      %swap3A_105 = arith.constant 112 : index
      %swap3A_106 = tpu.vector_load %arg12[%swap3A_104, %swap3A_105] {strides = array<i32>} : memref<16x128xf32, #tpu.memory_space<vmem>>, vector<1x16xf32>,
      %swap3A_107 = vector.shape_cast %swap3A_106 : vector<1x16xf32> to vector<16xf32>
      %swap3A_108 = vector.shape_cast %broadcast_in_dim3A_103 : vector<16xf32> to vector<1x16xf32>
      tpu.vector_store %arg12[%swap3A_104, %swap3A_105], %swap3A_108 {strides = array<i32>} : memref<16x128xf32, #tpu.memory_space<vmem>>, vector<1x16xf32>,
      %scan3A_109 = arith.constant 0 : i32
      scf.yield %scan3A_109 : i32
    }
    %scan3A_6 = arith.constant 16 : i32
    %scan3A_7 = arith.constant 0 : i32
    %scan3A_8 = arith.constant 0 : i32
    %scan3A_9 = arith.constant 40 : i32
    %scan3A_10 = arith.addi %scan3A_8, %scan3A_9 : i32
    %scan3A_11 = arith.constant 1 : i32
    %scan3A_12 = scf.for %scan3A_53 = %scan3A_8 to %scan3A_10 step %scan3A_11 iter_args(%scan3A_54 = %scan3A_7) -> (i32)  : i32 {
      %mul3A_55 = arith.constant 640 : i32
      %mul3A_56 = arith.muli %arg1, %mul3A_55 : i32
      %mul3A_57 = arith.constant 16 : i32
      %mul3A_58 = arith.muli %scan3A_53, %mul3A_57 : i32
      %add3A_59 = arith.addi %mul3A_56, %mul3A_58 : i32
      %add3A_60 = vector.broadcast %add3A_59 : i32 to vector<16xi32>
      %add3A_61 = arith.addi %add3A_60, %iota3A : vector<16xi32>
      "tpu.region"() ({
        %run_scoped3A_63 = tpu.sem_alloc : memref<!tpu.dma_semaphore, #tpu.memory_space<semaphore_mem>>
        %dma_start3A_64 = arith.constant 0 : i32
        %dma_start3A_65 = arith.constant 0 : i32
        %dma_start3A_66 = tpu.memref_slice %arg14[%dma_start3A_64, %dma_start3A_65] : memref<10240x128xf32, #tpu.memory_space<vmem_shared>> -> memref<10240x128xf32, #tpu.memory_space<vmem_shared>>
        tpu.enqueue_indirect_dma source(%arg12 : memref<16x128xf32, #tpu.memory_space<vmem>>) target(%dma_start3A_66 : memref<10240x128xf32, #tpu.memory_space<vmem_shared>>) offsets(%add3A_61 : vector<16xi32>) semaphore(%run_scoped3A_63 : memref<!tpu.dma_semaphore, #tpu.memory_space<semaphore_mem>>)
        %dma_wait3A = arith.constant 0 : i32
        %dma_wait3A_67 = arith.constant 0 : i32
        %dma_wait3A_68 = tpu.memref_slice %arg14[%dma_wait3A, %dma_wait3A_67] : memref<10240x128xf32, #tpu.memory_space<vmem_shared>> -> memref<10240x128xf32, #tpu.memory_space<vmem_shared>>
        tpu.wait_indirect_dma semaphore(%run_scoped3A_63 : memref<!tpu.dma_semaphore, #tpu.memory_space<semaphore_mem>>) src(%arg12 : memref<16x128xf32, #tpu.memory_space<vmem>>) dst(%dma_wait3A_68 : memref<10240x128xf32, #tpu.memory_space<vmem_shared>>)
        tpu.yield
      }) : () -> ()
      %scan3A_62 = arith.constant 0 : i32
      scf.yield %scan3A_62 : i32
    }
    %scan3A_13 = arith.constant 40 : i32
    %barrier3A = arith.constant 0 : index
    tpu.barrier barrier_id(%barrier3A)
    %run_scoped3A = arith.constant 0 : i32
    "tpu.region"() ({
      %run_scoped3A_53 = tpu.sem_alloc : memref<!tpu.dma_semaphore, #tpu.memory_space<semaphore_mem>>
      %dma_start3A_54 = arith.constant 0 : i32
      %dma_start3A_55 = tpu.memref_slice %arg3[%add3A, %run_scoped3A, %dma_start3A_54] : memref<32x80x128xi32, #tpu.memory_space<hbm>> -> memref<1x1x128xi32, #tpu.memory_space<hbm>>
      %dma_start3A_56 = tpu.memref_squeeze %dma_start3A_55 : memref<1x1x128xi32, #tpu.memory_space<hbm>> -> memref<128xi32, #tpu.memory_space<hbm>>
      %dma_start3A_57 = arith.constant 0 : i32
      %dma_start3A_58 = tpu.memref_slice %arg3[%add3A, %run_scoped3A, %dma_start3A_57] : memref<32x80x128xi32, #tpu.memory_space<hbm>> -> memref<1x1x128xi32, #tpu.memory_space<hbm>>
      %dma_start3A_59 = tpu.memref_squeeze %dma_start3A_58 : memref<1x1x128xi32, #tpu.memory_space<hbm>> -> memref<128xi32, #tpu.memory_space<hbm>>
      tpu.enqueue_dma source(%dma_start3A_59 : memref<128xi32, #tpu.memory_space<hbm>>) target(%arg6 : memref<128xi32, #tpu.memory_space<vmem>>) target_semaphore(%run_scoped3A_53 : memref<!tpu.dma_semaphore, #tpu.memory_space<semaphore_mem>>)
      %dma_wait3A = arith.constant 0 : i32
      %dma_wait3A_60 = tpu.memref_slice %arg3[%add3A, %run_scoped3A, %dma_wait3A] : memref<32x80x128xi32, #tpu.memory_space<hbm>> -> memref<1x1x128xi32, #tpu.memory_space<hbm>>
      %dma_wait3A_61 = tpu.memref_squeeze %dma_wait3A_60 : memref<1x1x128xi32, #tpu.memory_space<hbm>> -> memref<128xi32, #tpu.memory_space<hbm>>
      %dma_wait3A_62 = arith.constant 0 : i32
      %dma_wait3A_63 = tpu.memref_slice %arg3[%add3A, %run_scoped3A, %dma_wait3A_62] : memref<32x80x128xi32, #tpu.memory_space<hbm>> -> memref<1x1x128xi32, #tpu.memory_space<hbm>>
      %dma_wait3A_64 = tpu.memref_squeeze %dma_wait3A_63 : memref<1x1x128xi32, #tpu.memory_space<hbm>> -> memref<128xi32, #tpu.memory_space<hbm>>
      tpu.wait_dma2 semaphore(%run_scoped3A_53 : memref<!tpu.dma_semaphore, #tpu.memory_space<semaphore_mem>>) src(%dma_wait3A_64 : memref<128xi32, #tpu.memory_space<hbm>>) dst(%arg6 : memref<128xi32, #tpu.memory_space<vmem>>)
      tpu.yield
    }) : () -> ()
    %run_scoped3A_14 = arith.constant 0 : i32
    "tpu.region"() ({
      %run_scoped3A_53 = tpu.sem_alloc : memref<!tpu.dma_semaphore, #tpu.memory_space<semaphore_mem>>
      %dma_start3A_54 = arith.constant 0 : i32
      %dma_start3A_55 = tpu.memref_slice %arg4[%add3A, %run_scoped3A_14, %dma_start3A_54] : memref<32x80x128xi32, #tpu.memory_space<hbm>> -> memref<1x1x128xi32, #tpu.memory_space<hbm>>
      %dma_start3A_56 = tpu.memref_squeeze %dma_start3A_55 : memref<1x1x128xi32, #tpu.memory_space<hbm>> -> memref<128xi32, #tpu.memory_space<hbm>>
      %dma_start3A_57 = arith.constant 0 : i32
      %dma_start3A_58 = tpu.memref_slice %arg4[%add3A, %run_scoped3A_14, %dma_start3A_57] : memref<32x80x128xi32, #tpu.memory_space<hbm>> -> memref<1x1x128xi32, #tpu.memory_space<hbm>>
      %dma_start3A_59 = tpu.memref_squeeze %dma_start3A_58 : memref<1x1x128xi32, #tpu.memory_space<hbm>> -> memref<128xi32, #tpu.memory_space<hbm>>
      tpu.enqueue_dma source(%dma_start3A_59 : memref<128xi32, #tpu.memory_space<hbm>>) target(%arg8 : memref<128xi32, #tpu.memory_space<vmem>>) target_semaphore(%run_scoped3A_53 : memref<!tpu.dma_semaphore, #tpu.memory_space<semaphore_mem>>)
      %dma_wait3A = arith.constant 0 : i32
      %dma_wait3A_60 = tpu.memref_slice %arg4[%add3A, %run_scoped3A_14, %dma_wait3A] : memref<32x80x128xi32, #tpu.memory_space<hbm>> -> memref<1x1x128xi32, #tpu.memory_space<hbm>>
      %dma_wait3A_61 = tpu.memref_squeeze %dma_wait3A_60 : memref<1x1x128xi32, #tpu.memory_space<hbm>> -> memref<128xi32, #tpu.memory_space<hbm>>
      %dma_wait3A_62 = arith.constant 0 : i32
      %dma_wait3A_63 = tpu.memref_slice %arg4[%add3A, %run_scoped3A_14, %dma_wait3A_62] : memref<32x80x128xi32, #tpu.memory_space<hbm>> -> memref<1x1x128xi32, #tpu.memory_space<hbm>>
      %dma_wait3A_64 = tpu.memref_squeeze %dma_wait3A_63 : memref<1x1x128xi32, #tpu.memory_space<hbm>> -> memref<128xi32, #tpu.memory_space<hbm>>
      tpu.wait_dma2 semaphore(%run_scoped3A_53 : memref<!tpu.dma_semaphore, #tpu.memory_space<semaphore_mem>>) src(%dma_wait3A_64 : memref<128xi32, #tpu.memory_space<hbm>>) dst(%arg8 : memref<128xi32, #tpu.memory_space<vmem>>)
      tpu.yield
    }) : () -> ()
    %dma_start3A = arith.constant 0 : i32
    %dma_start3A_15 = arith.constant 0 : i32
    %dma_start3A_16 = tpu.memref_slice %arg2[%dma_start3A, %dma_start3A_15] : memref<10240x128xf32, #tpu.memory_space<hbm>> -> memref<10240x128xf32, #tpu.memory_space<hbm>>
    tpu.enqueue_indirect_dma source(%dma_start3A_16 : memref<10240x128xf32, #tpu.memory_space<hbm>>) target(%arg10 : memref<128x128xf32, #tpu.memory_space<vmem>>) offsets(%arg6 : memref<128xi32, #tpu.memory_space<vmem>>) semaphore(%arg15 : memref<!tpu.dma_semaphore, #tpu.memory_space<semaphore_mem>>)
    %run_scoped3A_17 = arith.constant 1 : i32
    "tpu.region"() ({
      %run_scoped3A_53 = tpu.sem_alloc : memref<!tpu.dma_semaphore, #tpu.memory_space<semaphore_mem>>
      %dma_start3A_54 = arith.constant 0 : i32
      %dma_start3A_55 = tpu.memref_slice %arg3[%add3A, %run_scoped3A_17, %dma_start3A_54] : memref<32x80x128xi32, #tpu.memory_space<hbm>> -> memref<1x1x128xi32, #tpu.memory_space<hbm>>
      %dma_start3A_56 = tpu.memref_squeeze %dma_start3A_55 : memref<1x1x128xi32, #tpu.memory_space<hbm>> -> memref<128xi32, #tpu.memory_space<hbm>>
      %dma_start3A_57 = arith.constant 0 : i32
      %dma_start3A_58 = tpu.memref_slice %arg3[%add3A, %run_scoped3A_17, %dma_start3A_57] : memref<32x80x128xi32, #tpu.memory_space<hbm>> -> memref<1x1x128xi32, #tpu.memory_space<hbm>>
      %dma_start3A_59 = tpu.memref_squeeze %dma_start3A_58 : memref<1x1x128xi32, #tpu.memory_space<hbm>> -> memref<128xi32, #tpu.memory_space<hbm>>
      tpu.enqueue_dma source(%dma_start3A_59 : memref<128xi32, #tpu.memory_space<hbm>>) target(%arg7 : memref<128xi32, #tpu.memory_space<vmem>>) target_semaphore(%run_scoped3A_53 : memref<!tpu.dma_semaphore, #tpu.memory_space<semaphore_mem>>)
      %dma_wait3A = arith.constant 0 : i32
      %dma_wait3A_60 = tpu.memref_slice %arg3[%add3A, %run_scoped3A_17, %dma_wait3A] : memref<32x80x128xi32, #tpu.memory_space<hbm>> -> memref<1x1x128xi32, #tpu.memory_space<hbm>>
      %dma_wait3A_61 = tpu.memref_squeeze %dma_wait3A_60 : memref<1x1x128xi32, #tpu.memory_space<hbm>> -> memref<128xi32, #tpu.memory_space<hbm>>
      %dma_wait3A_62 = arith.constant 0 : i32
      %dma_wait3A_63 = tpu.memref_slice %arg3[%add3A, %run_scoped3A_17, %dma_wait3A_62] : memref<32x80x128xi32, #tpu.memory_space<hbm>> -> memref<1x1x128xi32, #tpu.memory_space<hbm>>
      %dma_wait3A_64 = tpu.memref_squeeze %dma_wait3A_63 : memref<1x1x128xi32, #tpu.memory_space<hbm>> -> memref<128xi32, #tpu.memory_space<hbm>>
      tpu.wait_dma2 semaphore(%run_scoped3A_53 : memref<!tpu.dma_semaphore, #tpu.memory_space<semaphore_mem>>) src(%dma_wait3A_64 : memref<128xi32, #tpu.memory_space<hbm>>) dst(%arg7 : memref<128xi32, #tpu.memory_space<vmem>>)
      tpu.yield
    }) : () -> ()
    %run_scoped3A_18 = arith.constant 1 : i32
    "tpu.region"() ({
      %run_scoped3A_53 = tpu.sem_alloc : memref<!tpu.dma_semaphore, #tpu.memory_space<semaphore_mem>>
      %dma_start3A_54 = arith.constant 0 : i32
      %dma_start3A_55 = tpu.memref_slice %arg4[%add3A, %run_scoped3A_18, %dma_start3A_54] : memref<32x80x128xi32, #tpu.memory_space<hbm>> -> memref<1x1x128xi32, #tpu.memory_space<hbm>>
      %dma_start3A_56 = tpu.memref_squeeze %dma_start3A_55 : memref<1x1x128xi32, #tpu.memory_space<hbm>> -> memref<128xi32, #tpu.memory_space<hbm>>
      %dma_start3A_57 = arith.constant 0 : i32
      %dma_start3A_58 = tpu.memref_slice %arg4[%add3A, %run_scoped3A_18, %dma_start3A_57] : memref<32x80x128xi32, #tpu.memory_space<hbm>> -> memref<1x1x128xi32, #tpu.memory_space<hbm>>
      %dma_start3A_59 = tpu.memref_squeeze %dma_start3A_58 : memref<1x1x128xi32, #tpu.memory_space<hbm>> -> memref<128xi32, #tpu.memory_space<hbm>>
      tpu.enqueue_dma source(%dma_start3A_59 : memref<128xi32, #tpu.memory_space<hbm>>) target(%arg9 : memref<128xi32, #tpu.memory_space<vmem>>) target_semaphore(%run_scoped3A_53 : memref<!tpu.dma_semaphore, #tpu.memory_space<semaphore_mem>>)
      %dma_wait3A = arith.constant 0 : i32
      %dma_wait3A_60 = tpu.memref_slice %arg4[%add3A, %run_scoped3A_18, %dma_wait3A] : memref<32x80x128xi32, #tpu.memory_space<hbm>> -> memref<1x1x128xi32, #tpu.memory_space<hbm>>
      %dma_wait3A_61 = tpu.memref_squeeze %dma_wait3A_60 : memref<1x1x128xi32, #tpu.memory_space<hbm>> -> memref<128xi32, #tpu.memory_space<hbm>>
      %dma_wait3A_62 = arith.constant 0 : i32
      %dma_wait3A_63 = tpu.memref_slice %arg4[%add3A, %run_scoped3A_18, %dma_wait3A_62] : memref<32x80x128xi32, #tpu.memory_space<hbm>> -> memref<1x1x128xi32, #tpu.memory_space<hbm>>
      %dma_wait3A_64 = tpu.memref_squeeze %dma_wait3A_63 : memref<1x1x128xi32, #tpu.memory_space<hbm>> -> memref<128xi32, #tpu.memory_space<hbm>>
      tpu.wait_dma2 semaphore(%run_scoped3A_53 : memref<!tpu.dma_semaphore, #tpu.memory_space<semaphore_mem>>) src(%dma_wait3A_64 : memref<128xi32, #tpu.memory_space<hbm>>) dst(%arg9 : memref<128xi32, #tpu.memory_space<vmem>>)
      tpu.yield
    }) : () -> ()
    %dma_start3A_19 = arith.constant 0 : i32
    %dma_start3A_20 = arith.constant 0 : i32
    %dma_start3A_21 = tpu.memref_slice %arg2[%dma_start3A_19, %dma_start3A_20] : memref<10240x128xf32, #tpu.memory_space<hbm>> -> memref<10240x128xf32, #tpu.memory_space<hbm>>
    tpu.enqueue_indirect_dma source(%dma_start3A_21 : memref<10240x128xf32, #tpu.memory_space<hbm>>) target(%arg11 : memref<128x128xf32, #tpu.memory_space<vmem>>) offsets(%arg7 : memref<128xi32, #tpu.memory_space<vmem>>) semaphore(%arg16 : memref<!tpu.dma_semaphore, #tpu.memory_space<semaphore_mem>>)
    %scan3A_22 = arith.constant 0 : i32
    %scan3A_23 = arith.constant 0 : i32
    %scan3A_24 = arith.constant 40 : i32
    %scan3A_25 = arith.addi %scan3A_23, %scan3A_24 : i32
    %scan3A_26 = arith.constant 1 : i32
    %scan3A_27 = scf.for %scan3A_53 = %scan3A_23 to %scan3A_25 step %scan3A_26 iter_args(%scan3A_54 = %scan3A_22) -> (i32)  : i32 {
      %mul3A_55 = arith.constant 2 : i32
      %mul3A_56 = arith.muli %mul3A_55, %scan3A_53 : i32
      %dma_wait3A = arith.constant 0 : i32
      %dma_wait3A_57 = arith.constant 0 : i32
      %dma_wait3A_58 = tpu.memref_slice %arg2[%dma_wait3A, %dma_wait3A_57] : memref<10240x128xf32, #tpu.memory_space<hbm>> -> memref<10240x128xf32, #tpu.memory_space<hbm>>
      tpu.wait_indirect_dma semaphore(%arg15 : memref<!tpu.dma_semaphore, #tpu.memory_space<semaphore_mem>>) src(%dma_wait3A_58 : memref<10240x128xf32, #tpu.memory_space<hbm>>) dst(%arg10 : memref<128x128xf32, #tpu.memory_space<vmem>>)
      %get3A = arith.constant 0 : index
      %get3A_59 = tpu.vector_load %arg8[%get3A] {strides = array<i32>} : memref<128xi32, #tpu.memory_space<vmem>>, vector<16xi32>,
      %get3A_60 = vector.shape_cast %get3A_59 : vector<16xi32> to vector<16xi32>
      "tpu.region"() ({
        %run_scoped3A_121 = tpu.sem_alloc : memref<!tpu.dma_semaphore, #tpu.memory_space<semaphore_mem>>
        %dma_start3A_122 = arith.constant 0 : i32
        %dma_start3A_123 = arith.constant 0 : i32
        %dma_start3A_124 = tpu.memref_slice %arg10[%dma_start3A_122, %dma_start3A_123] : memref<128x128xf32, #tpu.memory_space<vmem>> -> memref<16x128xf32, #tpu.memory_space<vmem>>
        %dma_start3A_125 = arith.constant 0 : i32
        %dma_start3A_126 = arith.constant 0 : i32
        %dma_start3A_127 = tpu.memref_slice %arg14[%dma_start3A_125, %dma_start3A_126] : memref<10240x128xf32, #tpu.memory_space<vmem_shared>> -> memref<10240x128xf32, #tpu.memory_space<vmem_shared>>
        tpu.enqueue_indirect_dma source(%dma_start3A_124 : memref<16x128xf32, #tpu.memory_space<vmem>>) target(%dma_start3A_127 : memref<10240x128xf32, #tpu.memory_space<vmem_shared>>) offsets(%get3A_60 : vector<16xi32>) semaphore(%run_scoped3A_121 : memref<!tpu.dma_semaphore, #tpu.memory_space<semaphore_mem>>) {add = true}
        %dma_wait3A_128 = arith.constant 0 : i32
        %dma_wait3A_129 = arith.constant 0 : i32
        %dma_wait3A_130 = tpu.memref_slice %arg10[%dma_wait3A_128, %dma_wait3A_129] : memref<128x128xf32, #tpu.memory_space<vmem>> -> memref<16x128xf32, #tpu.memory_space<vmem>>
        %dma_wait3A_131 = arith.constant 0 : i32
        %dma_wait3A_132 = arith.constant 0 : i32
        %dma_wait3A_133 = tpu.memref_slice %arg14[%dma_wait3A_131, %dma_wait3A_132] : memref<10240x128xf32, #tpu.memory_space<vmem_shared>> -> memref<10240x128xf32, #tpu.memory_space<vmem_shared>>
        tpu.wait_indirect_dma semaphore(%run_scoped3A_121 : memref<!tpu.dma_semaphore, #tpu.memory_space<semaphore_mem>>) src(%dma_wait3A_130 : memref<16x128xf32, #tpu.memory_space<vmem>>) dst(%dma_wait3A_133 : memref<10240x128xf32, #tpu.memory_space<vmem_shared>>)
        tpu.yield
      }) : () -> ()
      %get3A_61 = arith.constant 16 : index
      %get3A_62 = tpu.vector_load %arg8[%get3A_61] {strides = array<i32>} : memref<128xi32, #tpu.memory_space<vmem>>, vector<16xi32>,
      %get3A_63 = vector.shape_cast %get3A_62 : vector<16xi32> to vector<16xi32>
      "tpu.region"() ({
        %run_scoped3A_121 = tpu.sem_alloc : memref<!tpu.dma_semaphore, #tpu.memory_space<semaphore_mem>>
        %dma_start3A_122 = arith.constant 16 : i32
        %dma_start3A_123 = arith.constant 0 : i32
        %dma_start3A_124 = tpu.memref_slice %arg10[%dma_start3A_122, %dma_start3A_123] : memref<128x128xf32, #tpu.memory_space<vmem>> -> memref<16x128xf32, #tpu.memory_space<vmem>>
        %dma_start3A_125 = arith.constant 0 : i32
        %dma_start3A_126 = arith.constant 0 : i32
        %dma_start3A_127 = tpu.memref_slice %arg14[%dma_start3A_125, %dma_start3A_126] : memref<10240x128xf32, #tpu.memory_space<vmem_shared>> -> memref<10240x128xf32, #tpu.memory_space<vmem_shared>>
        tpu.enqueue_indirect_dma source(%dma_start3A_124 : memref<16x128xf32, #tpu.memory_space<vmem>>) target(%dma_start3A_127 : memref<10240x128xf32, #tpu.memory_space<vmem_shared>>) offsets(%get3A_63 : vector<16xi32>) semaphore(%run_scoped3A_121 : memref<!tpu.dma_semaphore, #tpu.memory_space<semaphore_mem>>) {add = true}
        %dma_wait3A_128 = arith.constant 16 : i32
        %dma_wait3A_129 = arith.constant 0 : i32
        %dma_wait3A_130 = tpu.memref_slice %arg10[%dma_wait3A_128, %dma_wait3A_129] : memref<128x128xf32, #tpu.memory_space<vmem>> -> memref<16x128xf32, #tpu.memory_space<vmem>>
        %dma_wait3A_131 = arith.constant 0 : i32
        %dma_wait3A_132 = arith.constant 0 : i32
        %dma_wait3A_133 = tpu.memref_slice %arg14[%dma_wait3A_131, %dma_wait3A_132] : memref<10240x128xf32, #tpu.memory_space<vmem_shared>> -> memref<10240x128xf32, #tpu.memory_space<vmem_shared>>
        tpu.wait_indirect_dma semaphore(%run_scoped3A_121 : memref<!tpu.dma_semaphore, #tpu.memory_space<semaphore_mem>>) src(%dma_wait3A_130 : memref<16x128xf32, #tpu.memory_space<vmem>>) dst(%dma_wait3A_133 : memref<10240x128xf32, #tpu.memory_space<vmem_shared>>)
        tpu.yield
      }) : () -> ()
      %get3A_64 = arith.constant 32 : index
      %get3A_65 = tpu.vector_load %arg8[%get3A_64] {strides = array<i32>} : memref<128xi32, #tpu.memory_space<vmem>>, vector<16xi32>,
      %get3A_66 = vector.shape_cast %get3A_65 : vector<16xi32> to vector<16xi32>
      "tpu.region"() ({
        %run_scoped3A_121 = tpu.sem_alloc : memref<!tpu.dma_semaphore, #tpu.memory_space<semaphore_mem>>
        %dma_start3A_122 = arith.constant 32 : i32
        %dma_start3A_123 = arith.constant 0 : i32
        %dma_start3A_124 = tpu.memref_slice %arg10[%dma_start3A_122, %dma_start3A_123] : memref<128x128xf32, #tpu.memory_space<vmem>> -> memref<16x128xf32, #tpu.memory_space<vmem>>
        %dma_start3A_125 = arith.constant 0 : i32
        %dma_start3A_126 = arith.constant 0 : i32
        %dma_start3A_127 = tpu.memref_slice %arg14[%dma_start3A_125, %dma_start3A_126] : memref<10240x128xf32, #tpu.memory_space<vmem_shared>> -> memref<10240x128xf32, #tpu.memory_space<vmem_shared>>
        tpu.enqueue_indirect_dma source(%dma_start3A_124 : memref<16x128xf32, #tpu.memory_space<vmem>>) target(%dma_start3A_127 : memref<10240x128xf32, #tpu.memory_space<vmem_shared>>) offsets(%get3A_66 : vector<16xi32>) semaphore(%run_scoped3A_121 : memref<!tpu.dma_semaphore, #tpu.memory_space<semaphore_mem>>) {add = true}
        %dma_wait3A_128 = arith.constant 32 : i32
        %dma_wait3A_129 = arith.constant 0 : i32
        %dma_wait3A_130 = tpu.memref_slice %arg10[%dma_wait3A_128, %dma_wait3A_129] : memref<128x128xf32, #tpu.memory_space<vmem>> -> memref<16x128xf32, #tpu.memory_space<vmem>>
        %dma_wait3A_131 = arith.constant 0 : i32
        %dma_wait3A_132 = arith.constant 0 : i32
        %dma_wait3A_133 = tpu.memref_slice %arg14[%dma_wait3A_131, %dma_wait3A_132] : memref<10240x128xf32, #tpu.memory_space<vmem_shared>> -> memref<10240x128xf32, #tpu.memory_space<vmem_shared>>
        tpu.wait_indirect_dma semaphore(%run_scoped3A_121 : memref<!tpu.dma_semaphore, #tpu.memory_space<semaphore_mem>>) src(%dma_wait3A_130 : memref<16x128xf32, #tpu.memory_space<vmem>>) dst(%dma_wait3A_133 : memref<10240x128xf32, #tpu.memory_space<vmem_shared>>)
        tpu.yield
      }) : () -> ()
      %get3A_67 = arith.constant 48 : index
      %get3A_68 = tpu.vector_load %arg8[%get3A_67] {strides = array<i32>} : memref<128xi32, #tpu.memory_space<vmem>>, vector<16xi32>,
      %get3A_69 = vector.shape_cast %get3A_68 : vector<16xi32> to vector<16xi32>
      "tpu.region"() ({
        %run_scoped3A_121 = tpu.sem_alloc : memref<!tpu.dma_semaphore, #tpu.memory_space<semaphore_mem>>
        %dma_start3A_122 = arith.constant 48 : i32
        %dma_start3A_123 = arith.constant 0 : i32
        %dma_start3A_124 = tpu.memref_slice %arg10[%dma_start3A_122, %dma_start3A_123] : memref<128x128xf32, #tpu.memory_space<vmem>> -> memref<16x128xf32, #tpu.memory_space<vmem>>
        %dma_start3A_125 = arith.constant 0 : i32
        %dma_start3A_126 = arith.constant 0 : i32
        %dma_start3A_127 = tpu.memref_slice %arg14[%dma_start3A_125, %dma_start3A_126] : memref<10240x128xf32, #tpu.memory_space<vmem_shared>> -> memref<10240x128xf32, #tpu.memory_space<vmem_shared>>
        tpu.enqueue_indirect_dma source(%dma_start3A_124 : memref<16x128xf32, #tpu.memory_space<vmem>>) target(%dma_start3A_127 : memref<10240x128xf32, #tpu.memory_space<vmem_shared>>) offsets(%get3A_69 : vector<16xi32>) semaphore(%run_scoped3A_121 : memref<!tpu.dma_semaphore, #tpu.memory_space<semaphore_mem>>) {add = true}
        %dma_wait3A_128 = arith.constant 48 : i32
        %dma_wait3A_129 = arith.constant 0 : i32
        %dma_wait3A_130 = tpu.memref_slice %arg10[%dma_wait3A_128, %dma_wait3A_129] : memref<128x128xf32, #tpu.memory_space<vmem>> -> memref<16x128xf32, #tpu.memory_space<vmem>>
        %dma_wait3A_131 = arith.constant 0 : i32
        %dma_wait3A_132 = arith.constant 0 : i32
        %dma_wait3A_133 = tpu.memref_slice %arg14[%dma_wait3A_131, %dma_wait3A_132] : memref<10240x128xf32, #tpu.memory_space<vmem_shared>> -> memref<10240x128xf32, #tpu.memory_space<vmem_shared>>
        tpu.wait_indirect_dma semaphore(%run_scoped3A_121 : memref<!tpu.dma_semaphore, #tpu.memory_space<semaphore_mem>>) src(%dma_wait3A_130 : memref<16x128xf32, #tpu.memory_space<vmem>>) dst(%dma_wait3A_133 : memref<10240x128xf32, #tpu.memory_space<vmem_shared>>)
        tpu.yield
      }) : () -> ()
      %get3A_70 = arith.constant 64 : index
      %get3A_71 = tpu.vector_load %arg8[%get3A_70] {strides = array<i32>} : memref<128xi32, #tpu.memory_space<vmem>>, vector<16xi32>,
      %get3A_72 = vector.shape_cast %get3A_71 : vector<16xi32> to vector<16xi32>
      "tpu.region"() ({
        %run_scoped3A_121 = tpu.sem_alloc : memref<!tpu.dma_semaphore, #tpu.memory_space<semaphore_mem>>
        %dma_start3A_122 = arith.constant 64 : i32
        %dma_start3A_123 = arith.constant 0 : i32
        %dma_start3A_124 = tpu.memref_slice %arg10[%dma_start3A_122, %dma_start3A_123] : memref<128x128xf32, #tpu.memory_space<vmem>> -> memref<16x128xf32, #tpu.memory_space<vmem>>
        %dma_start3A_125 = arith.constant 0 : i32
        %dma_start3A_126 = arith.constant 0 : i32
        %dma_start3A_127 = tpu.memref_slice %arg14[%dma_start3A_125, %dma_start3A_126] : memref<10240x128xf32, #tpu.memory_space<vmem_shared>> -> memref<10240x128xf32, #tpu.memory_space<vmem_shared>>
        tpu.enqueue_indirect_dma source(%dma_start3A_124 : memref<16x128xf32, #tpu.memory_space<vmem>>) target(%dma_start3A_127 : memref<10240x128xf32, #tpu.memory_space<vmem_shared>>) offsets(%get3A_72 : vector<16xi32>) semaphore(%run_scoped3A_121 : memref<!tpu.dma_semaphore, #tpu.memory_space<semaphore_mem>>) {add = true}
        %dma_wait3A_128 = arith.constant 64 : i32
        %dma_wait3A_129 = arith.constant 0 : i32
        %dma_wait3A_130 = tpu.memref_slice %arg10[%dma_wait3A_128, %dma_wait3A_129] : memref<128x128xf32, #tpu.memory_space<vmem>> -> memref<16x128xf32, #tpu.memory_space<vmem>>
        %dma_wait3A_131 = arith.constant 0 : i32
        %dma_wait3A_132 = arith.constant 0 : i32
        %dma_wait3A_133 = tpu.memref_slice %arg14[%dma_wait3A_131, %dma_wait3A_132] : memref<10240x128xf32, #tpu.memory_space<vmem_shared>> -> memref<10240x128xf32, #tpu.memory_space<vmem_shared>>
        tpu.wait_indirect_dma semaphore(%run_scoped3A_121 : memref<!tpu.dma_semaphore, #tpu.memory_space<semaphore_mem>>) src(%dma_wait3A_130 : memref<16x128xf32, #tpu.memory_space<vmem>>) dst(%dma_wait3A_133 : memref<10240x128xf32, #tpu.memory_space<vmem_shared>>)
        tpu.yield
      }) : () -> ()
      %get3A_73 = arith.constant 80 : index
      %get3A_74 = tpu.vector_load %arg8[%get3A_73] {strides = array<i32>} : memref<128xi32, #tpu.memory_space<vmem>>, vector<16xi32>,
      %get3A_75 = vector.shape_cast %get3A_74 : vector<16xi32> to vector<16xi32>
      "tpu.region"() ({
        %run_scoped3A_121 = tpu.sem_alloc : memref<!tpu.dma_semaphore, #tpu.memory_space<semaphore_mem>>
        %dma_start3A_122 = arith.constant 80 : i32
        %dma_start3A_123 = arith.constant 0 : i32
        %dma_start3A_124 = tpu.memref_slice %arg10[%dma_start3A_122, %dma_start3A_123] : memref<128x128xf32, #tpu.memory_space<vmem>> -> memref<16x128xf32, #tpu.memory_space<vmem>>
        %dma_start3A_125 = arith.constant 0 : i32
        %dma_start3A_126 = arith.constant 0 : i32
        %dma_start3A_127 = tpu.memref_slice %arg14[%dma_start3A_125, %dma_start3A_126] : memref<10240x128xf32, #tpu.memory_space<vmem_shared>> -> memref<10240x128xf32, #tpu.memory_space<vmem_shared>>
        tpu.enqueue_indirect_dma source(%dma_start3A_124 : memref<16x128xf32, #tpu.memory_space<vmem>>) target(%dma_start3A_127 : memref<10240x128xf32, #tpu.memory_space<vmem_shared>>) offsets(%get3A_75 : vector<16xi32>) semaphore(%run_scoped3A_121 : memref<!tpu.dma_semaphore, #tpu.memory_space<semaphore_mem>>) {add = true}
        %dma_wait3A_128 = arith.constant 80 : i32
        %dma_wait3A_129 = arith.constant 0 : i32
        %dma_wait3A_130 = tpu.memref_slice %arg10[%dma_wait3A_128, %dma_wait3A_129] : memref<128x128xf32, #tpu.memory_space<vmem>> -> memref<16x128xf32, #tpu.memory_space<vmem>>
        %dma_wait3A_131 = arith.constant 0 : i32
        %dma_wait3A_132 = arith.constant 0 : i32
        %dma_wait3A_133 = tpu.memref_slice %arg14[%dma_wait3A_131, %dma_wait3A_132] : memref<10240x128xf32, #tpu.memory_space<vmem_shared>> -> memref<10240x128xf32, #tpu.memory_space<vmem_shared>>
        tpu.wait_indirect_dma semaphore(%run_scoped3A_121 : memref<!tpu.dma_semaphore, #tpu.memory_space<semaphore_mem>>) src(%dma_wait3A_130 : memref<16x128xf32, #tpu.memory_space<vmem>>) dst(%dma_wait3A_133 : memref<10240x128xf32, #tpu.memory_space<vmem_shared>>)
        tpu.yield
      }) : () -> ()
      %get3A_76 = arith.constant 96 : index
      %get3A_77 = tpu.vector_load %arg8[%get3A_76] {strides = array<i32>} : memref<128xi32, #tpu.memory_space<vmem>>, vector<16xi32>,
      %get3A_78 = vector.shape_cast %get3A_77 : vector<16xi32> to vector<16xi32>
      "tpu.region"() ({
        %run_scoped3A_121 = tpu.sem_alloc : memref<!tpu.dma_semaphore, #tpu.memory_space<semaphore_mem>>
        %dma_start3A_122 = arith.constant 96 : i32
        %dma_start3A_123 = arith.constant 0 : i32
        %dma_start3A_124 = tpu.memref_slice %arg10[%dma_start3A_122, %dma_start3A_123] : memref<128x128xf32, #tpu.memory_space<vmem>> -> memref<16x128xf32, #tpu.memory_space<vmem>>
        %dma_start3A_125 = arith.constant 0 : i32
        %dma_start3A_126 = arith.constant 0 : i32
        %dma_start3A_127 = tpu.memref_slice %arg14[%dma_start3A_125, %dma_start3A_126] : memref<10240x128xf32, #tpu.memory_space<vmem_shared>> -> memref<10240x128xf32, #tpu.memory_space<vmem_shared>>
        tpu.enqueue_indirect_dma source(%dma_start3A_124 : memref<16x128xf32, #tpu.memory_space<vmem>>) target(%dma_start3A_127 : memref<10240x128xf32, #tpu.memory_space<vmem_shared>>) offsets(%get3A_78 : vector<16xi32>) semaphore(%run_scoped3A_121 : memref<!tpu.dma_semaphore, #tpu.memory_space<semaphore_mem>>) {add = true}
        %dma_wait3A_128 = arith.constant 96 : i32
        %dma_wait3A_129 = arith.constant 0 : i32
        %dma_wait3A_130 = tpu.memref_slice %arg10[%dma_wait3A_128, %dma_wait3A_129] : memref<128x128xf32, #tpu.memory_space<vmem>> -> memref<16x128xf32, #tpu.memory_space<vmem>>
        %dma_wait3A_131 = arith.constant 0 : i32
        %dma_wait3A_132 = arith.constant 0 : i32
        %dma_wait3A_133 = tpu.memref_slice %arg14[%dma_wait3A_131, %dma_wait3A_132] : memref<10240x128xf32, #tpu.memory_space<vmem_shared>> -> memref<10240x128xf32, #tpu.memory_space<vmem_shared>>
        tpu.wait_indirect_dma semaphore(%run_scoped3A_121 : memref<!tpu.dma_semaphore, #tpu.memory_space<semaphore_mem>>) src(%dma_wait3A_130 : memref<16x128xf32, #tpu.memory_space<vmem>>) dst(%dma_wait3A_133 : memref<10240x128xf32, #tpu.memory_space<vmem_shared>>)
        tpu.yield
      }) : () -> ()
      %get3A_79 = arith.constant 112 : index
      %get3A_80 = tpu.vector_load %arg8[%get3A_79] {strides = array<i32>} : memref<128xi32, #tpu.memory_space<vmem>>, vector<16xi32>,
      %get3A_81 = vector.shape_cast %get3A_80 : vector<16xi32> to vector<16xi32>
      "tpu.region"() ({
        %run_scoped3A_121 = tpu.sem_alloc : memref<!tpu.dma_semaphore, #tpu.memory_space<semaphore_mem>>
        %dma_start3A_122 = arith.constant 112 : i32
        %dma_start3A_123 = arith.constant 0 : i32
        %dma_start3A_124 = tpu.memref_slice %arg10[%dma_start3A_122, %dma_start3A_123] : memref<128x128xf32, #tpu.memory_space<vmem>> -> memref<16x128xf32, #tpu.memory_space<vmem>>
        %dma_start3A_125 = arith.constant 0 : i32
        %dma_start3A_126 = arith.constant 0 : i32
        %dma_start3A_127 = tpu.memref_slice %arg14[%dma_start3A_125, %dma_start3A_126] : memref<10240x128xf32, #tpu.memory_space<vmem_shared>> -> memref<10240x128xf32, #tpu.memory_space<vmem_shared>>
        tpu.enqueue_indirect_dma source(%dma_start3A_124 : memref<16x128xf32, #tpu.memory_space<vmem>>) target(%dma_start3A_127 : memref<10240x128xf32, #tpu.memory_space<vmem_shared>>) offsets(%get3A_81 : vector<16xi32>) semaphore(%run_scoped3A_121 : memref<!tpu.dma_semaphore, #tpu.memory_space<semaphore_mem>>) {add = true}
        %dma_wait3A_128 = arith.constant 112 : i32
        %dma_wait3A_129 = arith.constant 0 : i32
        %dma_wait3A_130 = tpu.memref_slice %arg10[%dma_wait3A_128, %dma_wait3A_129] : memref<128x128xf32, #tpu.memory_space<vmem>> -> memref<16x128xf32, #tpu.memory_space<vmem>>
        %dma_wait3A_131 = arith.constant 0 : i32
        %dma_wait3A_132 = arith.constant 0 : i32
        %dma_wait3A_133 = tpu.memref_slice %arg14[%dma_wait3A_131, %dma_wait3A_132] : memref<10240x128xf32, #tpu.memory_space<vmem_shared>> -> memref<10240x128xf32, #tpu.memory_space<vmem_shared>>
        tpu.wait_indirect_dma semaphore(%run_scoped3A_121 : memref<!tpu.dma_semaphore, #tpu.memory_space<semaphore_mem>>) src(%dma_wait3A_130 : memref<16x128xf32, #tpu.memory_space<vmem>>) dst(%dma_wait3A_133 : memref<10240x128xf32, #tpu.memory_space<vmem_shared>>)
        tpu.yield
      }) : () -> ()
      %add3A_82 = arith.constant 2 : i32
      %add3A_83 = arith.addi %mul3A_56, %add3A_82 : i32
      %lt3A = arith.constant 80 : i32
      %lt3A_84 = arith.cmpi slt, %add3A_83, %lt3A : i32
      %convert_element_type3A = arith.extui %lt3A_84 : i1 to i32
      %cond3A = arith.constant 0 : i32
      %cond3A_85 = arith.cmpi ne, %convert_element_type3A, %cond3A : i32
      scf.if %cond3A_85 {
        %add3A_121 = arith.constant 2 : i32
        %add3A_122 = arith.addi %mul3A_56, %add3A_121 : i32
        "tpu.region"() ({
          %run_scoped3A_126 = tpu.sem_alloc : memref<!tpu.dma_semaphore, #tpu.memory_space<semaphore_mem>>
          %dma_start3A_127 = arith.constant 0 : i32
          %dma_start3A_128 = tpu.memref_slice %arg3[%add3A, %add3A_122, %dma_start3A_127] : memref<32x80x128xi32, #tpu.memory_space<hbm>> -> memref<1x1x128xi32, #tpu.memory_space<hbm>>
          %dma_start3A_129 = tpu.memref_squeeze %dma_start3A_128 : memref<1x1x128xi32, #tpu.memory_space<hbm>> -> memref<128xi32, #tpu.memory_space<hbm>>
          %dma_start3A_130 = arith.constant 0 : i32
          %dma_start3A_131 = tpu.memref_slice %arg3[%add3A, %add3A_122, %dma_start3A_130] : memref<32x80x128xi32, #tpu.memory_space<hbm>> -> memref<1x1x128xi32, #tpu.memory_space<hbm>>
          %dma_start3A_132 = tpu.memref_squeeze %dma_start3A_131 : memref<1x1x128xi32, #tpu.memory_space<hbm>> -> memref<128xi32, #tpu.memory_space<hbm>>
          tpu.enqueue_dma source(%dma_start3A_132 : memref<128xi32, #tpu.memory_space<hbm>>) target(%arg6 : memref<128xi32, #tpu.memory_space<vmem>>) target_semaphore(%run_scoped3A_126 : memref<!tpu.dma_semaphore, #tpu.memory_space<semaphore_mem>>)
          %dma_wait3A_133 = arith.constant 0 : i32
          %dma_wait3A_134 = tpu.memref_slice %arg3[%add3A, %add3A_122, %dma_wait3A_133] : memref<32x80x128xi32, #tpu.memory_space<hbm>> -> memref<1x1x128xi32, #tpu.memory_space<hbm>>
          %dma_wait3A_135 = tpu.memref_squeeze %dma_wait3A_134 : memref<1x1x128xi32, #tpu.memory_space<hbm>> -> memref<128xi32, #tpu.memory_space<hbm>>
          %dma_wait3A_136 = arith.constant 0 : i32
          %dma_wait3A_137 = tpu.memref_slice %arg3[%add3A, %add3A_122, %dma_wait3A_136] : memref<32x80x128xi32, #tpu.memory_space<hbm>> -> memref<1x1x128xi32, #tpu.memory_space<hbm>>
          %dma_wait3A_138 = tpu.memref_squeeze %dma_wait3A_137 : memref<1x1x128xi32, #tpu.memory_space<hbm>> -> memref<128xi32, #tpu.memory_space<hbm>>
          tpu.wait_dma2 semaphore(%run_scoped3A_126 : memref<!tpu.dma_semaphore, #tpu.memory_space<semaphore_mem>>) src(%dma_wait3A_138 : memref<128xi32, #tpu.memory_space<hbm>>) dst(%arg6 : memref<128xi32, #tpu.memory_space<vmem>>)
          tpu.yield
        }) : () -> ()
        "tpu.region"() ({
          %run_scoped3A_126 = tpu.sem_alloc : memref<!tpu.dma_semaphore, #tpu.memory_space<semaphore_mem>>
          %dma_start3A_127 = arith.constant 0 : i32
          %dma_start3A_128 = tpu.memref_slice %arg4[%add3A, %add3A_122, %dma_start3A_127] : memref<32x80x128xi32, #tpu.memory_space<hbm>> -> memref<1x1x128xi32, #tpu.memory_space<hbm>>
          %dma_start3A_129 = tpu.memref_squeeze %dma_start3A_128 : memref<1x1x128xi32, #tpu.memory_space<hbm>> -> memref<128xi32, #tpu.memory_space<hbm>>
          %dma_start3A_130 = arith.constant 0 : i32
          %dma_start3A_131 = tpu.memref_slice %arg4[%add3A, %add3A_122, %dma_start3A_130] : memref<32x80x128xi32, #tpu.memory_space<hbm>> -> memref<1x1x128xi32, #tpu.memory_space<hbm>>
          %dma_start3A_132 = tpu.memref_squeeze %dma_start3A_131 : memref<1x1x128xi32, #tpu.memory_space<hbm>> -> memref<128xi32, #tpu.memory_space<hbm>>
          tpu.enqueue_dma source(%dma_start3A_132 : memref<128xi32, #tpu.memory_space<hbm>>) target(%arg8 : memref<128xi32, #tpu.memory_space<vmem>>) target_semaphore(%run_scoped3A_126 : memref<!tpu.dma_semaphore, #tpu.memory_space<semaphore_mem>>)
          %dma_wait3A_133 = arith.constant 0 : i32
          %dma_wait3A_134 = tpu.memref_slice %arg4[%add3A, %add3A_122, %dma_wait3A_133] : memref<32x80x128xi32, #tpu.memory_space<hbm>> -> memref<1x1x128xi32, #tpu.memory_space<hbm>>
          %dma_wait3A_135 = tpu.memref_squeeze %dma_wait3A_134 : memref<1x1x128xi32, #tpu.memory_space<hbm>> -> memref<128xi32, #tpu.memory_space<hbm>>
          %dma_wait3A_136 = arith.constant 0 : i32
          %dma_wait3A_137 = tpu.memref_slice %arg4[%add3A, %add3A_122, %dma_wait3A_136] : memref<32x80x128xi32, #tpu.memory_space<hbm>> -> memref<1x1x128xi32, #tpu.memory_space<hbm>>
          %dma_wait3A_138 = tpu.memref_squeeze %dma_wait3A_137 : memref<1x1x128xi32, #tpu.memory_space<hbm>> -> memref<128xi32, #tpu.memory_space<hbm>>
          tpu.wait_dma2 semaphore(%run_scoped3A_126 : memref<!tpu.dma_semaphore, #tpu.memory_space<semaphore_mem>>) src(%dma_wait3A_138 : memref<128xi32, #tpu.memory_space<hbm>>) dst(%arg8 : memref<128xi32, #tpu.memory_space<vmem>>)
          tpu.yield
        }) : () -> ()
        %dma_start3A_123 = arith.constant 0 : i32
        %dma_start3A_124 = arith.constant 0 : i32
        %dma_start3A_125 = tpu.memref_slice %arg2[%dma_start3A_123, %dma_start3A_124] : memref<10240x128xf32, #tpu.memory_space<hbm>> -> memref<10240x128xf32, #tpu.memory_space<hbm>>
        tpu.enqueue_indirect_dma source(%dma_start3A_125 : memref<10240x128xf32, #tpu.memory_space<hbm>>) target(%arg10 : memref<128x128xf32, #tpu.memory_space<vmem>>) offsets(%arg6 : memref<128xi32, #tpu.memory_space<vmem>>) semaphore(%arg15 : memref<!tpu.dma_semaphore, #tpu.memory_space<semaphore_mem>>)
      } else {
      }
      %dma_wait3A_86 = arith.constant 0 : i32
      %dma_wait3A_87 = arith.constant 0 : i32
      %dma_wait3A_88 = tpu.memref_slice %arg2[%dma_wait3A_86, %dma_wait3A_87] : memref<10240x128xf32, #tpu.memory_space<hbm>> -> memref<10240x128xf32, #tpu.memory_space<hbm>>
      tpu.wait_indirect_dma semaphore(%arg16 : memref<!tpu.dma_semaphore, #tpu.memory_space<semaphore_mem>>) src(%dma_wait3A_88 : memref<10240x128xf32, #tpu.memory_space<hbm>>) dst(%arg11 : memref<128x128xf32, #tpu.memory_space<vmem>>)
      %get3A_89 = arith.constant 0 : index
      %get3A_90 = tpu.vector_load %arg9[%get3A_89] {strides = array<i32>} : memref<128xi32, #tpu.memory_space<vmem>>, vector<16xi32>,
      %get3A_91 = vector.shape_cast %get3A_90 : vector<16xi32> to vector<16xi32>
      "tpu.region"() ({
        %run_scoped3A_121 = tpu.sem_alloc : memref<!tpu.dma_semaphore, #tpu.memory_space<semaphore_mem>>
        %dma_start3A_122 = arith.constant 0 : i32
        %dma_start3A_123 = arith.constant 0 : i32
        %dma_start3A_124 = tpu.memref_slice %arg11[%dma_start3A_122, %dma_start3A_123] : memref<128x128xf32, #tpu.memory_space<vmem>> -> memref<16x128xf32, #tpu.memory_space<vmem>>
        %dma_start3A_125 = arith.constant 0 : i32
        %dma_start3A_126 = arith.constant 0 : i32
        %dma_start3A_127 = tpu.memref_slice %arg14[%dma_start3A_125, %dma_start3A_126] : memref<10240x128xf32, #tpu.memory_space<vmem_shared>> -> memref<10240x128xf32, #tpu.memory_space<vmem_shared>>
        tpu.enqueue_indirect_dma source(%dma_start3A_124 : memref<16x128xf32, #tpu.memory_space<vmem>>) target(%dma_start3A_127 : memref<10240x128xf32, #tpu.memory_space<vmem_shared>>) offsets(%get3A_91 : vector<16xi32>) semaphore(%run_scoped3A_121 : memref<!tpu.dma_semaphore, #tpu.memory_space<semaphore_mem>>) {add = true}
        %dma_wait3A_128 = arith.constant 0 : i32
        %dma_wait3A_129 = arith.constant 0 : i32
        %dma_wait3A_130 = tpu.memref_slice %arg11[%dma_wait3A_128, %dma_wait3A_129] : memref<128x128xf32, #tpu.memory_space<vmem>> -> memref<16x128xf32, #tpu.memory_space<vmem>>
        %dma_wait3A_131 = arith.constant 0 : i32
        %dma_wait3A_132 = arith.constant 0 : i32
        %dma_wait3A_133 = tpu.memref_slice %arg14[%dma_wait3A_131, %dma_wait3A_132] : memref<10240x128xf32, #tpu.memory_space<vmem_shared>> -> memref<10240x128xf32, #tpu.memory_space<vmem_shared>>
        tpu.wait_indirect_dma semaphore(%run_scoped3A_121 : memref<!tpu.dma_semaphore, #tpu.memory_space<semaphore_mem>>) src(%dma_wait3A_130 : memref<16x128xf32, #tpu.memory_space<vmem>>) dst(%dma_wait3A_133 : memref<10240x128xf32, #tpu.memory_space<vmem_shared>>)
        tpu.yield
      }) : () -> ()
      %get3A_92 = arith.constant 16 : index
      %get3A_93 = tpu.vector_load %arg9[%get3A_92] {strides = array<i32>} : memref<128xi32, #tpu.memory_space<vmem>>, vector<16xi32>,
      %get3A_94 = vector.shape_cast %get3A_93 : vector<16xi32> to vector<16xi32>
      "tpu.region"() ({
        %run_scoped3A_121 = tpu.sem_alloc : memref<!tpu.dma_semaphore, #tpu.memory_space<semaphore_mem>>
        %dma_start3A_122 = arith.constant 16 : i32
        %dma_start3A_123 = arith.constant 0 : i32
        %dma_start3A_124 = tpu.memref_slice %arg11[%dma_start3A_122, %dma_start3A_123] : memref<128x128xf32, #tpu.memory_space<vmem>> -> memref<16x128xf32, #tpu.memory_space<vmem>>
        %dma_start3A_125 = arith.constant 0 : i32
        %dma_start3A_126 = arith.constant 0 : i32
        %dma_start3A_127 = tpu.memref_slice %arg14[%dma_start3A_125, %dma_start3A_126] : memref<10240x128xf32, #tpu.memory_space<vmem_shared>> -> memref<10240x128xf32, #tpu.memory_space<vmem_shared>>
        tpu.enqueue_indirect_dma source(%dma_start3A_124 : memref<16x128xf32, #tpu.memory_space<vmem>>) target(%dma_start3A_127 : memref<10240x128xf32, #tpu.memory_space<vmem_shared>>) offsets(%get3A_94 : vector<16xi32>) semaphore(%run_scoped3A_121 : memref<!tpu.dma_semaphore, #tpu.memory_space<semaphore_mem>>) {add = true}
        %dma_wait3A_128 = arith.constant 16 : i32
        %dma_wait3A_129 = arith.constant 0 : i32
        %dma_wait3A_130 = tpu.memref_slice %arg11[%dma_wait3A_128, %dma_wait3A_129] : memref<128x128xf32, #tpu.memory_space<vmem>> -> memref<16x128xf32, #tpu.memory_space<vmem>>
        %dma_wait3A_131 = arith.constant 0 : i32
        %dma_wait3A_132 = arith.constant 0 : i32
        %dma_wait3A_133 = tpu.memref_slice %arg14[%dma_wait3A_131, %dma_wait3A_132] : memref<10240x128xf32, #tpu.memory_space<vmem_shared>> -> memref<10240x128xf32, #tpu.memory_space<vmem_shared>>
        tpu.wait_indirect_dma semaphore(%run_scoped3A_121 : memref<!tpu.dma_semaphore, #tpu.memory_space<semaphore_mem>>) src(%dma_wait3A_130 : memref<16x128xf32, #tpu.memory_space<vmem>>) dst(%dma_wait3A_133 : memref<10240x128xf32, #tpu.memory_space<vmem_shared>>)
        tpu.yield
      }) : () -> ()
      %get3A_95 = arith.constant 32 : index
      %get3A_96 = tpu.vector_load %arg9[%get3A_95] {strides = array<i32>} : memref<128xi32, #tpu.memory_space<vmem>>, vector<16xi32>,
      %get3A_97 = vector.shape_cast %get3A_96 : vector<16xi32> to vector<16xi32>
      "tpu.region"() ({
        %run_scoped3A_121 = tpu.sem_alloc : memref<!tpu.dma_semaphore, #tpu.memory_space<semaphore_mem>>
        %dma_start3A_122 = arith.constant 32 : i32
        %dma_start3A_123 = arith.constant 0 : i32
        %dma_start3A_124 = tpu.memref_slice %arg11[%dma_start3A_122, %dma_start3A_123] : memref<128x128xf32, #tpu.memory_space<vmem>> -> memref<16x128xf32, #tpu.memory_space<vmem>>
        %dma_start3A_125 = arith.constant 0 : i32
        %dma_start3A_126 = arith.constant 0 : i32
        %dma_start3A_127 = tpu.memref_slice %arg14[%dma_start3A_125, %dma_start3A_126] : memref<10240x128xf32, #tpu.memory_space<vmem_shared>> -> memref<10240x128xf32, #tpu.memory_space<vmem_shared>>
        tpu.enqueue_indirect_dma source(%dma_start3A_124 : memref<16x128xf32, #tpu.memory_space<vmem>>) target(%dma_start3A_127 : memref<10240x128xf32, #tpu.memory_space<vmem_shared>>) offsets(%get3A_97 : vector<16xi32>) semaphore(%run_scoped3A_121 : memref<!tpu.dma_semaphore, #tpu.memory_space<semaphore_mem>>) {add = true}
        %dma_wait3A_128 = arith.constant 32 : i32
        %dma_wait3A_129 = arith.constant 0 : i32
        %dma_wait3A_130 = tpu.memref_slice %arg11[%dma_wait3A_128, %dma_wait3A_129] : memref<128x128xf32, #tpu.memory_space<vmem>> -> memref<16x128xf32, #tpu.memory_space<vmem>>
        %dma_wait3A_131 = arith.constant 0 : i32
        %dma_wait3A_132 = arith.constant 0 : i32
        %dma_wait3A_133 = tpu.memref_slice %arg14[%dma_wait3A_131, %dma_wait3A_132] : memref<10240x128xf32, #tpu.memory_space<vmem_shared>> -> memref<10240x128xf32, #tpu.memory_space<vmem_shared>>
        tpu.wait_indirect_dma semaphore(%run_scoped3A_121 : memref<!tpu.dma_semaphore, #tpu.memory_space<semaphore_mem>>) src(%dma_wait3A_130 : memref<16x128xf32, #tpu.memory_space<vmem>>) dst(%dma_wait3A_133 : memref<10240x128xf32, #tpu.memory_space<vmem_shared>>)
        tpu.yield
      }) : () -> ()
      %get3A_98 = arith.constant 48 : index
      %get3A_99 = tpu.vector_load %arg9[%get3A_98] {strides = array<i32>} : memref<128xi32, #tpu.memory_space<vmem>>, vector<16xi32>,
      %get3A_100 = vector.shape_cast %get3A_99 : vector<16xi32> to vector<16xi32>
      "tpu.region"() ({
        %run_scoped3A_121 = tpu.sem_alloc : memref<!tpu.dma_semaphore, #tpu.memory_space<semaphore_mem>>
        %dma_start3A_122 = arith.constant 48 : i32
        %dma_start3A_123 = arith.constant 0 : i32
        %dma_start3A_124 = tpu.memref_slice %arg11[%dma_start3A_122, %dma_start3A_123] : memref<128x128xf32, #tpu.memory_space<vmem>> -> memref<16x128xf32, #tpu.memory_space<vmem>>
        %dma_start3A_125 = arith.constant 0 : i32
        %dma_start3A_126 = arith.constant 0 : i32
        %dma_start3A_127 = tpu.memref_slice %arg14[%dma_start3A_125, %dma_start3A_126] : memref<10240x128xf32, #tpu.memory_space<vmem_shared>> -> memref<10240x128xf32, #tpu.memory_space<vmem_shared>>
        tpu.enqueue_indirect_dma source(%dma_start3A_124 : memref<16x128xf32, #tpu.memory_space<vmem>>) target(%dma_start3A_127 : memref<10240x128xf32, #tpu.memory_space<vmem_shared>>) offsets(%get3A_100 : vector<16xi32>) semaphore(%run_scoped3A_121 : memref<!tpu.dma_semaphore, #tpu.memory_space<semaphore_mem>>) {add = true}
        %dma_wait3A_128 = arith.constant 48 : i32
        %dma_wait3A_129 = arith.constant 0 : i32
        %dma_wait3A_130 = tpu.memref_slice %arg11[%dma_wait3A_128, %dma_wait3A_129] : memref<128x128xf32, #tpu.memory_space<vmem>> -> memref<16x128xf32, #tpu.memory_space<vmem>>
        %dma_wait3A_131 = arith.constant 0 : i32
        %dma_wait3A_132 = arith.constant 0 : i32
        %dma_wait3A_133 = tpu.memref_slice %arg14[%dma_wait3A_131, %dma_wait3A_132] : memref<10240x128xf32, #tpu.memory_space<vmem_shared>> -> memref<10240x128xf32, #tpu.memory_space<vmem_shared>>
        tpu.wait_indirect_dma semaphore(%run_scoped3A_121 : memref<!tpu.dma_semaphore, #tpu.memory_space<semaphore_mem>>) src(%dma_wait3A_130 : memref<16x128xf32, #tpu.memory_space<vmem>>) dst(%dma_wait3A_133 : memref<10240x128xf32, #tpu.memory_space<vmem_shared>>)
        tpu.yield
      }) : () -> ()
      %get3A_101 = arith.constant 64 : index
      %get3A_102 = tpu.vector_load %arg9[%get3A_101] {strides = array<i32>} : memref<128xi32, #tpu.memory_space<vmem>>, vector<16xi32>,
      %get3A_103 = vector.shape_cast %get3A_102 : vector<16xi32> to vector<16xi32>
      "tpu.region"() ({
        %run_scoped3A_121 = tpu.sem_alloc : memref<!tpu.dma_semaphore, #tpu.memory_space<semaphore_mem>>
        %dma_start3A_122 = arith.constant 64 : i32
        %dma_start3A_123 = arith.constant 0 : i32
        %dma_start3A_124 = tpu.memref_slice %arg11[%dma_start3A_122, %dma_start3A_123] : memref<128x128xf32, #tpu.memory_space<vmem>> -> memref<16x128xf32, #tpu.memory_space<vmem>>
        %dma_start3A_125 = arith.constant 0 : i32
        %dma_start3A_126 = arith.constant 0 : i32
        %dma_start3A_127 = tpu.memref_slice %arg14[%dma_start3A_125, %dma_start3A_126] : memref<10240x128xf32, #tpu.memory_space<vmem_shared>> -> memref<10240x128xf32, #tpu.memory_space<vmem_shared>>
        tpu.enqueue_indirect_dma source(%dma_start3A_124 : memref<16x128xf32, #tpu.memory_space<vmem>>) target(%dma_start3A_127 : memref<10240x128xf32, #tpu.memory_space<vmem_shared>>) offsets(%get3A_103 : vector<16xi32>) semaphore(%run_scoped3A_121 : memref<!tpu.dma_semaphore, #tpu.memory_space<semaphore_mem>>) {add = true}
        %dma_wait3A_128 = arith.constant 64 : i32
        %dma_wait3A_129 = arith.constant 0 : i32
        %dma_wait3A_130 = tpu.memref_slice %arg11[%dma_wait3A_128, %dma_wait3A_129] : memref<128x128xf32, #tpu.memory_space<vmem>> -> memref<16x128xf32, #tpu.memory_space<vmem>>
        %dma_wait3A_131 = arith.constant 0 : i32
        %dma_wait3A_132 = arith.constant 0 : i32
        %dma_wait3A_133 = tpu.memref_slice %arg14[%dma_wait3A_131, %dma_wait3A_132] : memref<10240x128xf32, #tpu.memory_space<vmem_shared>> -> memref<10240x128xf32, #tpu.memory_space<vmem_shared>>
        tpu.wait_indirect_dma semaphore(%run_scoped3A_121 : memref<!tpu.dma_semaphore, #tpu.memory_space<semaphore_mem>>) src(%dma_wait3A_130 : memref<16x128xf32, #tpu.memory_space<vmem>>) dst(%dma_wait3A_133 : memref<10240x128xf32, #tpu.memory_space<vmem_shared>>)
        tpu.yield
      }) : () -> ()
      %get3A_104 = arith.constant 80 : index
      %get3A_105 = tpu.vector_load %arg9[%get3A_104] {strides = array<i32>} : memref<128xi32, #tpu.memory_space<vmem>>, vector<16xi32>,
      %get3A_106 = vector.shape_cast %get3A_105 : vector<16xi32> to vector<16xi32>
      "tpu.region"() ({
        %run_scoped3A_121 = tpu.sem_alloc : memref<!tpu.dma_semaphore, #tpu.memory_space<semaphore_mem>>
        %dma_start3A_122 = arith.constant 80 : i32
        %dma_start3A_123 = arith.constant 0 : i32
        %dma_start3A_124 = tpu.memref_slice %arg11[%dma_start3A_122, %dma_start3A_123] : memref<128x128xf32, #tpu.memory_space<vmem>> -> memref<16x128xf32, #tpu.memory_space<vmem>>
        %dma_start3A_125 = arith.constant 0 : i32
        %dma_start3A_126 = arith.constant 0 : i32
        %dma_start3A_127 = tpu.memref_slice %arg14[%dma_start3A_125, %dma_start3A_126] : memref<10240x128xf32, #tpu.memory_space<vmem_shared>> -> memref<10240x128xf32, #tpu.memory_space<vmem_shared>>
        tpu.enqueue_indirect_dma source(%dma_start3A_124 : memref<16x128xf32, #tpu.memory_space<vmem>>) target(%dma_start3A_127 : memref<10240x128xf32, #tpu.memory_space<vmem_shared>>) offsets(%get3A_106 : vector<16xi32>) semaphore(%run_scoped3A_121 : memref<!tpu.dma_semaphore, #tpu.memory_space<semaphore_mem>>) {add = true}
        %dma_wait3A_128 = arith.constant 80 : i32
        %dma_wait3A_129 = arith.constant 0 : i32
        %dma_wait3A_130 = tpu.memref_slice %arg11[%dma_wait3A_128, %dma_wait3A_129] : memref<128x128xf32, #tpu.memory_space<vmem>> -> memref<16x128xf32, #tpu.memory_space<vmem>>
        %dma_wait3A_131 = arith.constant 0 : i32
        %dma_wait3A_132 = arith.constant 0 : i32
        %dma_wait3A_133 = tpu.memref_slice %arg14[%dma_wait3A_131, %dma_wait3A_132] : memref<10240x128xf32, #tpu.memory_space<vmem_shared>> -> memref<10240x128xf32, #tpu.memory_space<vmem_shared>>
        tpu.wait_indirect_dma semaphore(%run_scoped3A_121 : memref<!tpu.dma_semaphore, #tpu.memory_space<semaphore_mem>>) src(%dma_wait3A_130 : memref<16x128xf32, #tpu.memory_space<vmem>>) dst(%dma_wait3A_133 : memref<10240x128xf32, #tpu.memory_space<vmem_shared>>)
        tpu.yield
      }) : () -> ()
      %get3A_107 = arith.constant 96 : index
      %get3A_108 = tpu.vector_load %arg9[%get3A_107] {strides = array<i32>} : memref<128xi32, #tpu.memory_space<vmem>>, vector<16xi32>,
      %get3A_109 = vector.shape_cast %get3A_108 : vector<16xi32> to vector<16xi32>
      "tpu.region"() ({
        %run_scoped3A_121 = tpu.sem_alloc : memref<!tpu.dma_semaphore, #tpu.memory_space<semaphore_mem>>
        %dma_start3A_122 = arith.constant 96 : i32
        %dma_start3A_123 = arith.constant 0 : i32
        %dma_start3A_124 = tpu.memref_slice %arg11[%dma_start3A_122, %dma_start3A_123] : memref<128x128xf32, #tpu.memory_space<vmem>> -> memref<16x128xf32, #tpu.memory_space<vmem>>
        %dma_start3A_125 = arith.constant 0 : i32
        %dma_start3A_126 = arith.constant 0 : i32
        %dma_start3A_127 = tpu.memref_slice %arg14[%dma_start3A_125, %dma_start3A_126] : memref<10240x128xf32, #tpu.memory_space<vmem_shared>> -> memref<10240x128xf32, #tpu.memory_space<vmem_shared>>
        tpu.enqueue_indirect_dma source(%dma_start3A_124 : memref<16x128xf32, #tpu.memory_space<vmem>>) target(%dma_start3A_127 : memref<10240x128xf32, #tpu.memory_space<vmem_shared>>) offsets(%get3A_109 : vector<16xi32>) semaphore(%run_scoped3A_121 : memref<!tpu.dma_semaphore, #tpu.memory_space<semaphore_mem>>) {add = true}
        %dma_wait3A_128 = arith.constant 96 : i32
        %dma_wait3A_129 = arith.constant 0 : i32
        %dma_wait3A_130 = tpu.memref_slice %arg11[%dma_wait3A_128, %dma_wait3A_129] : memref<128x128xf32, #tpu.memory_space<vmem>> -> memref<16x128xf32, #tpu.memory_space<vmem>>
        %dma_wait3A_131 = arith.constant 0 : i32
        %dma_wait3A_132 = arith.constant 0 : i32
        %dma_wait3A_133 = tpu.memref_slice %arg14[%dma_wait3A_131, %dma_wait3A_132] : memref<10240x128xf32, #tpu.memory_space<vmem_shared>> -> memref<10240x128xf32, #tpu.memory_space<vmem_shared>>
        tpu.wait_indirect_dma semaphore(%run_scoped3A_121 : memref<!tpu.dma_semaphore, #tpu.memory_space<semaphore_mem>>) src(%dma_wait3A_130 : memref<16x128xf32, #tpu.memory_space<vmem>>) dst(%dma_wait3A_133 : memref<10240x128xf32, #tpu.memory_space<vmem_shared>>)
        tpu.yield
      }) : () -> ()
      %get3A_110 = arith.constant 112 : index
      %get3A_111 = tpu.vector_load %arg9[%get3A_110] {strides = array<i32>} : memref<128xi32, #tpu.memory_space<vmem>>, vector<16xi32>,
      %get3A_112 = vector.shape_cast %get3A_111 : vector<16xi32> to vector<16xi32>
      "tpu.region"() ({
        %run_scoped3A_121 = tpu.sem_alloc : memref<!tpu.dma_semaphore, #tpu.memory_space<semaphore_mem>>
        %dma_start3A_122 = arith.constant 112 : i32
        %dma_start3A_123 = arith.constant 0 : i32
        %dma_start3A_124 = tpu.memref_slice %arg11[%dma_start3A_122, %dma_start3A_123] : memref<128x128xf32, #tpu.memory_space<vmem>> -> memref<16x128xf32, #tpu.memory_space<vmem>>
        %dma_start3A_125 = arith.constant 0 : i32
        %dma_start3A_126 = arith.constant 0 : i32
        %dma_start3A_127 = tpu.memref_slice %arg14[%dma_start3A_125, %dma_start3A_126] : memref<10240x128xf32, #tpu.memory_space<vmem_shared>> -> memref<10240x128xf32, #tpu.memory_space<vmem_shared>>
        tpu.enqueue_indirect_dma source(%dma_start3A_124 : memref<16x128xf32, #tpu.memory_space<vmem>>) target(%dma_start3A_127 : memref<10240x128xf32, #tpu.memory_space<vmem_shared>>) offsets(%get3A_112 : vector<16xi32>) semaphore(%run_scoped3A_121 : memref<!tpu.dma_semaphore, #tpu.memory_space<semaphore_mem>>) {add = true}
        %dma_wait3A_128 = arith.constant 112 : i32
        %dma_wait3A_129 = arith.constant 0 : i32
        %dma_wait3A_130 = tpu.memref_slice %arg11[%dma_wait3A_128, %dma_wait3A_129] : memref<128x128xf32, #tpu.memory_space<vmem>> -> memref<16x128xf32, #tpu.memory_space<vmem>>
        %dma_wait3A_131 = arith.constant 0 : i32
        %dma_wait3A_132 = arith.constant 0 : i32
        %dma_wait3A_133 = tpu.memref_slice %arg14[%dma_wait3A_131, %dma_wait3A_132] : memref<10240x128xf32, #tpu.memory_space<vmem_shared>> -> memref<10240x128xf32, #tpu.memory_space<vmem_shared>>
        tpu.wait_indirect_dma semaphore(%run_scoped3A_121 : memref<!tpu.dma_semaphore, #tpu.memory_space<semaphore_mem>>) src(%dma_wait3A_130 : memref<16x128xf32, #tpu.memory_space<vmem>>) dst(%dma_wait3A_133 : memref<10240x128xf32, #tpu.memory_space<vmem_shared>>)
        tpu.yield
      }) : () -> ()
      %add3A_113 = arith.constant 3 : i32
      %add3A_114 = arith.addi %mul3A_56, %add3A_113 : i32
      %lt3A_115 = arith.constant 80 : i32
      %lt3A_116 = arith.cmpi slt, %add3A_114, %lt3A_115 : i32
      %convert_element_type3A_117 = arith.extui %lt3A_116 : i1 to i32
      %cond3A_118 = arith.constant 0 : i32
      %cond3A_119 = arith.cmpi ne, %convert_element_type3A_117, %cond3A_118 : i32
      scf.if %cond3A_119 {
        %add3A_121 = arith.constant 3 : i32
        %add3A_122 = arith.addi %mul3A_56, %add3A_121 : i32
        "tpu.region"() ({
          %run_scoped3A_126 = tpu.sem_alloc : memref<!tpu.dma_semaphore, #tpu.memory_space<semaphore_mem>>
          %dma_start3A_127 = arith.constant 0 : i32
          %dma_start3A_128 = tpu.memref_slice %arg3[%add3A, %add3A_122, %dma_start3A_127] : memref<32x80x128xi32, #tpu.memory_space<hbm>> -> memref<1x1x128xi32, #tpu.memory_space<hbm>>
          %dma_start3A_129 = tpu.memref_squeeze %dma_start3A_128 : memref<1x1x128xi32, #tpu.memory_space<hbm>> -> memref<128xi32, #tpu.memory_space<hbm>>
          %dma_start3A_130 = arith.constant 0 : i32
          %dma_start3A_131 = tpu.memref_slice %arg3[%add3A, %add3A_122, %dma_start3A_130] : memref<32x80x128xi32, #tpu.memory_space<hbm>> -> memref<1x1x128xi32, #tpu.memory_space<hbm>>
          %dma_start3A_132 = tpu.memref_squeeze %dma_start3A_131 : memref<1x1x128xi32, #tpu.memory_space<hbm>> -> memref<128xi32, #tpu.memory_space<hbm>>
          tpu.enqueue_dma source(%dma_start3A_132 : memref<128xi32, #tpu.memory_space<hbm>>) target(%arg7 : memref<128xi32, #tpu.memory_space<vmem>>) target_semaphore(%run_scoped3A_126 : memref<!tpu.dma_semaphore, #tpu.memory_space<semaphore_mem>>)
          %dma_wait3A_133 = arith.constant 0 : i32
          %dma_wait3A_134 = tpu.memref_slice %arg3[%add3A, %add3A_122, %dma_wait3A_133] : memref<32x80x128xi32, #tpu.memory_space<hbm>> -> memref<1x1x128xi32, #tpu.memory_space<hbm>>
          %dma_wait3A_135 = tpu.memref_squeeze %dma_wait3A_134 : memref<1x1x128xi32, #tpu.memory_space<hbm>> -> memref<128xi32, #tpu.memory_space<hbm>>
          %dma_wait3A_136 = arith.constant 0 : i32
          %dma_wait3A_137 = tpu.memref_slice %arg3[%add3A, %add3A_122, %dma_wait3A_136] : memref<32x80x128xi32, #tpu.memory_space<hbm>> -> memref<1x1x128xi32, #tpu.memory_space<hbm>>
          %dma_wait3A_138 = tpu.memref_squeeze %dma_wait3A_137 : memref<1x1x128xi32, #tpu.memory_space<hbm>> -> memref<128xi32, #tpu.memory_space<hbm>>
          tpu.wait_dma2 semaphore(%run_scoped3A_126 : memref<!tpu.dma_semaphore, #tpu.memory_space<semaphore_mem>>) src(%dma_wait3A_138 : memref<128xi32, #tpu.memory_space<hbm>>) dst(%arg7 : memref<128xi32, #tpu.memory_space<vmem>>)
          tpu.yield
        }) : () -> ()
        "tpu.region"() ({
          %run_scoped3A_126 = tpu.sem_alloc : memref<!tpu.dma_semaphore, #tpu.memory_space<semaphore_mem>>
          %dma_start3A_127 = arith.constant 0 : i32
          %dma_start3A_128 = tpu.memref_slice %arg4[%add3A, %add3A_122, %dma_start3A_127] : memref<32x80x128xi32, #tpu.memory_space<hbm>> -> memref<1x1x128xi32, #tpu.memory_space<hbm>>
          %dma_start3A_129 = tpu.memref_squeeze %dma_start3A_128 : memref<1x1x128xi32, #tpu.memory_space<hbm>> -> memref<128xi32, #tpu.memory_space<hbm>>
          %dma_start3A_130 = arith.constant 0 : i32
          %dma_start3A_131 = tpu.memref_slice %arg4[%add3A, %add3A_122, %dma_start3A_130] : memref<32x80x128xi32, #tpu.memory_space<hbm>> -> memref<1x1x128xi32, #tpu.memory_space<hbm>>
          %dma_start3A_132 = tpu.memref_squeeze %dma_start3A_131 : memref<1x1x128xi32, #tpu.memory_space<hbm>> -> memref<128xi32, #tpu.memory_space<hbm>>
          tpu.enqueue_dma source(%dma_start3A_132 : memref<128xi32, #tpu.memory_space<hbm>>) target(%arg9 : memref<128xi32, #tpu.memory_space<vmem>>) target_semaphore(%run_scoped3A_126 : memref<!tpu.dma_semaphore, #tpu.memory_space<semaphore_mem>>)
          %dma_wait3A_133 = arith.constant 0 : i32
          %dma_wait3A_134 = tpu.memref_slice %arg4[%add3A, %add3A_122, %dma_wait3A_133] : memref<32x80x128xi32, #tpu.memory_space<hbm>> -> memref<1x1x128xi32, #tpu.memory_space<hbm>>
          %dma_wait3A_135 = tpu.memref_squeeze %dma_wait3A_134 : memref<1x1x128xi32, #tpu.memory_space<hbm>> -> memref<128xi32, #tpu.memory_space<hbm>>
          %dma_wait3A_136 = arith.constant 0 : i32
          %dma_wait3A_137 = tpu.memref_slice %arg4[%add3A, %add3A_122, %dma_wait3A_136] : memref<32x80x128xi32, #tpu.memory_space<hbm>> -> memref<1x1x128xi32, #tpu.memory_space<hbm>>
          %dma_wait3A_138 = tpu.memref_squeeze %dma_wait3A_137 : memref<1x1x128xi32, #tpu.memory_space<hbm>> -> memref<128xi32, #tpu.memory_space<hbm>>
          tpu.wait_dma2 semaphore(%run_scoped3A_126 : memref<!tpu.dma_semaphore, #tpu.memory_space<semaphore_mem>>) src(%dma_wait3A_138 : memref<128xi32, #tpu.memory_space<hbm>>) dst(%arg9 : memref<128xi32, #tpu.memory_space<vmem>>)
          tpu.yield
        }) : () -> ()
        %dma_start3A_123 = arith.constant 0 : i32
        %dma_start3A_124 = arith.constant 0 : i32
        %dma_start3A_125 = tpu.memref_slice %arg2[%dma_start3A_123, %dma_start3A_124] : memref<10240x128xf32, #tpu.memory_space<hbm>> -> memref<10240x128xf32, #tpu.memory_space<hbm>>
        tpu.enqueue_indirect_dma source(%dma_start3A_125 : memref<10240x128xf32, #tpu.memory_space<hbm>>) target(%arg11 : memref<128x128xf32, #tpu.memory_space<vmem>>) offsets(%arg7 : memref<128xi32, #tpu.memory_space<vmem>>) semaphore(%arg16 : memref<!tpu.dma_semaphore, #tpu.memory_space<semaphore_mem>>)
      } else {
      }
      %scan3A_120 = arith.constant 0 : i32
      scf.yield %scan3A_120 : i32
    }
    %scan3A_28 = arith.constant 40 : i32
    %barrier3A_29 = arith.constant 0 : index
    tpu.barrier barrier_id(%barrier3A_29)
    %mul3A_30 = arith.constant 640 : i32
    %mul3A_31 = arith.muli %arg1, %mul3A_30 : i32
    %add3A_32 = vector.broadcast %mul3A_31 : i32 to vector<16xi32>
    %add3A_33 = arith.addi %add3A_32, %iota3A : vector<16xi32>
    %dma_start3A_34 = arith.constant 0 : i32
    %dma_start3A_35 = arith.constant 0 : i32
    %dma_start3A_36 = tpu.memref_slice %arg14[%dma_start3A_34, %dma_start3A_35] : memref<10240x128xf32, #tpu.memory_space<vmem_shared>> -> memref<10240x128xf32, #tpu.memory_space<vmem_shared>>
    tpu.enqueue_indirect_dma source(%dma_start3A_36 : memref<10240x128xf32, #tpu.memory_space<vmem_shared>>) target(%arg12 : memref<16x128xf32, #tpu.memory_space<vmem>>) offsets(%add3A_33 : vector<16xi32>) semaphore(%arg17 : memref<!tpu.dma_semaphore, #tpu.memory_space<semaphore_mem>>)
    %mul3A_37 = arith.constant 640 : i32
    %mul3A_38 = arith.muli %arg1, %mul3A_37 : i32
    %add3A_39 = arith.constant 16 : i32
    %add3A_40 = arith.addi %mul3A_38, %add3A_39 : i32
    %add3A_41 = vector.broadcast %add3A_40 : i32 to vector<16xi32>
    %add3A_42 = arith.addi %add3A_41, %iota3A : vector<16xi32>
    %dma_start3A_43 = arith.constant 0 : i32
    %dma_start3A_44 = arith.constant 0 : i32
    %dma_start3A_45 = tpu.memref_slice %arg14[%dma_start3A_43, %dma_start3A_44] : memref<10240x128xf32, #tpu.memory_space<vmem_shared>> -> memref<10240x128xf32, #tpu.memory_space<vmem_shared>>
    tpu.enqueue_indirect_dma source(%dma_start3A_45 : memref<10240x128xf32, #tpu.memory_space<vmem_shared>>) target(%arg13 : memref<16x128xf32, #tpu.memory_space<vmem>>) offsets(%add3A_42 : vector<16xi32>) semaphore(%arg18 : memref<!tpu.dma_semaphore, #tpu.memory_space<semaphore_mem>>)
    %scan3A_46 = arith.constant 0 : i32
    %scan3A_47 = arith.constant 0 : i32
    %scan3A_48 = arith.constant 20 : i32
    %scan3A_49 = arith.addi %scan3A_47, %scan3A_48 : i32
    %scan3A_50 = arith.constant 1 : i32
    %scan3A_51 = scf.for %scan3A_53 = %scan3A_47 to %scan3A_49 step %scan3A_50 iter_args(%scan3A_54 = %scan3A_46) -> (i32)  : i32 {
      %mul3A_55 = arith.constant 2 : i32
      %mul3A_56 = arith.muli %mul3A_55, %scan3A_53 : i32
      %mul3A_57 = arith.constant 640 : i32
      %mul3A_58 = arith.muli %arg1, %mul3A_57 : i32
      %add3A_59 = vector.broadcast %mul3A_58 : i32 to vector<16xi32>
      %add3A_60 = arith.addi %add3A_59, %iota3A : vector<16xi32>
      %dma_wait3A = arith.constant 0 : i32
      %dma_wait3A_61 = arith.constant 0 : i32
      %dma_wait3A_62 = tpu.memref_slice %arg14[%dma_wait3A, %dma_wait3A_61] : memref<10240x128xf32, #tpu.memory_space<vmem_shared>> -> memref<10240x128xf32, #tpu.memory_space<vmem_shared>>
      tpu.wait_indirect_dma semaphore(%arg17 : memref<!tpu.dma_semaphore, #tpu.memory_space<semaphore_mem>>) src(%dma_wait3A_62 : memref<10240x128xf32, #tpu.memory_space<vmem_shared>>) dst(%arg12 : memref<16x128xf32, #tpu.memory_space<vmem>>)
      %mul3A_63 = arith.constant 640 : i32
      %mul3A_64 = arith.muli %arg1, %mul3A_63 : i32
      %mul3A_65 = arith.constant 16 : i32
      %mul3A_66 = arith.muli %mul3A_56, %mul3A_65 : i32
      %add3A_67 = arith.addi %mul3A_64, %mul3A_66 : i32
      "tpu.region"() ({
        %run_scoped3A_94 = tpu.sem_alloc : memref<!tpu.dma_semaphore, #tpu.memory_space<semaphore_mem>>
        %dma_start3A_95 = arith.constant 0 : i32
        %dma_start3A_96 = tpu.memref_slice %arg5[%arg0, %add3A_67, %dma_start3A_95] : memref<2x10240x128xf32, #tpu.memory_space<hbm>> -> memref<1x16x128xf32, #tpu.memory_space<hbm>>
        %dma_start3A_97 = tpu.memref_squeeze %dma_start3A_96 : memref<1x16x128xf32, #tpu.memory_space<hbm>> -> memref<16x128xf32, #tpu.memory_space<hbm>>
        %dma_start3A_98 = arith.constant 0 : i32
        %dma_start3A_99 = tpu.memref_slice %arg5[%arg0, %add3A_67, %dma_start3A_98] : memref<2x10240x128xf32, #tpu.memory_space<hbm>> -> memref<1x16x128xf32, #tpu.memory_space<hbm>>
        %dma_start3A_100 = tpu.memref_squeeze %dma_start3A_99 : memref<1x16x128xf32, #tpu.memory_space<hbm>> -> memref<16x128xf32, #tpu.memory_space<hbm>>
        tpu.enqueue_dma source(%arg12 : memref<16x128xf32, #tpu.memory_space<vmem>>) target(%dma_start3A_100 : memref<16x128xf32, #tpu.memory_space<hbm>>) target_semaphore(%run_scoped3A_94 : memref<!tpu.dma_semaphore, #tpu.memory_space<semaphore_mem>>)
        %dma_wait3A_101 = arith.constant 0 : i32
        %dma_wait3A_102 = tpu.memref_slice %arg5[%arg0, %add3A_67, %dma_wait3A_101] : memref<2x10240x128xf32, #tpu.memory_space<hbm>> -> memref<1x16x128xf32, #tpu.memory_space<hbm>>
        %dma_wait3A_103 = tpu.memref_squeeze %dma_wait3A_102 : memref<1x16x128xf32, #tpu.memory_space<hbm>> -> memref<16x128xf32, #tpu.memory_space<hbm>>
        %dma_wait3A_104 = arith.constant 0 : i32
        %dma_wait3A_105 = tpu.memref_slice %arg5[%arg0, %add3A_67, %dma_wait3A_104] : memref<2x10240x128xf32, #tpu.memory_space<hbm>> -> memref<1x16x128xf32, #tpu.memory_space<hbm>>
        %dma_wait3A_106 = tpu.memref_squeeze %dma_wait3A_105 : memref<1x16x128xf32, #tpu.memory_space<hbm>> -> memref<16x128xf32, #tpu.memory_space<hbm>>
        tpu.wait_dma2 semaphore(%run_scoped3A_94 : memref<!tpu.dma_semaphore, #tpu.memory_space<semaphore_mem>>) src(%arg12 : memref<16x128xf32, #tpu.memory_space<vmem>>) dst(%dma_wait3A_106 : memref<16x128xf32, #tpu.memory_space<hbm>>)
        tpu.yield
      }) : () -> ()
      %add3A_68 = arith.constant 2 : i32
      %add3A_69 = arith.addi %mul3A_56, %add3A_68 : i32
      %lt3A = arith.constant 40 : i32
      %lt3A_70 = arith.cmpi slt, %add3A_69, %lt3A : i32
      %convert_element_type3A = arith.extui %lt3A_70 : i1 to i32
      %cond3A = arith.constant 0 : i32
      %cond3A_71 = arith.cmpi ne, %convert_element_type3A, %cond3A : i32
      scf.if %cond3A_71 {
        %mul3A_94 = arith.constant 640 : i32
        %mul3A_95 = arith.muli %arg1, %mul3A_94 : i32
        %add3A_96 = arith.constant 2 : i32
        %add3A_97 = arith.addi %mul3A_56, %add3A_96 : i32
        %mul3A_98 = arith.constant 16 : i32
        %mul3A_99 = arith.muli %add3A_97, %mul3A_98 : i32
        %add3A_100 = arith.addi %mul3A_95, %mul3A_99 : i32
        %add3A_101 = vector.broadcast %add3A_100 : i32 to vector<16xi32>
        %add3A_102 = arith.addi %add3A_101, %iota3A : vector<16xi32>
        %dma_start3A_103 = arith.constant 0 : i32
        %dma_start3A_104 = arith.constant 0 : i32
        %dma_start3A_105 = tpu.memref_slice %arg14[%dma_start3A_103, %dma_start3A_104] : memref<10240x128xf32, #tpu.memory_space<vmem_shared>> -> memref<10240x128xf32, #tpu.memory_space<vmem_shared>>
        tpu.enqueue_indirect_dma source(%dma_start3A_105 : memref<10240x128xf32, #tpu.memory_space<vmem_shared>>) target(%arg12 : memref<16x128xf32, #tpu.memory_space<vmem>>) offsets(%add3A_102 : vector<16xi32>) semaphore(%arg17 : memref<!tpu.dma_semaphore, #tpu.memory_space<semaphore_mem>>)
      } else {
      }
      %mul3A_72 = arith.constant 640 : i32
      %mul3A_73 = arith.muli %arg1, %mul3A_72 : i32
      %add3A_74 = vector.broadcast %mul3A_73 : i32 to vector<16xi32>
      %add3A_75 = arith.addi %add3A_74, %iota3A : vector<16xi32>
      %dma_wait3A_76 = arith.constant 0 : i32
      %dma_wait3A_77 = arith.constant 0 : i32
      %dma_wait3A_78 = tpu.memref_slice %arg14[%dma_wait3A_76, %dma_wait3A_77] : memref<10240x128xf32, #tpu.memory_space<vmem_shared>> -> memref<10240x128xf32, #tpu.memory_space<vmem_shared>>
      tpu.wait_indirect_dma semaphore(%arg18 : memref<!tpu.dma_semaphore, #tpu.memory_space<semaphore_mem>>) src(%dma_wait3A_78 : memref<10240x128xf32, #tpu.memory_space<vmem_shared>>) dst(%arg13 : memref<16x128xf32, #tpu.memory_space<vmem>>)
      %mul3A_79 = arith.constant 640 : i32
      %mul3A_80 = arith.muli %arg1, %mul3A_79 : i32
      %add3A_81 = arith.constant 1 : i32
      %add3A_82 = arith.addi %mul3A_56, %add3A_81 : i32
      %mul3A_83 = arith.constant 16 : i32
      %mul3A_84 = arith.muli %add3A_82, %mul3A_83 : i32
      %add3A_85 = arith.addi %mul3A_80, %mul3A_84 : i32
      "tpu.region"() ({
        %run_scoped3A_94 = tpu.sem_alloc : memref<!tpu.dma_semaphore, #tpu.memory_space<semaphore_mem>>
        %dma_start3A_95 = arith.constant 0 : i32
        %dma_start3A_96 = tpu.memref_slice %arg5[%arg0, %add3A_85, %dma_start3A_95] : memref<2x10240x128xf32, #tpu.memory_space<hbm>> -> memref<1x16x128xf32, #tpu.memory_space<hbm>>
        %dma_start3A_97 = tpu.memref_squeeze %dma_start3A_96 : memref<1x16x128xf32, #tpu.memory_space<hbm>> -> memref<16x128xf32, #tpu.memory_space<hbm>>
        %dma_start3A_98 = arith.constant 0 : i32
        %dma_start3A_99 = tpu.memref_slice %arg5[%arg0, %add3A_85, %dma_start3A_98] : memref<2x10240x128xf32, #tpu.memory_space<hbm>> -> memref<1x16x128xf32, #tpu.memory_space<hbm>>
        %dma_start3A_100 = tpu.memref_squeeze %dma_start3A_99 : memref<1x16x128xf32, #tpu.memory_space<hbm>> -> memref<16x128xf32, #tpu.memory_space<hbm>>
        tpu.enqueue_dma source(%arg13 : memref<16x128xf32, #tpu.memory_space<vmem>>) target(%dma_start3A_100 : memref<16x128xf32, #tpu.memory_space<hbm>>) target_semaphore(%run_scoped3A_94 : memref<!tpu.dma_semaphore, #tpu.memory_space<semaphore_mem>>)
        %dma_wait3A_101 = arith.constant 0 : i32
        %dma_wait3A_102 = tpu.memref_slice %arg5[%arg0, %add3A_85, %dma_wait3A_101] : memref<2x10240x128xf32, #tpu.memory_space<hbm>> -> memref<1x16x128xf32, #tpu.memory_space<hbm>>
        %dma_wait3A_103 = tpu.memref_squeeze %dma_wait3A_102 : memref<1x16x128xf32, #tpu.memory_space<hbm>> -> memref<16x128xf32, #tpu.memory_space<hbm>>
        %dma_wait3A_104 = arith.constant 0 : i32
        %dma_wait3A_105 = tpu.memref_slice %arg5[%arg0, %add3A_85, %dma_wait3A_104] : memref<2x10240x128xf32, #tpu.memory_space<hbm>> -> memref<1x16x128xf32, #tpu.memory_space<hbm>>
        %dma_wait3A_106 = tpu.memref_squeeze %dma_wait3A_105 : memref<1x16x128xf32, #tpu.memory_space<hbm>> -> memref<16x128xf32, #tpu.memory_space<hbm>>
        tpu.wait_dma2 semaphore(%run_scoped3A_94 : memref<!tpu.dma_semaphore, #tpu.memory_space<semaphore_mem>>) src(%arg13 : memref<16x128xf32, #tpu.memory_space<vmem>>) dst(%dma_wait3A_106 : memref<16x128xf32, #tpu.memory_space<hbm>>)
        tpu.yield
      }) : () -> ()
      %add3A_86 = arith.constant 3 : i32
      %add3A_87 = arith.addi %mul3A_56, %add3A_86 : i32
      %lt3A_88 = arith.constant 40 : i32
      %lt3A_89 = arith.cmpi slt, %add3A_87, %lt3A_88 : i32
      %convert_element_type3A_90 = arith.extui %lt3A_89 : i1 to i32
      %cond3A_91 = arith.constant 0 : i32
      %cond3A_92 = arith.cmpi ne, %convert_element_type3A_90, %cond3A_91 : i32
      scf.if %cond3A_92 {
        %mul3A_94 = arith.constant 640 : i32
        %mul3A_95 = arith.muli %arg1, %mul3A_94 : i32
        %add3A_96 = arith.constant 3 : i32
        %add3A_97 = arith.addi %mul3A_56, %add3A_96 : i32
        %mul3A_98 = arith.constant 16 : i32
        %mul3A_99 = arith.muli %add3A_97, %mul3A_98 : i32
        %add3A_100 = arith.addi %mul3A_95, %mul3A_99 : i32
        %add3A_101 = vector.broadcast %add3A_100 : i32 to vector<16xi32>
        %add3A_102 = arith.addi %add3A_101, %iota3A : vector<16xi32>
        %dma_start3A_103 = arith.constant 0 : i32
        %dma_start3A_104 = arith.constant 0 : i32
        %dma_start3A_105 = tpu.memref_slice %arg14[%dma_start3A_103, %dma_start3A_104] : memref<10240x128xf32, #tpu.memory_space<vmem_shared>> -> memref<10240x128xf32, #tpu.memory_space<vmem_shared>>
        tpu.enqueue_indirect_dma source(%dma_start3A_105 : memref<10240x128xf32, #tpu.memory_space<vmem_shared>>) target(%arg13 : memref<16x128xf32, #tpu.memory_space<vmem>>) offsets(%add3A_102 : vector<16xi32>) semaphore(%arg18 : memref<!tpu.dma_semaphore, #tpu.memory_space<semaphore_mem>>)
      } else {
      }
      %scan3A_93 = arith.constant 0 : i32
      scf.yield %scan3A_93 : i32
    }
    %scan3A_52 = arith.constant 20 : i32
    return
  }
}

module attributes {stable_mosaic.version = 14 : i64} {
  func.func @_y1_body(%arg0: i32, %arg1: memref<1024x128xf32, #tpu.memory_space<vmem>>, %arg2: memref<128x128xf32, #tpu.memory_space<vmem>>, %arg3: memref<2x1024x16xf32, #tpu.memory_space<vmem>>, %arg4: memref<1024x128xf32, #tpu.memory_space<vmem>>) attributes {dimension_semantics = [#tpu.dimension_semantics<arbitrary>], iteration_bounds = array<i64: 10>, scalar_prefetch = 0 : i64, scratch_operands = 0 : i64, tpu.core_type = #tpu.core_type<tc>, window_params = [{transform_indices = @transform_0, window_bounds = array<i64: 1024, 128>}, {pipeline_mode = #tpu.pipeline_mode<synchronous>, transform_indices = @transform_1, window_bounds = array<i64: 128, 128>}, {transform_indices = @transform_2, window_bounds = array<i64: 2, 1024, 16>}, {transform_indices = @transform_3, window_bounds = array<i64: 1024, 128>}]} {
    %get3A = arith.constant 0 : index
    %get3A_0 = arith.constant 0 : index
    %get3A_1 = vector.load %arg1[%get3A, %get3A_0] : memref<1024x128xf32, #tpu.memory_space<vmem>>, vector<1024x128xf32>
    %get3A_2 = arith.constant 0 : index
    %get3A_3 = arith.constant 0 : index
    %get3A_4 = vector.load %arg2[%get3A_2, %get3A_3] : memref<128x128xf32, #tpu.memory_space<vmem>>, vector<128x128xf32>
    %dot_general3A = arith.constant dense<0.000000e+00> : vector<1024x128xf32>
    %dot_general3A_5 = tpu.matmul %get3A_1, %get3A_4, %dot_general3A {dimension_numbers = #tpu.dot_dimension_numbers<[1], [0], [0], [1], [0, 0, 1, 1], [], []>, transpose_lhs_hint = false} : vector<1024x128xf32>, vector<128x128xf32>, vector<1024x128xf32> -> vector<1024x128xf32>
    %get3A_6 = arith.constant 0 : index
    %get3A_7 = arith.constant 0 : index
    %get3A_8 = arith.constant 0 : index
    %get3A_9 = vector.load %arg3[%get3A_6, %get3A_7, %get3A_8] : memref<2x1024x16xf32, #tpu.memory_space<vmem>>, vector<1x1024x1xf32>
    %get3A_10 = vector.shape_cast %get3A_9 : vector<1x1024x1xf32> to vector<1024x1xf32>
    %get3A_11 = arith.constant 1 : index
    %get3A_12 = arith.constant 0 : index
    %get3A_13 = arith.constant 0 : index
    %get3A_14 = vector.load %arg3[%get3A_11, %get3A_12, %get3A_13] : memref<2x1024x16xf32, #tpu.memory_space<vmem>>, vector<1x1024x1xf32>
    %get3A_15 = vector.shape_cast %get3A_14 : vector<1x1024x1xf32> to vector<1024x1xf32>
    %add3A = arith.addf %get3A_10, %get3A_15 : vector<1024x1xf32>
    %add3A_16 = arith.constant 1.000000e+00 : f32
    %add3A_17 = vector.broadcast %add3A_16 : f32 to vector<1024x1xf32>
    %add3A_18 = arith.addf %add3A, %add3A_17 : vector<1024x1xf32>
    %rsqrt3A = math.rsqrt %add3A_18 : vector<1024x1xf32>
    %mul3A = vector.broadcast %rsqrt3A : vector<1024x1xf32> to vector<1024x128xf32>
    %mul3A_19 = arith.mulf %dot_general3A_5, %mul3A : vector<1024x128xf32>
    %swap3A = arith.constant 0 : index
    %swap3A_20 = arith.constant 0 : index
    %swap3A_21 = vector.load %arg4[%swap3A, %swap3A_20] : memref<1024x128xf32, #tpu.memory_space<vmem>>, vector<1024x128xf32>
    tpu.vector_store %arg4[%swap3A, %swap3A_20], %mul3A_19 {strides = array<i32>} : memref<1024x128xf32, #tpu.memory_space<vmem>>, vector<1024x128xf32>,
    return
  }
  func.func @transform_0(%arg0: i32) -> (i32, i32) {
    %c0_i32 = arith.constant 0 : i32
    %c0_i32_0 = arith.constant 0 : i32
    return %arg0, %c0_i32 : i32, i32
  }
  func.func @transform_1(%arg0: i32) -> (i32, i32) {
    %c0_i32 = arith.constant 0 : i32
    %c0_i32_0 = arith.constant 0 : i32
    %c0_i32_1 = arith.constant 0 : i32
    return %c0_i32, %c0_i32_0 : i32, i32
  }
  func.func @transform_2(%arg0: i32) -> (i32, i32, i32) {
    %c0_i32 = arith.constant 0 : i32
    %c0_i32_0 = arith.constant 0 : i32
    %c0_i32_1 = arith.constant 0 : i32
    return %c0_i32, %arg0, %c0_i32_0 : i32, i32, i32
  }
  func.func @transform_3(%arg0: i32) -> (i32, i32) {
    %c0_i32 = arith.constant 0 : i32
    %c0_i32_0 = arith.constant 0 : i32
    return %arg0, %c0_i32 : i32, i32
  }
}

module attributes {stable_mosaic.version = 14 : i64} {
  func.func @_mid_body(%arg0: i32, %arg1: memref<2x1024x128xf32, #tpu.memory_space<vmem>>, %arg2: memref<1024x128xf32, #tpu.memory_space<vmem>>, %arg3: memref<2x1024x16xf32, #tpu.memory_space<vmem>>, %arg4: memref<128x128xf32, #tpu.memory_space<vmem>>, %arg5: memref<1x128xf32, #tpu.memory_space<vmem>>, %arg6: memref<1024x128xf32, #tpu.memory_space<vmem>>) attributes {dimension_semantics = [#tpu.dimension_semantics<arbitrary>], iteration_bounds = array<i64: 10>, scalar_prefetch = 0 : i64, scratch_operands = 0 : i64, tpu.core_type = #tpu.core_type<tc>, window_params = [{transform_indices = @transform_0, window_bounds = array<i64: 2, 1024, 128>}, {transform_indices = @transform_1, window_bounds = array<i64: 1024, 128>}, {transform_indices = @transform_2, window_bounds = array<i64: 2, 1024, 16>}, {pipeline_mode = #tpu.pipeline_mode<synchronous>, transform_indices = @transform_3, window_bounds = array<i64: 128, 128>}, {pipeline_mode = #tpu.pipeline_mode<synchronous>, transform_indices = @transform_4, window_bounds = array<i64: 1, 128>}, {transform_indices = @transform_5, window_bounds = array<i64: 1024, 128>}]} {
    %get3A = arith.constant 0 : index
    %get3A_0 = arith.constant 0 : index
    %get3A_1 = arith.constant 0 : index
    %get3A_2 = vector.load %arg3[%get3A, %get3A_0, %get3A_1] : memref<2x1024x16xf32, #tpu.memory_space<vmem>>, vector<1x1024x1xf32>
    %get3A_3 = vector.shape_cast %get3A_2 : vector<1x1024x1xf32> to vector<1024x1xf32>
    %get3A_4 = arith.constant 1 : index
    %get3A_5 = arith.constant 0 : index
    %get3A_6 = arith.constant 0 : index
    %get3A_7 = vector.load %arg3[%get3A_4, %get3A_5, %get3A_6] : memref<2x1024x16xf32, #tpu.memory_space<vmem>>, vector<1x1024x1xf32>
    %get3A_8 = vector.shape_cast %get3A_7 : vector<1x1024x1xf32> to vector<1024x1xf32>
    %add3A = arith.addf %get3A_3, %get3A_8 : vector<1024x1xf32>
    %add3A_9 = arith.constant 1.000000e+00 : f32
    %add3A_10 = vector.broadcast %add3A_9 : f32 to vector<1024x1xf32>
    %add3A_11 = arith.addf %add3A, %add3A_10 : vector<1024x1xf32>
    %rsqrt3A = math.rsqrt %add3A_11 : vector<1024x1xf32>
    %get3A_12 = arith.constant 0 : index
    %get3A_13 = arith.constant 0 : index
    %get3A_14 = arith.constant 0 : index
    %get3A_15 = vector.load %arg1[%get3A_12, %get3A_13, %get3A_14] : memref<2x1024x128xf32, #tpu.memory_space<vmem>>, vector<1x1024x128xf32>
    %get3A_16 = vector.shape_cast %get3A_15 : vector<1x1024x128xf32> to vector<1024x128xf32>
    %get3A_17 = arith.constant 1 : index
    %get3A_18 = arith.constant 0 : index
    %get3A_19 = arith.constant 0 : index
    %get3A_20 = vector.load %arg1[%get3A_17, %get3A_18, %get3A_19] : memref<2x1024x128xf32, #tpu.memory_space<vmem>>, vector<1x1024x128xf32>
    %get3A_21 = vector.shape_cast %get3A_20 : vector<1x1024x128xf32> to vector<1024x128xf32>
    %add3A_22 = arith.addf %get3A_16, %get3A_21 : vector<1024x128xf32>
    %get3A_23 = arith.constant 0 : index
    %get3A_24 = arith.constant 0 : index
    %get3A_25 = vector.load %arg2[%get3A_23, %get3A_24] : memref<1024x128xf32, #tpu.memory_space<vmem>>, vector<1024x128xf32>
    %add3A_26 = arith.addf %add3A_22, %get3A_25 : vector<1024x128xf32>
    %mul3A = vector.broadcast %rsqrt3A : vector<1024x1xf32> to vector<1024x128xf32>
    %mul3A_27 = arith.mulf %add3A_26, %mul3A : vector<1024x128xf32>
    %get3A_28 = arith.constant 0 : index
    %get3A_29 = arith.constant 0 : index
    %get3A_30 = vector.load %arg5[%get3A_28, %get3A_29] : memref<1x128xf32, #tpu.memory_space<vmem>>, vector<1x128xf32>
    %add3A_31 = vector.broadcast %get3A_30 : vector<1x128xf32> to vector<1024x128xf32>
    %add3A_32 = arith.addf %mul3A_27, %add3A_31 : vector<1024x128xf32>
    %max3A = arith.constant 0.000000e+00 : f32
    %max3A_33 = vector.broadcast %max3A : f32 to vector<1024x128xf32>
    %max3A_34 = arith.maximumf %add3A_32, %max3A_33 : vector<1024x128xf32>
    %get3A_35 = arith.constant 0 : index
    %get3A_36 = arith.constant 0 : index
    %get3A_37 = vector.load %arg4[%get3A_35, %get3A_36] : memref<128x128xf32, #tpu.memory_space<vmem>>, vector<128x128xf32>
    %dot_general3A = arith.constant dense<0.000000e+00> : vector<1024x128xf32>
    %dot_general3A_38 = tpu.matmul %max3A_34, %get3A_37, %dot_general3A {dimension_numbers = #tpu.dot_dimension_numbers<[1], [0], [0], [1], [0, 0, 1, 1], [], []>, transpose_lhs_hint = false} : vector<1024x128xf32>, vector<128x128xf32>, vector<1024x128xf32> -> vector<1024x128xf32>
    %mul3A_39 = vector.broadcast %rsqrt3A : vector<1024x1xf32> to vector<1024x128xf32>
    %mul3A_40 = arith.mulf %dot_general3A_38, %mul3A_39 : vector<1024x128xf32>
    %swap3A = arith.constant 0 : index
    %swap3A_41 = arith.constant 0 : index
    %swap3A_42 = vector.load %arg6[%swap3A, %swap3A_41] : memref<1024x128xf32, #tpu.memory_space<vmem>>, vector<1024x128xf32>
    tpu.vector_store %arg6[%swap3A, %swap3A_41], %mul3A_40 {strides = array<i32>} : memref<1024x128xf32, #tpu.memory_space<vmem>>, vector<1024x128xf32>,
    return
  }
  func.func @transform_0(%arg0: i32) -> (i32, i32, i32) {
    %c0_i32 = arith.constant 0 : i32
    %c0_i32_0 = arith.constant 0 : i32
    %c0_i32_1 = arith.constant 0 : i32
    return %c0_i32, %arg0, %c0_i32_0 : i32, i32, i32
  }
  func.func @transform_1(%arg0: i32) -> (i32, i32) {
    %c0_i32 = arith.constant 0 : i32
    %c0_i32_0 = arith.constant 0 : i32
    return %arg0, %c0_i32 : i32, i32
  }
  func.func @transform_2(%arg0: i32) -> (i32, i32, i32) {
    %c0_i32 = arith.constant 0 : i32
    %c0_i32_0 = arith.constant 0 : i32
    %c0_i32_1 = arith.constant 0 : i32
    return %c0_i32, %arg0, %c0_i32_0 : i32, i32, i32
  }
  func.func @transform_3(%arg0: i32) -> (i32, i32) {
    %c0_i32 = arith.constant 0 : i32
    %c0_i32_0 = arith.constant 0 : i32
    %c0_i32_1 = arith.constant 0 : i32
    return %c0_i32, %c0_i32_0 : i32, i32
  }
  func.func @transform_4(%arg0: i32) -> (i32, i32) {
    %c0_i32 = arith.constant 0 : i32
    %c0_i32_0 = arith.constant 0 : i32
    %c0_i32_1 = arith.constant 0 : i32
    return %c0_i32, %c0_i32_0 : i32, i32
  }
  func.func @transform_5(%arg0: i32) -> (i32, i32) {
    %c0_i32 = arith.constant 0 : i32
    %c0_i32_0 = arith.constant 0 : i32
    return %arg0, %c0_i32 : i32, i32
  }
}

module attributes {stable_mosaic.version = 14 : i64} {
  func.func @_fin_body(%arg0: i32, %arg1: memref<2x1024x128xf32, #tpu.memory_space<vmem>>, %arg2: memref<1024x128xf32, #tpu.memory_space<vmem>>, %arg3: memref<2x1024x16xf32, #tpu.memory_space<vmem>>, %arg4: memref<1x128xf32, #tpu.memory_space<vmem>>, %arg5: memref<1x1x1024xi32, #tpu.memory_space<vmem>>, %arg6: memref<128x128xf32, #tpu.memory_space<vmem>>, %arg7: memref<1x128xf32, #tpu.memory_space<vmem>>, %arg8: memref<16x128xf32, #tpu.memory_space<vmem>>, %arg9: memref<16x128xf32, #tpu.memory_space<vmem>>, %arg10: memref<16x128xf32, #tpu.memory_space<vmem>>) attributes {dimension_semantics = [#tpu.dimension_semantics<arbitrary>], iteration_bounds = array<i64: 10>, scalar_prefetch = 0 : i64, scratch_operands = 2 : i64, tpu.core_type = #tpu.core_type<tc>, window_params = [{transform_indices = @transform_0, window_bounds = array<i64: 2, 1024, 128>}, {transform_indices = @transform_1, window_bounds = array<i64: 1024, 128>}, {transform_indices = @transform_2, window_bounds = array<i64: 2, 1024, 16>}, {pipeline_mode = #tpu.pipeline_mode<synchronous>, transform_indices = @transform_3, window_bounds = array<i64: 1, 128>}, {transform_indices = @transform_4, window_bounds = array<i64: 1, 1, 1024>}, {pipeline_mode = #tpu.pipeline_mode<synchronous>, transform_indices = @transform_5, window_bounds = array<i64: 128, 128>}, {pipeline_mode = #tpu.pipeline_mode<synchronous>, transform_indices = @transform_6, window_bounds = array<i64: 1, 128>}, {pipeline_mode = #tpu.pipeline_mode<synchronous>, transform_indices = @transform_7, window_bounds = array<i64: 16, 128>}]} {
    %eq3A = arith.constant 0 : i32
    %eq3A_0 = arith.cmpi eq, %arg0, %eq3A : i32
    %convert_element_type3A = arith.extui %eq3A_0 : i1 to i32
    %cond3A = arith.constant 0 : i32
    %cond3A_1 = arith.cmpi ne, %convert_element_type3A, %cond3A : i32
    scf.if %cond3A_1 {
      %broadcast_in_dim3A_67 = arith.constant 0.000000e+00 : f32
      %broadcast_in_dim3A_68 = vector.broadcast %broadcast_in_dim3A_67 : f32 to vector<16x128xf32>
      %swap3A_69 = arith.constant 0 : index
      %swap3A_70 = arith.constant 0 : index
      %swap3A_71 = vector.load %arg9[%swap3A_69, %swap3A_70] : memref<16x128xf32, #tpu.memory_space<vmem>>, vector<16x128xf32>
      tpu.vector_store %arg9[%swap3A_69, %swap3A_70], %broadcast_in_dim3A_68 {strides = array<i32>} : memref<16x128xf32, #tpu.memory_space<vmem>>, vector<16x128xf32>,
      %broadcast_in_dim3A_72 = arith.constant 0.000000e+00 : f32
      %broadcast_in_dim3A_73 = vector.broadcast %broadcast_in_dim3A_72 : f32 to vector<16x128xf32>
      %swap3A_74 = arith.constant 0 : index
      %swap3A_75 = arith.constant 0 : index
      %swap3A_76 = vector.load %arg10[%swap3A_74, %swap3A_75] : memref<16x128xf32, #tpu.memory_space<vmem>>, vector<16x128xf32>
      tpu.vector_store %arg10[%swap3A_74, %swap3A_75], %broadcast_in_dim3A_73 {strides = array<i32>} : memref<16x128xf32, #tpu.memory_space<vmem>>, vector<16x128xf32>,
    } else {
    }
    %get3A = arith.constant 0 : index
    %get3A_2 = arith.constant 0 : index
    %get3A_3 = arith.constant 0 : index
    %get3A_4 = vector.load %arg3[%get3A, %get3A_2, %get3A_3] : memref<2x1024x16xf32, #tpu.memory_space<vmem>>, vector<1x1024x1xf32>
    %get3A_5 = vector.shape_cast %get3A_4 : vector<1x1024x1xf32> to vector<1024x1xf32>
    %get3A_6 = arith.constant 1 : index
    %get3A_7 = arith.constant 0 : index
    %get3A_8 = arith.constant 0 : index
    %get3A_9 = vector.load %arg3[%get3A_6, %get3A_7, %get3A_8] : memref<2x1024x16xf32, #tpu.memory_space<vmem>>, vector<1x1024x1xf32>
    %get3A_10 = vector.shape_cast %get3A_9 : vector<1x1024x1xf32> to vector<1024x1xf32>
    %add3A = arith.addf %get3A_5, %get3A_10 : vector<1024x1xf32>
    %add3A_11 = arith.constant 1.000000e+00 : f32
    %add3A_12 = vector.broadcast %add3A_11 : f32 to vector<1024x1xf32>
    %add3A_13 = arith.addf %add3A, %add3A_12 : vector<1024x1xf32>
    %rsqrt3A = math.rsqrt %add3A_13 : vector<1024x1xf32>
    %get3A_14 = arith.constant 0 : index
    %get3A_15 = arith.constant 0 : index
    %get3A_16 = arith.constant 0 : index
    %get3A_17 = vector.load %arg1[%get3A_14, %get3A_15, %get3A_16] : memref<2x1024x128xf32, #tpu.memory_space<vmem>>, vector<1x1024x128xf32>
    %get3A_18 = vector.shape_cast %get3A_17 : vector<1x1024x128xf32> to vector<1024x128xf32>
    %get3A_19 = arith.constant 1 : index
    %get3A_20 = arith.constant 0 : index
    %get3A_21 = arith.constant 0 : index
    %get3A_22 = vector.load %arg1[%get3A_19, %get3A_20, %get3A_21] : memref<2x1024x128xf32, #tpu.memory_space<vmem>>, vector<1x1024x128xf32>
    %get3A_23 = vector.shape_cast %get3A_22 : vector<1x1024x128xf32> to vector<1024x128xf32>
    %add3A_24 = arith.addf %get3A_18, %get3A_23 : vector<1024x128xf32>
    %get3A_25 = arith.constant 0 : index
    %get3A_26 = arith.constant 0 : index
    %get3A_27 = vector.load %arg2[%get3A_25, %get3A_26] : memref<1024x128xf32, #tpu.memory_space<vmem>>, vector<1024x128xf32>
    %add3A_28 = arith.addf %add3A_24, %get3A_27 : vector<1024x128xf32>
    %mul3A = vector.broadcast %rsqrt3A : vector<1024x1xf32> to vector<1024x128xf32>
    %mul3A_29 = arith.mulf %add3A_28, %mul3A : vector<1024x128xf32>
    %get3A_30 = arith.constant 0 : index
    %get3A_31 = arith.constant 0 : index
    %get3A_32 = vector.load %arg4[%get3A_30, %get3A_31] : memref<1x128xf32, #tpu.memory_space<vmem>>, vector<1x128xf32>
    %add3A_33 = vector.broadcast %get3A_32 : vector<1x128xf32> to vector<1024x128xf32>
    %add3A_34 = arith.addf %mul3A_29, %add3A_33 : vector<1024x128xf32>
    %max3A = arith.constant 0.000000e+00 : f32
    %max3A_35 = vector.broadcast %max3A : f32 to vector<1024x128xf32>
    %max3A_36 = arith.maximumf %add3A_34, %max3A_35 : vector<1024x128xf32>
    %get3A_37 = arith.constant 0 : index
    %get3A_38 = arith.constant 0 : index
    %get3A_39 = arith.constant 0 : index
    %get3A_40 = vector.load %arg5[%get3A_37, %get3A_38, %get3A_39] : memref<1x1x1024xi32, #tpu.memory_space<vmem>>, vector<1x1x1024xi32>
    %get3A_41 = vector.shape_cast %get3A_40 : vector<1x1x1024xi32> to vector<1x1024xi32>
    %iota3A = tpu.iota {dimensions = array<i32: 0>} : vector<16x1024xi32>
    %eq3A_42 = vector.broadcast %get3A_41 : vector<1x1024xi32> to vector<16x1024xi32>
    %eq3A_43 = arith.cmpi eq, %eq3A_42, %iota3A : vector<16x1024xi32>
    %convert_element_type3A_44 = arith.extui %eq3A_43 : vector<16x1024xi1> to vector<16x1024xi32>
    %convert_element_type3A_45 = arith.sitofp %convert_element_type3A_44 : vector<16x1024xi32> to vector<16x1024xf32>
    %get3A_46 = arith.constant 0 : index
    %get3A_47 = arith.constant 0 : index
    %get3A_48 = vector.load %arg9[%get3A_46, %get3A_47] : memref<16x128xf32, #tpu.memory_space<vmem>>, vector<16x128xf32>
    %dot_general3A = arith.constant dense<0.000000e+00> : vector<16x128xf32>
    %dot_general3A_49 = tpu.matmul %convert_element_type3A_45, %max3A_36, %dot_general3A {dimension_numbers = #tpu.dot_dimension_numbers<[1], [0], [0], [1], [0, 0, 1, 1], [], []>, transpose_lhs_hint = false} : vector<16x1024xf32>, vector<1024x128xf32>, vector<16x128xf32> -> vector<16x128xf32>
    %add3A_50 = arith.addf %get3A_48, %dot_general3A_49 : vector<16x128xf32>
    %swap3A = arith.constant 0 : index
    %swap3A_51 = arith.constant 0 : index
    %swap3A_52 = vector.load %arg9[%swap3A, %swap3A_51] : memref<16x128xf32, #tpu.memory_space<vmem>>, vector<16x128xf32>
    tpu.vector_store %arg9[%swap3A, %swap3A_51], %add3A_50 {strides = array<i32>} : memref<16x128xf32, #tpu.memory_space<vmem>>, vector<16x128xf32>,
    %get3A_53 = arith.constant 0 : index
    %get3A_54 = arith.constant 0 : index
    %get3A_55 = vector.load %arg10[%get3A_53, %get3A_54] : memref<16x128xf32, #tpu.memory_space<vmem>>, vector<16x128xf32>
    %reduce_sum3A = arith.constant dense<0.000000e+00> : vector<16xf32>
    %reduce_sum3A_56 = vector.multi_reduction <add>, %convert_element_type3A_45, %reduce_sum3A [1] : vector<16x1024xf32> to vector<16xf32>
    %broadcast_in_dim3A = vector.shape_cast %reduce_sum3A_56 : vector<16xf32> to vector<16x1xf32>
    %add3A_57 = vector.broadcast %broadcast_in_dim3A : vector<16x1xf32> to vector<16x128xf32>
    %add3A_58 = arith.addf %get3A_55, %add3A_57 : vector<16x128xf32>
    %swap3A_59 = arith.constant 0 : index
    %swap3A_60 = arith.constant 0 : index
    %swap3A_61 = vector.load %arg10[%swap3A_59, %swap3A_60] : memref<16x128xf32, #tpu.memory_space<vmem>>, vector<16x128xf32>
    tpu.vector_store %arg10[%swap3A_59, %swap3A_60], %add3A_58 {strides = array<i32>} : memref<16x128xf32, #tpu.memory_space<vmem>>, vector<16x128xf32>,
    %eq3A_62 = arith.constant 9 : i32
    %eq3A_63 = arith.cmpi eq, %arg0, %eq3A_62 : i32
    %convert_element_type3A_64 = arith.extui %eq3A_63 : i1 to i32
    %cond3A_65 = arith.constant 0 : i32
    %cond3A_66 = arith.cmpi ne, %convert_element_type3A_64, %cond3A_65 : i32
    scf.if %cond3A_66 {
      %get3A_67 = arith.constant 0 : index
      %get3A_68 = arith.constant 0 : index
      %get3A_69 = vector.load %arg9[%get3A_67, %get3A_68] : memref<16x128xf32, #tpu.memory_space<vmem>>, vector<16x128xf32>
      %get3A_70 = arith.constant 0 : index
      %get3A_71 = arith.constant 0 : index
      %get3A_72 = vector.load %arg10[%get3A_70, %get3A_71] : memref<16x128xf32, #tpu.memory_space<vmem>>, vector<16x128xf32>
      %max3A_73 = arith.constant 1.000000e+00 : f32
      %max3A_74 = vector.broadcast %max3A_73 : f32 to vector<16x128xf32>
      %max3A_75 = arith.maximumf %get3A_72, %max3A_74 : vector<16x128xf32>
      %div3A = arith.divf %get3A_69, %max3A_75 : vector<16x128xf32>
      %get3A_76 = arith.constant 0 : index
      %get3A_77 = arith.constant 0 : index
      %get3A_78 = vector.load %arg6[%get3A_76, %get3A_77] : memref<128x128xf32, #tpu.memory_space<vmem>>, vector<128x128xf32>
      %dot_general3A_79 = arith.constant dense<0.000000e+00> : vector<16x128xf32>
      %dot_general3A_80 = tpu.matmul %div3A, %get3A_78, %dot_general3A_79 {dimension_numbers = #tpu.dot_dimension_numbers<[1], [0], [0], [1], [0, 0, 1, 1], [], []>, transpose_lhs_hint = false} : vector<16x128xf32>, vector<128x128xf32>, vector<16x128xf32> -> vector<16x128xf32>
      %get3A_81 = arith.constant 0 : index
      %get3A_82 = arith.constant 0 : index
      %get3A_83 = vector.load %arg7[%get3A_81, %get3A_82] : memref<1x128xf32, #tpu.memory_space<vmem>>, vector<1x128xf32>
      %add3A_84 = vector.broadcast %get3A_83 : vector<1x128xf32> to vector<16x128xf32>
      %add3A_85 = arith.addf %dot_general3A_80, %add3A_84 : vector<16x128xf32>
      %swap3A_86 = arith.constant 0 : index
      %swap3A_87 = arith.constant 0 : index
      %swap3A_88 = vector.load %arg8[%swap3A_86, %swap3A_87] : memref<16x128xf32, #tpu.memory_space<vmem>>, vector<16x128xf32>
      tpu.vector_store %arg8[%swap3A_86, %swap3A_87], %add3A_85 {strides = array<i32>} : memref<16x128xf32, #tpu.memory_space<vmem>>, vector<16x128xf32>,
    } else {
    }
    return
  }
  func.func @transform_0(%arg0: i32) -> (i32, i32, i32) {
    %c0_i32 = arith.constant 0 : i32
    %c0_i32_0 = arith.constant 0 : i32
    %c0_i32_1 = arith.constant 0 : i32
    return %c0_i32, %arg0, %c0_i32_0 : i32, i32, i32
  }
  func.func @transform_1(%arg0: i32) -> (i32, i32) {
    %c0_i32 = arith.constant 0 : i32
    %c0_i32_0 = arith.constant 0 : i32
    return %arg0, %c0_i32 : i32, i32
  }
  func.func @transform_2(%arg0: i32) -> (i32, i32, i32) {
    %c0_i32 = arith.constant 0 : i32
    %c0_i32_0 = arith.constant 0 : i32
    %c0_i32_1 = arith.constant 0 : i32
    return %c0_i32, %arg0, %c0_i32_0 : i32, i32, i32
  }
  func.func @transform_3(%arg0: i32) -> (i32, i32) {
    %c0_i32 = arith.constant 0 : i32
    %c0_i32_0 = arith.constant 0 : i32
    %c0_i32_1 = arith.constant 0 : i32
    return %c0_i32, %c0_i32_0 : i32, i32
  }
  func.func @transform_4(%arg0: i32) -> (i32, i32, i32) {
    %c0_i32 = arith.constant 0 : i32
    %c0_i32_0 = arith.constant 0 : i32
    %c0_i32_1 = arith.constant 0 : i32
    return %arg0, %c0_i32, %c0_i32_0 : i32, i32, i32
  }
  func.func @transform_5(%arg0: i32) -> (i32, i32) {
    %c0_i32 = arith.constant 0 : i32
    %c0_i32_0 = arith.constant 0 : i32
    %c0_i32_1 = arith.constant 0 : i32
    return %c0_i32, %c0_i32_0 : i32, i32
  }
  func.func @transform_6(%arg0: i32) -> (i32, i32) {
    %c0_i32 = arith.constant 0 : i32
    %c0_i32_0 = arith.constant 0 : i32
    %c0_i32_1 = arith.constant 0 : i32
    return %c0_i32, %c0_i32_0 : i32, i32
  }
  func.func @transform_7(%arg0: i32) -> (i32, i32) {
    %c0_i32 = arith.constant 0 : i32
    %c0_i32_0 = arith.constant 0 : i32
    %c0_i32_1 = arith.constant 0 : i32
    return %c0_i32, %c0_i32_0 : i32, i32
  }
}

</mosaic_0001>

<sc_bundles>
// kernel: kernel.11.cloned.1.call-start
scs
__scs_entry_jumppad:
0x0: {  	(pc) =	sbr.rel $0x88, $3  }
0x1: {  	(tag) =	ssettag $0x0;
	lr =	simm.s32 $0x1  }
0x2: {  	[smem:$0x3F98] =	sst lr;
	_ =	strace $0xD0000000  }
0x3: {  	_ = 	snop  }
0x4: {  	_ = 	snop  }
0x5: {  	_ = 	snop  }
0x6: {  	_ = 	snop  }
0x7: {  	_ = 	snop  }
__scs_overlays_trampoline_lowered:
0x8: {  	[smem:$0x3FA7] =	sst s0  }
0x9: {  	[smem:$0x3FA8] =	sst s1  }
0xa: {  	[smem:$0x3FA9] =	sst s2  }
0xb: {  	[smem:$0x3FAA] =	sst s3  }
0xc: {  	[smem:$0x3FAB] =	sst s4  }
0xd: {  	[smem:$0x3FAC] =	sst s5  }
0xe: {  	[smem:$0x3FAD] =	sst s6  }
0xf: {  	[smem:$0x3FAE] =	sst s7  }
0x10: {  	[smem:$0x3FAF] =	sst s8  }
0x11: {  	[smem:$0x3FB0] =	sst s9;
	s0 =	simm.s32 @!p0 $0x0  }
0x12: {  	s1 =	sld [smem:$0x3F96];
	s0 =	simm.s32 @p0 $0x1  }
0x13: {  	[smem:$0x3FB1] =	sst s0;
	s0 =	simm.s32 @!p1 $0x0  }
0x14: {  	s2 =	sld [smem:$0x3F95];
	s0 =	simm.s32 @p1 $0x1  }
0x15: {  	[smem:$0x3FB2] =	sst s0;
	s0 =	simm.s32 @!p2 $0x0  }
0x16: {  	s3 =	sld [smem:$0x3FDB];
	s0 =	simm.s32 @p2 $0x1  }
0x17: {  	s4 =	simm.s32 $0x1BF5;
	[smem:$0x3FB4] =	sst s0  }
0x18: {  	s0 =	sld [smem:$0x3F97];
	_ =	swait.ge [sflag:s4], $0x0  }
0x19: {  	s7 =	sld [smem:$0x3F98]  }
0x1a: {  	s8 =	sadd.s32 $0xFFFFE003, lr  }
0x1b: {  	s9 =	sadd.s32 $0xFFFFFEF7, lr;
	s5 =	simm.s32 $0xFFFFFFFF;
	p2 =	slt.u32 s8, $0xFFFFF086  }
0x1c: {  	p1 =	slt.u32 s9, $0xF7A;
	s5 =	simm.s32 @!p2 $0x0  }
0x1d: {  	s5 =	simm.s32 @p1 $0x1;
	p0 =	seq.s32 s7, s2  }
0x1e: {  	s7 =	smul.u32 @!p0 $0xF7A, s2;
	p2 =	seq.s32 @!p0 s5, $0x0  }
0x1f: {  	s9 =	smul.u32 $0xF7A, s1;
	s8 =	simm.s32 @!p0 $0x1BF5;
	p2 =	por !p2, p0  }
0x20: {  	[sflag:s8] =	ssyncset.s32 @!p0 $0xFFFFF086;
	s6 =	sadd.s32 @!p0 s3, s7;
	s7 =	simm.s32 @!p0 $0x108  }
0x21: {  	s3 =	sadd.s32 s3, s9;
	s6 =	sadd.s32 @!p0 $0x88, s6;
	s7 =	simm.s32 @p2 $0x1082  }
0x22: {  	[simem:s7], [sflag:s8] =	dma.local @!p0 [hbm:s6], $0xF7A  }
0x23: {  	s9 =	sor.u32 $0xD0000000, s2;
	s6 =	simm.s32 $0x108;
	_ =	swait.ge @!p0 [sflag:s8], $0x0  }
0x24: {  	s3 =	sadd.s32 $0x88, s3;
	s6 =	simm.s32 @!p1 $0x1082;
	[sflag:s4] =	ssyncset.s32 $0xFFFFF086  }
0x25: {  	[simem:s6], [sflag:s4] =	dma.local [hbm:s3], $0xF7A  }
0x26: {  	[smem:$0x3F98] =	sst s1;
	(tag) =	ssettag s2;
	_ =	strace s9  }
0x27: {  	s1 =	sld [smem:$0x3FA8]  }
0x28: {  	s2 =	sld [smem:$0x3FA9]  }
0x29: {  	s4 =	sld [smem:$0x3FAB]  }
0x2a: {  	p0 =	seq.s32 s5, $0x0;
	s5 =	sld [smem:$0x3FAC]  }
0x2b: {  	s6 =	sld [smem:$0x3FAD]  }
0x2c: {  	s7 =	sld [smem:$0x3FAE]  }
0x2d: {  	s3 =	simm.s32 $0x108;
	s8 =	sld [smem:$0x3FAF]  }
0x2e: {  	s3 =	simm.s32 @!p0 $0x1082;
	s9 =	sld [smem:$0x3FB0]  }
0x2f: {  	lr =	sadd.s32 s0, s3;
	s0 =	sld [smem:$0x3FA7]  }
0x30: {  	s3 =	sld [smem:$0x3FAA]  }
0x31: {  	[smem:$0x3FB3] =	sst s10  }
0x32: {  	s10 =	sld [smem:$0x3FB1];
	_ =	sdelay $0x3  }
0x33: {  	p0 =	seq.s32 s10, $0x1;
	s10 =	sld [smem:$0x3FB3];
	_ =	sdelay $0x3  }
0x34: {  	[smem:$0x3FB3] =	sst s10  }
0x35: {  	s10 =	sld [smem:$0x3FB2];
	_ =	sdelay $0x3  }
0x36: {  	p1 =	seq.s32 s10, $0x1;
	s10 =	sld [smem:$0x3FB3];
	_ =	sdelay $0x3  }
0x37: {  	[smem:$0x3FB3] =	sst s10  }
0x38: {  	s10 =	sld [smem:$0x3FB4]  }
0x39: {  	_ = 	snop;
	(pc) =	sbr.ind lr, $3  }
0x3a: {  	_ = 	snop  }
0x3b: {  	_ = 	snop  }
0x3c: {  	p2 =	seq.s32 s10, $0x1;
	s10 =	sld [smem:$0x3FB3]  }
0x3d: {  	_ =	shalt  }
0x3e: {  	_ =	shalt  }
0x3f: {  	_ =	shalt  }
0x40: {  	_ =	shalt  }
0x41: {  	_ =	shalt  }
0x42: {  	_ =	shalt  }
0x43: {  	_ =	shalt  }
0x44: {  	_ =	shalt  }
0x45: {  	_ =	shalt  }
0x46: {  	_ =	shalt  }
0x47: {  	_ =	shalt  }
0x48: {  	_ =	shalt  }
0x49: {  	_ =	shalt  }
0x4a: {  	_ =	shalt  }
0x4b: {  	_ =	shalt  }
0x4c: {  	_ =	shalt  }
0x4d: {  	_ =	shalt  }
0x4e: {  	_ =	shalt  }
0x4f: {  	_ =	shalt  }
0x50: {  	_ =	shalt  }
0x51: {  	_ =	shalt  }
0x52: {  	_ =	shalt  }
0x53: {  	_ =	shalt  }
0x54: {  	_ =	shalt  }
0x55: {  	_ =	shalt  }
0x56: {  	_ =	shalt  }
0x57: {  	_ =	shalt  }
0x58: {  	_ =	shalt  }
0x59: {  	_ =	shalt  }
0x5a: {  	_ =	shalt  }
0x5b: {  	_ =	shalt  }
0x5c: {  	_ =	shalt  }
0x5d: {  	_ =	shalt  }
0x5e: {  	_ =	shalt  }
0x5f: {  	_ =	shalt  }
0x60: {  	_ =	shalt  }
0x61: {  	_ =	shalt  }
0x62: {  	_ =	shalt  }
0x63: {  	_ =	shalt  }
0x64: {  	_ =	shalt  }
0x65: {  	_ =	shalt  }
0x66: {  	_ =	shalt  }
0x67: {  	_ =	shalt  }
0x68: {  	_ =	shalt  }
0x69: {  	_ =	shalt  }
0x6a: {  	_ =	shalt  }
0x6b: {  	_ =	shalt  }
0x6c: {  	_ =	shalt  }
0x6d: {  	_ =	shalt  }
0x6e: {  	_ =	shalt  }
0x6f: {  	_ =	shalt  }
0x70: {  	_ =	shalt  }
0x71: {  	_ =	shalt  }
0x72: {  	_ =	shalt  }
0x73: {  	_ =	shalt  }
0x74: {  	_ =	shalt  }
0x75: {  	_ =	shalt  }
0x76: {  	_ =	shalt  }
0x77: {  	_ =	shalt  }
0x78: {  	_ =	shalt  }
0x79: {  	_ =	shalt  }
0x7a: {  	_ =	shalt  }
0x7b: {  	_ =	shalt  }
0x7c: {  	_ =	shalt  }
0x7d: {  	_ =	shalt  }
0x7e: {  	_ =	shalt  }
0x7f: {  	_ =	shalt  }
0x80: {  	_ =	shalt  }
0x81: {  	_ =	shalt  }
0x82: {  	_ =	shalt  }
0x83: {  	_ =	shalt  }
0x84: {  	_ =	shalt  }
0x85: {  	_ =	shalt  }
0x86: {  	_ =	shalt  }
0x87: {  	_ =	shalt  }
.Lfunc_end0:
.L_simem_size_0:
called_computation.1_lowered:
.L_overlay_start_0:
0x88: {  	s2 =	sld [smem:$0x3FD9]  }
0x89: {  	s3 =	sld [smem:$0x3FFE];
	_ =	sdelay $0x1  }
0x8a: {  	s1 =	srdreg.scid  }
0x8b: {  	s0 =	sand.u32 $0x1, s1  }
0x8c: {  	s16 =	sshll.u32 s0, $0xA;
	s2 =	sadd.s32 s3, s2  }
0x8d: {  	s2 =	sadd.s32 s2, s16  }
0x8e: {  	[smem:$0x3FBF] =	sst s2  }
0x8f: {  	_ = 	snop  }
0x90: {  	(tm) =	ssettm $0x1  }
0x91: {  	s17 =	sld [smem:$0x3FFB];
	_ =	sdelay $0x3  }
0x92: {  	_ =	strace s17  }
0x93: {  	s2 =	sld [smem:$0x3FFC];
	_ =	sdelay $0x3  }
0x94: {  	_ =	strace s2  }
0x95: {  	s2 =	sld [smem:$0x3FFD];
	_ =	sdelay $0x3  }
0x96: {  	_ =	strace s2  }
0x97: {  	_ =	strace $0x8FFFFFFF  }
0x98: {  	s18 =	sld [smem:$0x3FDB];
	_ =	sdelay $0x1  }
0x99: {  	s19 =	simm.s32 $_scs_section_size  }
0x9a: {  	s4 =	simm.s32 $_size__tile_overlayer_lowered;
	s5 =	simm.s32 $_tile_overlayer_lowered  }
0x9b: {  	s22 =	simm.s32 $0x1BFF;
	s21 =	sshll.u32 s5, $0x1;
	s2 =	sadd.s32 s19, s18  }
0x9c: {  	s6 =	simm.s32 $0x0;
	s20 =	sshll.u32 s4, $0x1;
	s4 =	sadd.s32 s21, s2  }
0x9d: {  	[timem:s6], [sflag:s22] =	dma.local [hbm:s4], s20  }
0x9e: {  	_ =	swait.ge [sflag:s22], s20  }
0x9f: {  	s3 =	ssub.s32 $0x0, s20;
	[sflag:s22] =	ssyncset.done $0x0  }
0xa0: {  	[sflag:s22] =	ssyncadd.s32 s3;
	_ =	sdelay $0x1  }
0xa1: {  	s23 =	simm.s32 $0x1B8B  }
0xa2: {  	_ =	swait.ge [sflag:s23], $0x1  }
0xa3: {  	[sflag:s23] =	ssyncset.done $0x0  }
0xa4: {  	s25 =	simm.s32 $0x1B8E;
	s24 =	sld [smem:$0x3FFE];
	[sflag:s23] =	ssyncadd.s32 $0xFFFFFFFF  }
0xa5: {  	s26 =	simm.s32 $execute0_lowered;
	[smem:$0x3FD2] =	sst s25  }
0xa6: {  	s4 =	sshll.u32 s26, $0x1;
	_ =	strace $0x80000049;
	[dreg:$0x1] =	wrdreg $0xFFFFFFFF  }
0xa7: {  	s28 =	simm.s32 $_size_execute0_lowered;
	s2 =	sadd.s32 s2, s4;
	[dreg:$0x0] =	wrdreg $0x0  }
0xa8: {  	s4 =	sshll.u32 s28, $0x1;
	[dreg:$0x2] =	wrdreg s2  }
0xa9: {  	[dreg:$0x3] =	wrdreg s4  }
0xaa: {  	[dreg:$0x4] =	wrdreg $0xC0  }
0xab: {  	_ =	task [dreg:s6], $0x5FFFF  }
0xac: {  	[dreg:$0x1] =	wrdreg $0xFFFFFFFF  }
0xad: {  	[dreg:$0x0] =	wrdreg $0x60  }
0xae: {  	[dreg:$0x2] =	wrdreg s24  }
0xaf: {  	[dreg:$0x3] =	wrdreg $0x92000  }
0xb0: {  	[dreg:$0x4] =	wrdreg $0x9  }
0xb1: {  	_ =	task.clear_ibuf [dreg:s6], $0x5FFFF;
	_ =	strace $0x90000049  }
0xb2: {  	s29 =	simm.s32 $0x9;
	_ =	strace $0x8000004B  }
0xb3: {  	_ =	swait.ge [sflag:s29], $0x1  }
0xb4: {  	[sflag:s29] =	ssyncadd.s32 $0xFFFFFFFF  }
0xb5: {  	_ =	strace $0x9000004B  }
0xb6: {  	_ =	sfence  }
0xb7: {  	s30 =	sld [smem:$0x0];
	_ =	sdelay $0x2  }
0xb8: {  	s31 =	sshll.u32 s1, $0xD;
	s1 =	sshrl.u32 s1, $0x2  }
0xb9: {  	s3 =	sand.u32 $0x4000, s31;
	s1 =	sadd.s32 s1, s30  }
0xba: {  	s0 =	sor.u32 s3, s0;
	s1 =	sshll.u32 s1, $0x11  }
0xbb: {  	s0 =	sor.u32 s1, s0  }
0xbc: {  	s0 =	sadd.s32 $0x8F2B, s0  }
0xbd: {  	[sflag:s0] =	ssyncadd.remote.s32 $0x1  }
0xbe: {  	_ =	sfence.sel $0xFFFF  }
0xbf: {  	[dreg:$0x0] =	wrdreg $0xFFFFFFFF;
	(pc) =	sbr.abs _section_cstart, $3  }
0xc0: {  	[dreg:$0x1] =	wrdreg $0xFFFFFFFF  }
0xc1: {  	_ =	task.clear_ibuf [dreg:s6], $0x2FFFF;
	_ =	strace $0x9FFFFFFF  }
0xc2: {  	(tm) =	ssettm $0x7FFFFFFF  }
0xc3: {  	_ =	shalt  }
tec
execute0_lowered:
.L_overlay_start_1:
0x0: {  	(tag) =	ssettag $0x1  }
0x1: {  	s0 =	rddreg [dreg:$0x0]  }
0x2: {  	s1 =	rddreg [dreg:$0x1];
	s2 =	simm.s32 $0x0;
	s3 =	srdreg.scid  }
0x3: {  	s12 =	stileid.u32;
	s17 =	simm.s32 $0x8200;
	s18 =	simm.s32 $0x5  }
0x4: {  	s20 =	simm.s32 $0x80;
	s22 =	simm.s32 $0x4200;
	s19 =	simm.s32 $0x5200  }
0x5: {  	s15 =	simm.s32 $0x8A00;
	s28 =	simm.s32 $0x0;
	[smem:$0x7FF] =	sst s2  }
0x6: {  	s3 =	sand.u32 $0x1, s3;
	s4 =	sadd.s32 $0xD000, s0;
	s5 =	sadd.s32 $0xAD000, s0  }
0x7: {  	s11 =	smul.u32 $0x14000, s12;
	_ =	strace $0x8000004A;
	s6 =	sshll.u32 s3, $0x4  }
0x8: {  	s8 =	ssub.s32 $0x2, s3;
	s3 =	smul.u32 $0x140000, s3;
	s7 =	sor.u32 s12, s6  }
0x9: {  	s6 =	sadd.s32 $0x3000, s0;
	s9 =	sshrl.u32 s8, $0x1;
	s7 =	smul.u32 $0x2800, s7  }
0xa: {  	s0 =	sadd.s32 $0xB7000, s0;
	s9 =	ssub.s32 s8, s9;
	s8 =	smul.u32 $0x280, s12  }
0xb: {  	s3 =	sadd.s32 s11, s3;
	s11 =	simm.s32 $0x6A00;
	s12 =	simm.s32 $0x7200  }
0xc: {  	s29 =	sor.u32 $0x800, s3;
	s9 =	smax.u32 s9, $0x1;
	s3 =	sshrl.u32 s3, $0x3  }
0xd: {  	s10 =	sshrl.u32 s7, $0x3;
	s13 =	sor.u32 $0x10, s8;
	[dreg:$0x7] =	wrdreg s9  }
0xe: {  	s30 =	sshrl.u32 s29, $0x3;
	s14 =	sadd.s32 s3, s0;
	s31 =	sor.u32 $0x30, s8  }
0xf: {  	s3 =	simm.s32 $0x4A00;
	s9 =	simm.s32 $0x5A00;
	s23 =	sadd.s32 s5, s10  }
0x10: {  	s24 =	sor.u32 $0x10, s10;
	s10 =	sadd.s32 s6, s10;
	[dreg:$0x8] =	wrdreg s31  }
.Ltmp0:
0x11: {  	v0 =	vlaneseq.u32;
	s16 =	sadd.s32 s30, s0;
	[dreg:$0x3] =	wrdreg s23;
	(pc) =	sbr.rel .LBB2_1-.Ltmp0, $4  }
0x12: {  	s0 =	simm.s32 $0x2;
	v1 =	vor.u32 s13, v0;
	s13 =	simm.s32 $0x7A00;
	[dreg:$0x4] =	wrdreg s10  }
0x13: {  	s25 =	sadd.s32 s5, s24;
	s26 =	sadd.s32 s6, s24;
	s23 =	simm.s32 $0x1  }
0x14: {  	s10 =	simm.s32 $0x6200;
	s24 =	simm.s32 $0x3;
	[dreg:$0x5] =	wrdreg s25  }
0x15: {  	v3 =	vimm.f32 $0.0e+00;
	vm0 =	vmmov $0xffff;
	v2 =	vor.u32 s8, v0;
	[dreg:$0x6] =	wrdreg s26;
	s25 =	simm.s32 $0x4;
	s26 =	simm.s32 $0x180  }
.LBB2_11:
0x16: {  	s28 =	rddreg [dreg:$0x9]  }
0x17: {  	s21 =	rddreg [dreg:$0x7];
	s28 =	sadd.s32 $0x1, s28  }
0x18: {  	p0 =	sne.s32 s28, s21  }
.Ltmp1:
0x19: {  	_ = 	snop;
	(pc) =	sbr.rel @!p0 .LBB2_12-.Ltmp1, $1  }
0x1a: {  	_ =	sdelay $0x3  }
.LBB2_1:
0x1b: {  	[dreg:$0x9] =	wrdreg s28;
	s28 =	simm.s32 $0x0;
	s29 =	simm.s32 $0x200  }
.LBB2_2:
0x1c: {  	p0 =	sne.s32 s29, $0x1E00;
	[tilespmem:s28+$0x8270] =	vst v3  }
0x1d: {  	[tilespmem:s28+$0x8200] =	vst v3  }
0x1e: {  	[tilespmem:s28+$0x8210] =	vst v3  }
.Ltmp2:
0x1f: {  	[tilespmem:s28+$0x8220] =	vst v3;
	(pc) =	sbr.rel @p0 .LBB2_2-.Ltmp2, $4  }
0x20: {  	[tilespmem:s28+$0x8230] =	vst v3  }
0x21: {  	[tilespmem:s28+$0x8240] =	vst v3  }
0x22: {  	[tilespmem:s28+$0x8250] =	vst v3  }
0x23: {  	[tilespmem:s28+$0x8260] =	vst v3;
	s28 =	sshra.s32 s29, $0x2;
	s29 =	sadd.s32 $0x200, s29  }
0x24: {  	[tilespmem:s28+$0x8270] =	vst v3  }
0x25: {  	[tilespmem:s28+$0x8200] =	vst v3  }
0x26: {  	[tilespmem:s28+$0x8210] =	vst v3;
	s29 =	sadd.s32 $0x0, s8  }
0x27: {  	[tilespmem:s28+$0x8220] =	vst v3;
	v4 =	vor.u32 s29, v0  }
0x28: {  	[tilespmem:s28+$0x8230] =	vst v3  }
0x29: {  	[tilespmem:s28+$0x8240] =	vst v3  }
0x2a: {  	[tilespmem:s28+$0x8250] =	vst v3  }
0x2b: {  	[tilespmem:s28+$0x8260] =	vst v3;
	s28 =	sadd.s32 $0x10, s8  }
0x2c: {  	[spmem:s1] =	stream.indirect_vreg.scatter [tilespmem:s17], [sflag:$0x5], $0x80, v4, vm0, $0xb8;
	v4 =	vor.u32 s28, v0;
	[tilespmem:$0x1D200] =	vst v63  }
0x2d: {  	_ = 	snop  }
0x2e: {  	_ =	swait.ge [sflag:s18], $0x800  }
0x2f: {  	s28 =	simm.s32 $0x20;
	[sflag:s18] =	ssyncset.done $0x0  }
.LBB2_4:
0x30: {  	s29 =	sadd.s32 s28, s8;
	[sflag:s18] =	ssyncadd.s32 $0xFFFFF800;
	p0 =	sne.s32 s28, $0x270  }
0x31: {  	[spmem:s1] =	stream.indirect_vreg.scatter [tilespmem:s17], [sflag:$0x5], $0x80, v4, vm0, $0xb8;
	[tilespmem:$0x1D200] =	vst v63  }
.Ltmp3:
0x32: {  	_ = 	snop;
	(pc) =	sbr.rel @p0 .LBB2_4-.Ltmp3, $3  }
0x33: {  	v4 =	vor.u32 s29, v0;
	_ =	sdelay $0x1  }
0x34: {  	s28 =	sadd.s32 $0x10, s28;
	_ =	swait.ge [sflag:s18], $0x800  }
0x35: {  	[sflag:s18] =	ssyncset.done $0x0  }
0x36: {  	_ =	sdelay $0x2  }
0x37: {  	[sflag:s18] =	ssyncadd.s32 $0xFFFFF800  }
0x38: {  	[spmem:s1] =	stream.indirect_vreg.scatter [tilespmem:s17], [sflag:$0x5], $0x80, v4, vm0, $0xb8;
	[tilespmem:$0x1D200] =	vst v63  }
0x39: {  	_ =	swait.ge [sflag:s18], $0x800  }
0x3a: {  	[sflag:s18] =	ssyncset.done $0x0  }
0x3b: {  	[sflag:s18] =	ssyncadd.s32 $0xFFFFF800  }
0x3c: {  	[bflag:$0x0] =	sbarrier.arrive $0xFFFF  }
0x3d: {  	s21 =	rddreg [dreg:$0x3]  }
0x3e: {  	[tilespmem:s2], [sflag:$0x5] =	stream.linear.gather [hbm4b:s21+s2], $0x80, $0x38;
	[tilespmem:$0x1D200] =	vst v63  }
0x3f: {  	_ =	swait.ge [sflag:s18], $0x80  }
0x40: {  	[sflag:s18] =	ssyncset.done $0x0  }
0x41: {  	s28 =	simm.s32 $0x100;
	s31 =	rddreg [dreg:$0x4];
	[sflag:s18] =	ssyncadd.s32 $0xFFFFFF80  }
0x42: {  	[tilespmem:s28], [sflag:$0x5] =	stream.linear.gather [hbm4b:s31+s2], $0x80, $0x38;
	[tilespmem:$0x1D200] =	vst v63  }
0x43: {  	_ =	swait.ge [sflag:s18], $0x80  }
0x44: {  	[sflag:s18] =	ssyncset.done $0x0  }
0x45: {  	s29 =	simm.s32 $0x200;
	[sflag:s18] =	ssyncadd.s32 $0xFFFFFF80  }
0x46: {  	[tilespmem:s29], [sflag:$0x1] =	stream.indirect.gather [hbm4b:s4+s20], $0x80, s2, s20, $0xb8;
	[tilespmem:$0x1D200] =	vst v63  }
0x47: {  	s30 =	rddreg [dreg:$0x5]  }
0x48: {  	[tilespmem:s20], [sflag:$0x5] =	stream.linear.gather [hbm4b:s30+s2], $0x80, $0x38;
	[tilespmem:$0x1D200] =	vst v63  }
0x49: {  	_ =	swait.ge [sflag:s18], $0x80  }
0x4a: {  	[sflag:s18] =	ssyncset.done $0x0  }
0x4b: {  	s28 =	simm.s32 $0x180;
	s31 =	rddreg [dreg:$0x6];
	[sflag:s18] =	ssyncadd.s32 $0xFFFFFF80  }
0x4c: {  	[tilespmem:s28], [sflag:$0x5] =	stream.linear.gather [hbm4b:s31+s2], $0x80, $0x38;
	[tilespmem:$0x1D200] =	vst v63  }
0x4d: {  	_ =	swait.ge [sflag:s18], $0x80  }
0x4e: {  	[sflag:s18] =	ssyncset.done $0x0  }
0x4f: {  	[sflag:s18] =	ssyncadd.s32 $0xFFFFFF80  }
0x50: {  	[tilespmem:s22], [sflag:$0x2] =	stream.indirect.gather [hbm4b:s4+s20], $0x80, s20, s20, $0xb8;
	[tilespmem:$0x1D200] =	vst v63  }
.LBB2_6:
0x51: {  	_ =	swait.ge [sflag:s23], $0x4000  }
0x52: {  	[sflag:s23] =	ssyncset.done $0x0  }
0x53: {  	[sflag:s23] =	ssyncadd.s32 $0xFFFFC000  }
0x54: {  	v4 =	vld [tilespmem:$0x100];
	_ =	sdelay $0x6  }
0x55: {  	s21 =	simm.s32 $0x200  }
0x56: {  	[spmem:s1] =	stream.indirect_vreg.scatter.add.f32 [tilespmem:s21], [sflag:$0x5], $0x80, v4, vm0, $0xb8;
	[tilespmem:$0x1D200] =	vst v63  }
0x57: {  	_ =	swait.ge [sflag:s18], $0x800  }
0x58: {  	[sflag:s18] =	ssyncset.done $0x0  }
0x59: {  	[sflag:s18] =	ssyncadd.s32 $0xFFFFF800  }
0x5a: {  	v4 =	vld [tilespmem:$0x110];
	_ =	sdelay $0x6  }
0x5b: {  	s31 =	simm.s32 $0xA00  }
0x5c: {  	[spmem:s1] =	stream.indirect_vreg.scatter.add.f32 [tilespmem:s31], [sflag:$0x5], $0x80, v4, vm0, $0xb8;
	[tilespmem:$0x1D200] =	vst v63  }
0x5d: {  	_ =	swait.ge [sflag:s18], $0x800  }
0x5e: {  	[sflag:s18] =	ssyncset.done $0x0  }
0x5f: {  	[sflag:s18] =	ssyncadd.s32 $0xFFFFF800  }
0x60: {  	v4 =	vld [tilespmem:$0x120];
	_ =	sdelay $0x6  }
0x61: {  	s29 =	simm.s32 $0x1200  }
0x62: {  	[spmem:s1] =	stream.indirect_vreg.scatter.add.f32 [tilespmem:s29], [sflag:$0x5], $0x80, v4, vm0, $0xb8;
	[tilespmem:$0x1D200] =	vst v63  }
0x63: {  	_ =	swait.ge [sflag:s18], $0x800  }
0x64: {  	[sflag:s18] =	ssyncset.done $0x0  }
0x65: {  	[sflag:s18] =	ssyncadd.s32 $0xFFFFF800  }
0x66: {  	v4 =	vld [tilespmem:$0x130];
	_ =	sdelay $0x6  }
0x67: {  	s30 =	simm.s32 $0x1A00  }
0x68: {  	[spmem:s1] =	stream.indirect_vreg.scatter.add.f32 [tilespmem:s30], [sflag:$0x5], $0x80, v4, vm0, $0xb8;
	[tilespmem:$0x1D200] =	vst v63  }
0x69: {  	_ =	swait.ge [sflag:s18], $0x800  }
0x6a: {  	[sflag:s18] =	ssyncset.done $0x0  }
0x6b: {  	[sflag:s18] =	ssyncadd.s32 $0xFFFFF800  }
0x6c: {  	v4 =	vld [tilespmem:$0x140];
	_ =	sdelay $0x6  }
0x6d: {  	s31 =	simm.s32 $0x2200  }
0x6e: {  	[spmem:s1] =	stream.indirect_vreg.scatter.add.f32 [tilespmem:s31], [sflag:$0x5], $0x80, v4, vm0, $0xb8;
	[tilespmem:$0x1D200] =	vst v63  }
0x6f: {  	_ =	swait.ge [sflag:s18], $0x800  }
0x70: {  	[sflag:s18] =	ssyncset.done $0x0  }
0x71: {  	[sflag:s18] =	ssyncadd.s32 $0xFFFFF800  }
0x72: {  	v4 =	vld [tilespmem:$0x150];
	_ =	sdelay $0x6  }
0x73: {  	s29 =	simm.s32 $0x2A00  }
0x74: {  	[spmem:s1] =	stream.indirect_vreg.scatter.add.f32 [tilespmem:s29], [sflag:$0x5], $0x80, v4, vm0, $0xb8;
	[tilespmem:$0x1D200] =	vst v63  }
0x75: {  	_ =	swait.ge [sflag:s18], $0x800  }
0x76: {  	[sflag:s18] =	ssyncset.done $0x0  }
0x77: {  	[sflag:s18] =	ssyncadd.s32 $0xFFFFF800  }
0x78: {  	v4 =	vld [tilespmem:$0x160];
	_ =	sdelay $0x6  }
0x79: {  	s30 =	simm.s32 $0x3200  }
0x7a: {  	[spmem:s1] =	stream.indirect_vreg.scatter.add.f32 [tilespmem:s30], [sflag:$0x5], $0x80, v4, vm0, $0xb8;
	[tilespmem:$0x1D200] =	vst v63  }
0x7b: {  	_ =	swait.ge [sflag:s18], $0x800  }
0x7c: {  	[sflag:s18] =	ssyncset.done $0x0  }
0x7d: {  	[sflag:s18] =	ssyncadd.s32 $0xFFFFF800  }
0x7e: {  	v4 =	vld [tilespmem:$0x170];
	_ =	sdelay $0x3  }
0x7f: {  	p0 =	seq.s32 s28, $0x2880  }
0x80: {  	s29 =	sadd.s32 @!p0 $0xFFFFFF80, s28  }
0x81: {  	s30 =	sand.u32 @!p0 $0x7C00, s29  }
0x82: {  	s31 =	simm.s32 $0x3A00;
	s29 =	sand.u32 @!p0 $0x300, s29;
	s30 =	sadd.s32 @!p0 s7, s30  }
0x83: {  	[spmem:s1] =	stream.indirect_vreg.scatter.add.f32 [tilespmem:s31], [sflag:$0x5], $0x80, v4, vm0, $0xb8;
	[tilespmem:$0x1D200] =	vst v63  }
0x84: {  	s29 =	sor.u32 @!p0 s29, s30;
	_ =	swait.ge [sflag:s18], $0x800  }
0x85: {  	s29 =	sshrl.u32 @!p0 s29, $0x3;
	[sflag:s18] =	ssyncset.done $0x0  }
0x86: {  	s30 =	sadd.s32 @!p0 s5, s29;
	s31 =	simm.s32 @!p0 $0x0;
	[sflag:s18] =	ssyncadd.s32 $0xFFFFF800  }
0x87: {  	[tilespmem:s31], [sflag:$0x5] =	stream.linear.gather @!p0 [hbm4b:s30+s31], $0x80, $0x38;
	[tilespmem:$0x1D200] =	vst v63  }
0x88: {  	s30 =	simm.s32 @!p0 $0x5  }
0x89: {  	_ =	swait.ge @!p0 [sflag:s30], $0x80  }
0x8a: {  	[sflag:s30] =	ssyncset.done @!p0 $0x0  }
0x8b: {  	s21 =	simm.s32 @!p0 $0x100;
	s29 =	sadd.s32 @!p0 s6, s29;
	[sflag:s30] =	ssyncadd.s32 @!p0 $0xFFFFFF80  }
0x8c: {  	[tilespmem:s21], [sflag:$0x5] =	stream.linear.gather @!p0 [hbm4b:s29+s31], $0x80, $0x38;
	[tilespmem:$0x1D200] =	vst v63  }
0x8d: {  	_ =	swait.ge @!p0 [sflag:s30], $0x80  }
0x8e: {  	[sflag:s30] =	ssyncset.done @!p0 $0x0  }
0x8f: {  	s21 =	simm.s32 @!p0 $0x80;
	s29 =	simm.s32 @!p0 $0x200;
	[sflag:s30] =	ssyncadd.s32 @!p0 $0xFFFFFF80  }
0x90: {  	[tilespmem:s29], [sflag:$0x1] =	stream.indirect.gather @!p0 [hbm4b:s4+s21], $0x80, s31, s21, $0xb8;
	[tilespmem:$0x1D200] =	vst v63  }
0x91: {  	_ =	swait.ge [sflag:s0], $0x4000  }
0x92: {  	[sflag:s0] =	ssyncset.done $0x0  }
0x93: {  	[sflag:s0] =	ssyncadd.s32 $0xFFFFC000  }
0x94: {  	v4 =	vld [tilespmem:$0x180];
	_ =	sdelay $0x7  }
0x95: {  	[spmem:s1] =	stream.indirect_vreg.scatter.add.f32 [tilespmem:s22], [sflag:$0x5], $0x80, v4, vm0, $0xb8;
	[tilespmem:$0x1D200] =	vst v63  }
0x96: {  	_ =	swait.ge [sflag:s18], $0x800  }
0x97: {  	[sflag:s18] =	ssyncset.done $0x0  }
0x98: {  	[sflag:s18] =	ssyncadd.s32 $0xFFFFF800  }
0x99: {  	v4 =	vld [tilespmem:$0x190];
	_ =	sdelay $0x7  }
0x9a: {  	[spmem:s1] =	stream.indirect_vreg.scatter.add.f32 [tilespmem:s3], [sflag:$0x5], $0x80, v4, vm0, $0xb8;
	[tilespmem:$0x1D200] =	vst v63  }
0x9b: {  	_ =	swait.ge [sflag:s18], $0x800  }
0x9c: {  	[sflag:s18] =	ssyncset.done $0x0  }
0x9d: {  	[sflag:s18] =	ssyncadd.s32 $0xFFFFF800  }
0x9e: {  	v4 =	vld [tilespmem:$0x1A0];
	_ =	sdelay $0x7  }
0x9f: {  	[spmem:s1] =	stream.indirect_vreg.scatter.add.f32 [tilespmem:s19], [sflag:$0x5], $0x80, v4, vm0, $0xb8;
	[tilespmem:$0x1D200] =	vst v63  }
0xa0: {  	_ =	swait.ge [sflag:s18], $0x800  }
0xa1: {  	[sflag:s18] =	ssyncset.done $0x0  }
0xa2: {  	[sflag:s18] =	ssyncadd.s32 $0xFFFFF800  }
0xa3: {  	v4 =	vld [tilespmem:$0x1B0];
	_ =	sdelay $0x7  }
0xa4: {  	[spmem:s1] =	stream.indirect_vreg.scatter.add.f32 [tilespmem:s9], [sflag:$0x5], $0x80, v4, vm0, $0xb8;
	[tilespmem:$0x1D200] =	vst v63  }
0xa5: {  	_ =	swait.ge [sflag:s18], $0x800  }
0xa6: {  	[sflag:s18] =	ssyncset.done $0x0  }
0xa7: {  	[sflag:s18] =	ssyncadd.s32 $0xFFFFF800  }
0xa8: {  	v4 =	vld [tilespmem:$0x1C0];
	_ =	sdelay $0x7  }
0xa9: {  	[spmem:s1] =	stream.indirect_vreg.scatter.add.f32 [tilespmem:s10], [sflag:$0x5], $0x80, v4, vm0, $0xb8;
	[tilespmem:$0x1D200] =	vst v63  }
0xaa: {  	_ =	swait.ge [sflag:s18], $0x800  }
0xab: {  	[sflag:s18] =	ssyncset.done $0x0  }
0xac: {  	[sflag:s18] =	ssyncadd.s32 $0xFFFFF800  }
0xad: {  	v4 =	vld [tilespmem:$0x1D0];
	_ =	sdelay $0x7  }
0xae: {  	[spmem:s1] =	stream.indirect_vreg.scatter.add.f32 [tilespmem:s11], [sflag:$0x5], $0x80, v4, vm0, $0xb8;
	[tilespmem:$0x1D200] =	vst v63  }
0xaf: {  	_ =	swait.ge [sflag:s18], $0x800  }
0xb0: {  	[sflag:s18] =	ssyncset.done $0x0  }
0xb1: {  	[sflag:s18] =	ssyncadd.s32 $0xFFFFF800  }
0xb2: {  	v4 =	vld [tilespmem:$0x1E0];
	_ =	sdelay $0x7  }
0xb3: {  	[spmem:s1] =	stream.indirect_vreg.scatter.add.f32 [tilespmem:s12], [sflag:$0x5], $0x80, v4, vm0, $0xb8;
	[tilespmem:$0x1D200] =	vst v63  }
0xb4: {  	_ =	swait.ge [sflag:s18], $0x800  }
0xb5: {  	[sflag:s18] =	ssyncset.done $0x0  }
0xb6: {  	[sflag:s18] =	ssyncadd.s32 $0xFFFFF800  }
0xb7: {  	v4 =	vld [tilespmem:$0x1F0];
	_ =	sdelay $0x6  }
.Ltmp4:
0xb8: {  	_ = 	snop;
	(pc) =	sbr.rel @p0 .LBB2_8-.Ltmp4, $4  }
0xb9: {  	[spmem:s1] =	stream.indirect_vreg.scatter.add.f32 [tilespmem:s13], [sflag:$0x5], $0x80, v4, vm0, $0xb8;
	[tilespmem:$0x1D200] =	vst v63  }
0xba: {  	_ =	swait.ge [sflag:s18], $0x800  }
0xbb: {  	[sflag:s18] =	ssyncset.done $0x0  }
0xbc: {  	[sflag:s18] =	ssyncadd.s32 $0xFFFFF800  }
0xbd: {  	s21 =	sand.u32 $0x7C00, s28  }
0xbe: {  	s29 =	sand.u32 $0x380, s28;
	s21 =	sadd.s32 s7, s21  }
0xbf: {  	s21 =	sor.u32 s29, s21  }
0xc0: {  	s21 =	sshrl.u32 s21, $0x3  }
0xc1: {  	s31 =	sadd.s32 s5, s21  }
0xc2: {  	[tilespmem:s20], [sflag:$0x5] =	stream.linear.gather [hbm4b:s31+s2], $0x80, $0x38;
	[tilespmem:$0x1D200] =	vst v63  }
0xc3: {  	_ =	swait.ge [sflag:s18], $0x80  }
0xc4: {  	[sflag:s18] =	ssyncset.done $0x0  }
0xc5: {  	s21 =	sadd.s32 s6, s21;
	[sflag:s18] =	ssyncadd.s32 $0xFFFFFF80  }
0xc6: {  	[tilespmem:s26], [sflag:$0x5] =	stream.linear.gather [hbm4b:s21+s2], $0x80, $0x38;
	[tilespmem:$0x1D200] =	vst v63  }
.Ltmp5:
0xc7: {  	_ = 	snop;
	(pc) =	sbr.rel .LBB2_6-.Ltmp5, $4  }
0xc8: {  	_ =	swait.ge [sflag:s18], $0x80  }
0xc9: {  	[sflag:s18] =	ssyncset.done $0x0  }
0xca: {  	s28 =	sadd.s32 $0x100, s28;
	[sflag:s18] =	ssyncadd.s32 $0xFFFFFF80  }
0xcb: {  	[tilespmem:s22], [sflag:$0x2] =	stream.indirect.gather [hbm4b:s4+s20], $0x80, s20, s20, $0xb8;
	[tilespmem:$0x1D200] =	vst v63  }
.LBB2_8:
0xcc: {  	_ =	sdelay $0x2  }
0xcd: {  	[bflag:$0x0] =	sbarrier.arrive $0xFFFF  }
0xce: {  	[tilespmem:s17], [sflag:$0x3] =	stream.indirect_vreg.gather [spmem:s1], $0x80, v2, vm0, $0xb8;
	[tilespmem:$0x1D200] =	vst v63  }
0xcf: {  	s28 =	simm.s32 $0x0;
	s29 =	rddreg [dreg:$0x8]  }
0xd0: {  	[tilespmem:s15], [sflag:$0x4] =	stream.indirect_vreg.gather [spmem:s1], $0x80, v1, vm0, $0xb8;
	[tilespmem:$0x1D200] =	vst v63  }
.LBB2_9:
0xd1: {  	_ =	swait.ge [sflag:s24], $0x800;
	p0 =	seq.s32 s28, $0x2600  }
0xd2: {  	[sflag:s24] =	ssyncset.done $0x0;
	s21 =	sadd.s32 @!p0 $0xFFFFFFF0, s29;
	v4 =	vlaneseq.u32 @!p0  }
0xd3: {  	s30 =	sadd.s32 s28, s14;
	[sflag:s24] =	ssyncadd.s32 $0xFFFFF800;
	v4 =	vor.u32 @!p0 s21, v4  }
0xd4: {  	[hbm4b:s30+s2] =	stream.linear.scatter [tilespmem:s17], [sflag:$0x5], $0x800, $0x38;
	[tilespmem:$0x1D200] =	vst v63  }
0xd5: {  	_ =	swait.ge [sflag:s18], $0x800  }
0xd6: {  	[sflag:s18] =	ssyncset.done $0x0  }
0xd7: {  	vm1 =	vmmov @!p0 $0xffff;
	s21 =	simm.s32 @!p0 $0x8200;
	[sflag:s18] =	ssyncadd.s32 $0xFFFFF800  }
0xd8: {  	[tilespmem:s21], [sflag:$0x3] =	stream.indirect_vreg.gather @!p0 [spmem:s1], $0x80, v4, vm1, $0xb8;
	[tilespmem:$0x1D200] =	vst v63  }
0xd9: {  	_ =	swait.ge [sflag:s25], $0x800  }
0xda: {  	[sflag:s25] =	ssyncset.done $0x0  }
.Ltmp6:
0xdb: {  	s31 =	sadd.s32 s28, s16;
	[sflag:s25] =	ssyncadd.s32 $0xFFFFF800;
	(pc) =	sbr.rel @p0 .LBB2_11-.Ltmp6, $4  }
0xdc: {  	[hbm4b:s31+s2] =	stream.linear.scatter [tilespmem:s15], [sflag:$0x5], $0x800, $0x38;
	[tilespmem:$0x1D200] =	vst v63  }
0xdd: {  	_ =	swait.ge [sflag:s18], $0x800  }
0xde: {  	[sflag:s18] =	ssyncset.done $0x0  }
0xdf: {  	[sflag:s18] =	ssyncadd.s32 $0xFFFFF800  }
0xe0: {  	v4 =	vor.u32 s29, v0  }
.Ltmp7:
0xe1: {  	_ = 	snop;
	(pc) =	sbr.rel .LBB2_9-.Ltmp7, $3  }
0xe2: {  	_ =	sdelay $0x1  }
0xe3: {  	s28 =	sadd.s32 $0x200, s28;
	s29 =	sadd.s32 $0x20, s29  }
0xe4: {  	[tilespmem:s15], [sflag:$0x4] =	stream.indirect_vreg.gather [spmem:s1], $0x80, v4, vm0, $0xb8;
	[tilespmem:$0x1D200] =	vst v63  }
.LBB2_12:
0xe5: {  	_ =	sfence.sel $0x180000  }
0xe6: {  	[bflag:$0x0] =	sbarrier.arrive $0xFFFF  }
0xe7: {  	_ =	strace $0x9000004A  }
0xe8: {  	s0 =	stileid.u32;
	[bflag:$0x2] =	sbarrier.arrive $0xFFFF  }
0xe9: {  	p0 =	sne.s32 s0, $0x0;
	s0 =	rddreg [dreg:$0x2]  }
0xea: {  	s0 =	sadd.s32 @!p0 $0x100000, s0  }
0xeb: {  	[sflag:s0] =	ssyncadd.tile.s32 @!p0 $0x1;
	_ =	shalt  }
.Lfunc_end2:
_tile_overlayer_lowered:
.L_overlay_start_2:
0xec: {  	(tag) =	ssettag $0x2  }
0xed: {  	s0 =	rddreg [dreg:$0x0];
	s2 =	stileid.u32  }
0xee: {  	s1 =	rddreg [dreg:$0x1];
	p0 =	sne.s32 s2, $0x0  }
0xef: {  	s3 =	rddreg [dreg:$0x2];
	[bflag:$0x3] =	sbarrier.arrive $0xFFFF;
	s2 =	simm.s32 @!p0 $0x1C05  }
0xf0: {  	[timem:s3], [sflag:s2] =	dma.local @!p0 [hbm:s0], s1  }
0xf1: {  	s0 =	simm.s32 @!p0 $0x5  }
0xf2: {  	_ =	swait.ge @!p0 [sflag:s0], s1  }
0xf3: {  	s1 =	ssub.s32 @!p0 $0x0, s1;
	[sflag:s0] =	ssyncset.done @!p0 $0x0  }
0xf4: {  	[sflag:s0] =	ssyncadd.s32 @!p0 s1  }
0xf5: {  	[bflag:$0x3] =	sbarrier.arrive $0xFFFF  }
0xf6: {  	_ =	shalt  }

// kernel: kernel.14.cloned.1.call-start
scs
__scs_entry_jumppad:
0x0: {  	(pc) =	sbr.rel $0x88, $3  }
0x1: {  	(tag) =	ssettag $0x0;
	lr =	simm.s32 $0x1  }
0x2: {  	[smem:$0x3F98] =	sst lr;
	_ =	strace $0xD0000000  }
0x3: {  	_ = 	snop  }
0x4: {  	_ = 	snop  }
0x5: {  	_ = 	snop  }
0x6: {  	_ = 	snop  }
0x7: {  	_ = 	snop  }
__scs_overlays_trampoline_lowered:
0x8: {  	[smem:$0x3FA7] =	sst s0  }
0x9: {  	[smem:$0x3FA8] =	sst s1  }
0xa: {  	[smem:$0x3FA9] =	sst s2  }
0xb: {  	[smem:$0x3FAA] =	sst s3  }
0xc: {  	[smem:$0x3FAB] =	sst s4  }
0xd: {  	[smem:$0x3FAC] =	sst s5  }
0xe: {  	[smem:$0x3FAD] =	sst s6  }
0xf: {  	[smem:$0x3FAE] =	sst s7  }
0x10: {  	[smem:$0x3FAF] =	sst s8  }
0x11: {  	[smem:$0x3FB0] =	sst s9;
	s0 =	simm.s32 @!p0 $0x0  }
0x12: {  	s1 =	sld [smem:$0x3F96];
	s0 =	simm.s32 @p0 $0x1  }
0x13: {  	[smem:$0x3FB1] =	sst s0;
	s0 =	simm.s32 @!p1 $0x0  }
0x14: {  	s2 =	sld [smem:$0x3F95];
	s0 =	simm.s32 @p1 $0x1  }
0x15: {  	[smem:$0x3FB2] =	sst s0;
	s0 =	simm.s32 @!p2 $0x0  }
0x16: {  	s3 =	sld [smem:$0x3FDB];
	s0 =	simm.s32 @p2 $0x1  }
0x17: {  	s4 =	simm.s32 $0x1BF5;
	[smem:$0x3FB4] =	sst s0  }
0x18: {  	s0 =	sld [smem:$0x3F97];
	_ =	swait.ge [sflag:s4], $0x0  }
0x19: {  	s7 =	sld [smem:$0x3F98]  }
0x1a: {  	s8 =	sadd.s32 $0xFFFFE003, lr  }
0x1b: {  	s9 =	sadd.s32 $0xFFFFFEF7, lr;
	s5 =	simm.s32 $0xFFFFFFFF;
	p2 =	slt.u32 s8, $0xFFFFF086  }
0x1c: {  	p1 =	slt.u32 s9, $0xF7A;
	s5 =	simm.s32 @!p2 $0x0  }
0x1d: {  	s5 =	simm.s32 @p1 $0x1;
	p0 =	seq.s32 s7, s2  }
0x1e: {  	s7 =	smul.u32 @!p0 $0xF7A, s2;
	p2 =	seq.s32 @!p0 s5, $0x0  }
0x1f: {  	s9 =	smul.u32 $0xF7A, s1;
	s8 =	simm.s32 @!p0 $0x1BF5;
	p2 =	por !p2, p0  }
0x20: {  	[sflag:s8] =	ssyncset.s32 @!p0 $0xFFFFF086;
	s6 =	sadd.s32 @!p0 s3, s7;
	s7 =	simm.s32 @!p0 $0x108  }
0x21: {  	s3 =	sadd.s32 s3, s9;
	s6 =	sadd.s32 @!p0 $0x88, s6;
	s7 =	simm.s32 @p2 $0x1082  }
0x22: {  	[simem:s7], [sflag:s8] =	dma.local @!p0 [hbm:s6], $0xF7A  }
0x23: {  	s9 =	sor.u32 $0xD0000000, s2;
	s6 =	simm.s32 $0x108;
	_ =	swait.ge @!p0 [sflag:s8], $0x0  }
0x24: {  	s3 =	sadd.s32 $0x88, s3;
	s6 =	simm.s32 @!p1 $0x1082;
	[sflag:s4] =	ssyncset.s32 $0xFFFFF086  }
0x25: {  	[simem:s6], [sflag:s4] =	dma.local [hbm:s3], $0xF7A  }
0x26: {  	[smem:$0x3F98] =	sst s1;
	(tag) =	ssettag s2;
	_ =	strace s9  }
0x27: {  	s1 =	sld [smem:$0x3FA8]  }
0x28: {  	s2 =	sld [smem:$0x3FA9]  }
0x29: {  	s4 =	sld [smem:$0x3FAB]  }
0x2a: {  	p0 =	seq.s32 s5, $0x0;
	s5 =	sld [smem:$0x3FAC]  }
0x2b: {  	s6 =	sld [smem:$0x3FAD]  }
0x2c: {  	s7 =	sld [smem:$0x3FAE]  }
0x2d: {  	s3 =	simm.s32 $0x108;
	s8 =	sld [smem:$0x3FAF]  }
0x2e: {  	s3 =	simm.s32 @!p0 $0x1082;
	s9 =	sld [smem:$0x3FB0]  }
0x2f: {  	lr =	sadd.s32 s0, s3;
	s0 =	sld [smem:$0x3FA7]  }
0x30: {  	s3 =	sld [smem:$0x3FAA]  }
0x31: {  	[smem:$0x3FB3] =	sst s10  }
0x32: {  	s10 =	sld [smem:$0x3FB1];
	_ =	sdelay $0x3  }
0x33: {  	p0 =	seq.s32 s10, $0x1;
	s10 =	sld [smem:$0x3FB3];
	_ =	sdelay $0x3  }
0x34: {  	[smem:$0x3FB3] =	sst s10  }
0x35: {  	s10 =	sld [smem:$0x3FB2];
	_ =	sdelay $0x3  }
0x36: {  	p1 =	seq.s32 s10, $0x1;
	s10 =	sld [smem:$0x3FB3];
	_ =	sdelay $0x3  }
0x37: {  	[smem:$0x3FB3] =	sst s10  }
0x38: {  	s10 =	sld [smem:$0x3FB4]  }
0x39: {  	_ = 	snop;
	(pc) =	sbr.ind lr, $3  }
0x3a: {  	_ = 	snop  }
0x3b: {  	_ = 	snop  }
0x3c: {  	p2 =	seq.s32 s10, $0x1;
	s10 =	sld [smem:$0x3FB3]  }
0x3d: {  	_ =	shalt  }
0x3e: {  	_ =	shalt  }
0x3f: {  	_ =	shalt  }
0x40: {  	_ =	shalt  }
0x41: {  	_ =	shalt  }
0x42: {  	_ =	shalt  }
0x43: {  	_ =	shalt  }
0x44: {  	_ =	shalt  }
0x45: {  	_ =	shalt  }
0x46: {  	_ =	shalt  }
0x47: {  	_ =	shalt  }
0x48: {  	_ =	shalt  }
0x49: {  	_ =	shalt  }
0x4a: {  	_ =	shalt  }
0x4b: {  	_ =	shalt  }
0x4c: {  	_ =	shalt  }
0x4d: {  	_ =	shalt  }
0x4e: {  	_ =	shalt  }
0x4f: {  	_ =	shalt  }
0x50: {  	_ =	shalt  }
0x51: {  	_ =	shalt  }
0x52: {  	_ =	shalt  }
0x53: {  	_ =	shalt  }
0x54: {  	_ =	shalt  }
0x55: {  	_ =	shalt  }
0x56: {  	_ =	shalt  }
0x57: {  	_ =	shalt  }
0x58: {  	_ =	shalt  }
0x59: {  	_ =	shalt  }
0x5a: {  	_ =	shalt  }
0x5b: {  	_ =	shalt  }
0x5c: {  	_ =	shalt  }
0x5d: {  	_ =	shalt  }
0x5e: {  	_ =	shalt  }
0x5f: {  	_ =	shalt  }
0x60: {  	_ =	shalt  }
0x61: {  	_ =	shalt  }
0x62: {  	_ =	shalt  }
0x63: {  	_ =	shalt  }
0x64: {  	_ =	shalt  }
0x65: {  	_ =	shalt  }
0x66: {  	_ =	shalt  }
0x67: {  	_ =	shalt  }
0x68: {  	_ =	shalt  }
0x69: {  	_ =	shalt  }
0x6a: {  	_ =	shalt  }
0x6b: {  	_ =	shalt  }
0x6c: {  	_ =	shalt  }
0x6d: {  	_ =	shalt  }
0x6e: {  	_ =	shalt  }
0x6f: {  	_ =	shalt  }
0x70: {  	_ =	shalt  }
0x71: {  	_ =	shalt  }
0x72: {  	_ =	shalt  }
0x73: {  	_ =	shalt  }
0x74: {  	_ =	shalt  }
0x75: {  	_ =	shalt  }
0x76: {  	_ =	shalt  }
0x77: {  	_ =	shalt  }
0x78: {  	_ =	shalt  }
0x79: {  	_ =	shalt  }
0x7a: {  	_ =	shalt  }
0x7b: {  	_ =	shalt  }
0x7c: {  	_ =	shalt  }
0x7d: {  	_ =	shalt  }
0x7e: {  	_ =	shalt  }
0x7f: {  	_ =	shalt  }
0x80: {  	_ =	shalt  }
0x81: {  	_ =	shalt  }
0x82: {  	_ =	shalt  }
0x83: {  	_ =	shalt  }
0x84: {  	_ =	shalt  }
0x85: {  	_ =	shalt  }
0x86: {  	_ =	shalt  }
0x87: {  	_ =	shalt  }
.Lfunc_end0:
.L_simem_size_0:
called_computation.2_lowered:
.L_overlay_start_0:
0x88: {  	s2 =	sld [smem:$0x3FD9]  }
0x89: {  	s3 =	sld [smem:$0x3FFE];
	_ =	sdelay $0x1  }
0x8a: {  	s1 =	srdreg.scid  }
0x8b: {  	s0 =	sand.u32 $0x1, s1  }
0x8c: {  	s16 =	sshll.u32 s0, $0xA;
	s2 =	sadd.s32 s3, s2  }
0x8d: {  	s2 =	sadd.s32 s2, s16  }
0x8e: {  	[smem:$0x3FBF] =	sst s2  }
0x8f: {  	_ = 	snop  }
0x90: {  	(tm) =	ssettm $0x1  }
0x91: {  	s17 =	sld [smem:$0x3FFB];
	_ =	sdelay $0x3  }
0x92: {  	_ =	strace s17  }
0x93: {  	s2 =	sld [smem:$0x3FFC];
	_ =	sdelay $0x3  }
0x94: {  	_ =	strace s2  }
0x95: {  	s2 =	sld [smem:$0x3FFD];
	_ =	sdelay $0x3  }
0x96: {  	_ =	strace s2  }
0x97: {  	_ =	strace $0x8FFFFFFF  }
0x98: {  	s18 =	sld [smem:$0x3FDB];
	_ =	sdelay $0x1  }
0x99: {  	s19 =	simm.s32 $_scs_section_size  }
0x9a: {  	s4 =	simm.s32 $_size__tile_overlayer_lowered;
	s5 =	simm.s32 $_tile_overlayer_lowered  }
0x9b: {  	s22 =	simm.s32 $0x1BFF;
	s21 =	sshll.u32 s5, $0x1;
	s2 =	sadd.s32 s19, s18  }
0x9c: {  	s6 =	simm.s32 $0x0;
	s20 =	sshll.u32 s4, $0x1;
	s4 =	sadd.s32 s21, s2  }
0x9d: {  	[timem:s6], [sflag:s22] =	dma.local [hbm:s4], s20  }
0x9e: {  	_ =	swait.ge [sflag:s22], s20  }
0x9f: {  	s3 =	ssub.s32 $0x0, s20;
	[sflag:s22] =	ssyncset.done $0x0  }
0xa0: {  	[sflag:s22] =	ssyncadd.s32 s3;
	_ =	sdelay $0x1  }
0xa1: {  	s23 =	simm.s32 $0x1B8B  }
0xa2: {  	_ =	swait.ge [sflag:s23], $0x1  }
0xa3: {  	[sflag:s23] =	ssyncset.done $0x0  }
0xa4: {  	s25 =	simm.s32 $0x1B8E;
	s24 =	sld [smem:$0x3FFE];
	[sflag:s23] =	ssyncadd.s32 $0xFFFFFFFF  }
0xa5: {  	s26 =	simm.s32 $execute0_lowered;
	[smem:$0x3FD2] =	sst s25  }
0xa6: {  	s4 =	sshll.u32 s26, $0x1;
	_ =	strace $0x8000004C;
	[dreg:$0x1] =	wrdreg $0xFFFFFFFF  }
0xa7: {  	s28 =	simm.s32 $_size_execute0_lowered;
	s2 =	sadd.s32 s2, s4;
	[dreg:$0x0] =	wrdreg $0x0  }
0xa8: {  	s4 =	sshll.u32 s28, $0x1;
	[dreg:$0x2] =	wrdreg s2  }
0xa9: {  	[dreg:$0x3] =	wrdreg s4  }
0xaa: {  	[dreg:$0x4] =	wrdreg $0xC0  }
0xab: {  	_ =	task [dreg:s6], $0x5FFFF  }
0xac: {  	[dreg:$0x1] =	wrdreg $0xFFFFFFFF  }
0xad: {  	[dreg:$0x0] =	wrdreg $0x60  }
0xae: {  	[dreg:$0x2] =	wrdreg s24  }
0xaf: {  	[dreg:$0x3] =	wrdreg $0x92000  }
0xb0: {  	[dreg:$0x4] =	wrdreg $0x9  }
0xb1: {  	_ =	task.clear_ibuf [dreg:s6], $0x5FFFF;
	_ =	strace $0x9000004C  }
0xb2: {  	s29 =	simm.s32 $0x9;
	_ =	strace $0x8000004E  }
0xb3: {  	_ =	swait.ge [sflag:s29], $0x1  }
0xb4: {  	[sflag:s29] =	ssyncadd.s32 $0xFFFFFFFF  }
0xb5: {  	_ =	strace $0x9000004E  }
0xb6: {  	_ =	sfence  }
0xb7: {  	s30 =	sld [smem:$0x0];
	_ =	sdelay $0x2  }
0xb8: {  	s31 =	sshll.u32 s1, $0xD;
	s1 =	sshrl.u32 s1, $0x2  }
0xb9: {  	s3 =	sand.u32 $0x4000, s31;
	s1 =	sadd.s32 s1, s30  }
0xba: {  	s0 =	sor.u32 s3, s0;
	s1 =	sshll.u32 s1, $0x11  }
0xbb: {  	s0 =	sor.u32 s1, s0  }
0xbc: {  	s0 =	sadd.s32 $0x8F2B, s0  }
0xbd: {  	[sflag:s0] =	ssyncadd.remote.s32 $0x1  }
0xbe: {  	_ =	sfence.sel $0xFFFF  }
0xbf: {  	[dreg:$0x0] =	wrdreg $0xFFFFFFFF;
	(pc) =	sbr.abs _section_cstart, $3  }
0xc0: {  	[dreg:$0x1] =	wrdreg $0xFFFFFFFF  }
0xc1: {  	_ =	task.clear_ibuf [dreg:s6], $0x2FFFF;
	_ =	strace $0x9FFFFFFF  }
0xc2: {  	(tm) =	ssettm $0x7FFFFFFF  }
0xc3: {  	_ =	shalt  }
tec
execute0_lowered:
.L_overlay_start_1:
0x0: {  	(tag) =	ssettag $0x1  }
0x1: {  	s0 =	rddreg [dreg:$0x0]  }
0x2: {  	s1 =	rddreg [dreg:$0x1];
	s2 =	simm.s32 $0x0;
	s3 =	srdreg.scid  }
0x3: {  	s12 =	stileid.u32;
	s17 =	simm.s32 $0x8200;
	s18 =	simm.s32 $0x5  }
0x4: {  	s20 =	simm.s32 $0x80;
	s22 =	simm.s32 $0x4200;
	s19 =	simm.s32 $0x5200  }
0x5: {  	s15 =	simm.s32 $0x8A00;
	s28 =	simm.s32 $0x0;
	[smem:$0x7FF] =	sst s2  }
0x6: {  	s3 =	sand.u32 $0x1, s3;
	s4 =	sadd.s32 $0xD000, s0;
	s5 =	sadd.s32 $0xAD000, s0  }
0x7: {  	s11 =	smul.u32 $0x14000, s12;
	_ =	strace $0x8000004D;
	s6 =	sshll.u32 s3, $0x4  }
0x8: {  	s8 =	ssub.s32 $0x2, s3;
	s3 =	smul.u32 $0x140000, s3;
	s7 =	sor.u32 s12, s6  }
0x9: {  	s6 =	sadd.s32 $0x3000, s0;
	s9 =	sshrl.u32 s8, $0x1;
	s7 =	smul.u32 $0x2800, s7  }
0xa: {  	s0 =	sadd.s32 $0xB7000, s0;
	s9 =	ssub.s32 s8, s9;
	s8 =	smul.u32 $0x280, s12  }
0xb: {  	s3 =	sadd.s32 s11, s3;
	s11 =	simm.s32 $0x6A00;
	s12 =	simm.s32 $0x7200  }
0xc: {  	s29 =	sor.u32 $0x800, s3;
	s9 =	smax.u32 s9, $0x1;
	s3 =	sshrl.u32 s3, $0x3  }
0xd: {  	s10 =	sshrl.u32 s7, $0x3;
	s13 =	sor.u32 $0x10, s8;
	[dreg:$0x7] =	wrdreg s9  }
0xe: {  	s30 =	sshrl.u32 s29, $0x3;
	s14 =	sadd.s32 s3, s0;
	s31 =	sor.u32 $0x30, s8  }
0xf: {  	s3 =	simm.s32 $0x4A00;
	s9 =	simm.s32 $0x5A00;
	s23 =	sadd.s32 s5, s10  }
0x10: {  	s24 =	sor.u32 $0x10, s10;
	s10 =	sadd.s32 s6, s10;
	[dreg:$0x8] =	wrdreg s31  }
.Ltmp0:
0x11: {  	v0 =	vlaneseq.u32;
	s16 =	sadd.s32 s30, s0;
	[dreg:$0x3] =	wrdreg s23;
	(pc) =	sbr.rel .LBB2_1-.Ltmp0, $4  }
0x12: {  	s0 =	simm.s32 $0x2;
	v1 =	vor.u32 s13, v0;
	s13 =	simm.s32 $0x7A00;
	[dreg:$0x4] =	wrdreg s10  }
0x13: {  	s25 =	sadd.s32 s5, s24;
	s26 =	sadd.s32 s6, s24;
	s23 =	simm.s32 $0x1  }
0x14: {  	s10 =	simm.s32 $0x6200;
	s24 =	simm.s32 $0x3;
	[dreg:$0x5] =	wrdreg s25  }
0x15: {  	v3 =	vimm.f32 $0.0e+00;
	vm0 =	vmmov $0xffff;
	v2 =	vor.u32 s8, v0;
	[dreg:$0x6] =	wrdreg s26;
	s25 =	simm.s32 $0x4;
	s26 =	simm.s32 $0x180  }
.LBB2_11:
0x16: {  	s28 =	rddreg [dreg:$0x9]  }
0x17: {  	s21 =	rddreg [dreg:$0x7];
	s28 =	sadd.s32 $0x1, s28  }
0x18: {  	p0 =	sne.s32 s28, s21  }
.Ltmp1:
0x19: {  	_ = 	snop;
	(pc) =	sbr.rel @!p0 .LBB2_12-.Ltmp1, $1  }
0x1a: {  	_ =	sdelay $0x3  }
.LBB2_1:
0x1b: {  	[dreg:$0x9] =	wrdreg s28;
	s28 =	simm.s32 $0x0;
	s29 =	simm.s32 $0x200  }
.LBB2_2:
0x1c: {  	p0 =	sne.s32 s29, $0x1E00;
	[tilespmem:s28+$0x8270] =	vst v3  }
0x1d: {  	[tilespmem:s28+$0x8200] =	vst v3  }
0x1e: {  	[tilespmem:s28+$0x8210] =	vst v3  }
.Ltmp2:
0x1f: {  	[tilespmem:s28+$0x8220] =	vst v3;
	(pc) =	sbr.rel @p0 .LBB2_2-.Ltmp2, $4  }
0x20: {  	[tilespmem:s28+$0x8230] =	vst v3  }
0x21: {  	[tilespmem:s28+$0x8240] =	vst v3  }
0x22: {  	[tilespmem:s28+$0x8250] =	vst v3  }
0x23: {  	[tilespmem:s28+$0x8260] =	vst v3;
	s28 =	sshra.s32 s29, $0x2;
	s29 =	sadd.s32 $0x200, s29  }
0x24: {  	[tilespmem:s28+$0x8270] =	vst v3  }
0x25: {  	[tilespmem:s28+$0x8200] =	vst v3  }
0x26: {  	[tilespmem:s28+$0x8210] =	vst v3;
	s29 =	sadd.s32 $0x0, s8  }
0x27: {  	[tilespmem:s28+$0x8220] =	vst v3;
	v4 =	vor.u32 s29, v0  }
0x28: {  	[tilespmem:s28+$0x8230] =	vst v3  }
0x29: {  	[tilespmem:s28+$0x8240] =	vst v3  }
0x2a: {  	[tilespmem:s28+$0x8250] =	vst v3  }
0x2b: {  	[tilespmem:s28+$0x8260] =	vst v3;
	s28 =	sadd.s32 $0x10, s8  }
0x2c: {  	[spmem:s1] =	stream.indirect_vreg.scatter [tilespmem:s17], [sflag:$0x5], $0x80, v4, vm0, $0xb8;
	v4 =	vor.u32 s28, v0;
	[tilespmem:$0x1D200] =	vst v63  }
0x2d: {  	_ = 	snop  }
0x2e: {  	_ =	swait.ge [sflag:s18], $0x800  }
0x2f: {  	s28 =	simm.s32 $0x20;
	[sflag:s18] =	ssyncset.done $0x0  }
.LBB2_4:
0x30: {  	s29 =	sadd.s32 s28, s8;
	[sflag:s18] =	ssyncadd.s32 $0xFFFFF800;
	p0 =	sne.s32 s28, $0x270  }
0x31: {  	[spmem:s1] =	stream.indirect_vreg.scatter [tilespmem:s17], [sflag:$0x5], $0x80, v4, vm0, $0xb8;
	[tilespmem:$0x1D200] =	vst v63  }
.Ltmp3:
0x32: {  	_ = 	snop;
	(pc) =	sbr.rel @p0 .LBB2_4-.Ltmp3, $3  }
0x33: {  	v4 =	vor.u32 s29, v0;
	_ =	sdelay $0x1  }
0x34: {  	s28 =	sadd.s32 $0x10, s28;
	_ =	swait.ge [sflag:s18], $0x800  }
0x35: {  	[sflag:s18] =	ssyncset.done $0x0  }
0x36: {  	_ =	sdelay $0x2  }
0x37: {  	[sflag:s18] =	ssyncadd.s32 $0xFFFFF800  }
0x38: {  	[spmem:s1] =	stream.indirect_vreg.scatter [tilespmem:s17], [sflag:$0x5], $0x80, v4, vm0, $0xb8;
	[tilespmem:$0x1D200] =	vst v63  }
0x39: {  	_ =	swait.ge [sflag:s18], $0x800  }
0x3a: {  	[sflag:s18] =	ssyncset.done $0x0  }
0x3b: {  	[sflag:s18] =	ssyncadd.s32 $0xFFFFF800  }
0x3c: {  	[bflag:$0x0] =	sbarrier.arrive $0xFFFF  }
0x3d: {  	s21 =	rddreg [dreg:$0x3]  }
0x3e: {  	[tilespmem:s2], [sflag:$0x5] =	stream.linear.gather [hbm4b:s21+s2], $0x80, $0x38;
	[tilespmem:$0x1D200] =	vst v63  }
0x3f: {  	_ =	swait.ge [sflag:s18], $0x80  }
0x40: {  	[sflag:s18] =	ssyncset.done $0x0  }
0x41: {  	s28 =	simm.s32 $0x100;
	s31 =	rddreg [dreg:$0x4];
	[sflag:s18] =	ssyncadd.s32 $0xFFFFFF80  }
0x42: {  	[tilespmem:s28], [sflag:$0x5] =	stream.linear.gather [hbm4b:s31+s2], $0x80, $0x38;
	[tilespmem:$0x1D200] =	vst v63  }
0x43: {  	_ =	swait.ge [sflag:s18], $0x80  }
0x44: {  	[sflag:s18] =	ssyncset.done $0x0  }
0x45: {  	s29 =	simm.s32 $0x200;
	[sflag:s18] =	ssyncadd.s32 $0xFFFFFF80  }
0x46: {  	[tilespmem:s29], [sflag:$0x1] =	stream.indirect.gather [hbm4b:s4+s20], $0x80, s2, s20, $0xb8;
	[tilespmem:$0x1D200] =	vst v63  }
0x47: {  	s30 =	rddreg [dreg:$0x5]  }
0x48: {  	[tilespmem:s20], [sflag:$0x5] =	stream.linear.gather [hbm4b:s30+s2], $0x80, $0x38;
	[tilespmem:$0x1D200] =	vst v63  }
0x49: {  	_ =	swait.ge [sflag:s18], $0x80  }
0x4a: {  	[sflag:s18] =	ssyncset.done $0x0  }
0x4b: {  	s28 =	simm.s32 $0x180;
	s31 =	rddreg [dreg:$0x6];
	[sflag:s18] =	ssyncadd.s32 $0xFFFFFF80  }
0x4c: {  	[tilespmem:s28], [sflag:$0x5] =	stream.linear.gather [hbm4b:s31+s2], $0x80, $0x38;
	[tilespmem:$0x1D200] =	vst v63  }
0x4d: {  	_ =	swait.ge [sflag:s18], $0x80  }
0x4e: {  	[sflag:s18] =	ssyncset.done $0x0  }
0x4f: {  	[sflag:s18] =	ssyncadd.s32 $0xFFFFFF80  }
0x50: {  	[tilespmem:s22], [sflag:$0x2] =	stream.indirect.gather [hbm4b:s4+s20], $0x80, s20, s20, $0xb8;
	[tilespmem:$0x1D200] =	vst v63  }
.LBB2_6:
0x51: {  	_ =	swait.ge [sflag:s23], $0x4000  }
0x52: {  	[sflag:s23] =	ssyncset.done $0x0  }
0x53: {  	[sflag:s23] =	ssyncadd.s32 $0xFFFFC000  }
0x54: {  	v4 =	vld [tilespmem:$0x100];
	_ =	sdelay $0x6  }
0x55: {  	s21 =	simm.s32 $0x200  }
0x56: {  	[spmem:s1] =	stream.indirect_vreg.scatter.add.f32 [tilespmem:s21], [sflag:$0x5], $0x80, v4, vm0, $0xb8;
	[tilespmem:$0x1D200] =	vst v63  }
0x57: {  	_ =	swait.ge [sflag:s18], $0x800  }
0x58: {  	[sflag:s18] =	ssyncset.done $0x0  }
0x59: {  	[sflag:s18] =	ssyncadd.s32 $0xFFFFF800  }
0x5a: {  	v4 =	vld [tilespmem:$0x110];
	_ =	sdelay $0x6  }
0x5b: {  	s31 =	simm.s32 $0xA00  }
0x5c: {  	[spmem:s1] =	stream.indirect_vreg.scatter.add.f32 [tilespmem:s31], [sflag:$0x5], $0x80, v4, vm0, $0xb8;
	[tilespmem:$0x1D200] =	vst v63  }
0x5d: {  	_ =	swait.ge [sflag:s18], $0x800  }
0x5e: {  	[sflag:s18] =	ssyncset.done $0x0  }
0x5f: {  	[sflag:s18] =	ssyncadd.s32 $0xFFFFF800  }
0x60: {  	v4 =	vld [tilespmem:$0x120];
	_ =	sdelay $0x6  }
0x61: {  	s29 =	simm.s32 $0x1200  }
0x62: {  	[spmem:s1] =	stream.indirect_vreg.scatter.add.f32 [tilespmem:s29], [sflag:$0x5], $0x80, v4, vm0, $0xb8;
	[tilespmem:$0x1D200] =	vst v63  }
0x63: {  	_ =	swait.ge [sflag:s18], $0x800  }
0x64: {  	[sflag:s18] =	ssyncset.done $0x0  }
0x65: {  	[sflag:s18] =	ssyncadd.s32 $0xFFFFF800  }
0x66: {  	v4 =	vld [tilespmem:$0x130];
	_ =	sdelay $0x6  }
0x67: {  	s30 =	simm.s32 $0x1A00  }
0x68: {  	[spmem:s1] =	stream.indirect_vreg.scatter.add.f32 [tilespmem:s30], [sflag:$0x5], $0x80, v4, vm0, $0xb8;
	[tilespmem:$0x1D200] =	vst v63  }
0x69: {  	_ =	swait.ge [sflag:s18], $0x800  }
0x6a: {  	[sflag:s18] =	ssyncset.done $0x0  }
0x6b: {  	[sflag:s18] =	ssyncadd.s32 $0xFFFFF800  }
0x6c: {  	v4 =	vld [tilespmem:$0x140];
	_ =	sdelay $0x6  }
0x6d: {  	s31 =	simm.s32 $0x2200  }
0x6e: {  	[spmem:s1] =	stream.indirect_vreg.scatter.add.f32 [tilespmem:s31], [sflag:$0x5], $0x80, v4, vm0, $0xb8;
	[tilespmem:$0x1D200] =	vst v63  }
0x6f: {  	_ =	swait.ge [sflag:s18], $0x800  }
0x70: {  	[sflag:s18] =	ssyncset.done $0x0  }
0x71: {  	[sflag:s18] =	ssyncadd.s32 $0xFFFFF800  }
0x72: {  	v4 =	vld [tilespmem:$0x150];
	_ =	sdelay $0x6  }
0x73: {  	s29 =	simm.s32 $0x2A00  }
0x74: {  	[spmem:s1] =	stream.indirect_vreg.scatter.add.f32 [tilespmem:s29], [sflag:$0x5], $0x80, v4, vm0, $0xb8;
	[tilespmem:$0x1D200] =	vst v63  }
0x75: {  	_ =	swait.ge [sflag:s18], $0x800  }
0x76: {  	[sflag:s18] =	ssyncset.done $0x0  }
0x77: {  	[sflag:s18] =	ssyncadd.s32 $0xFFFFF800  }
0x78: {  	v4 =	vld [tilespmem:$0x160];
	_ =	sdelay $0x6  }
0x79: {  	s30 =	simm.s32 $0x3200  }
0x7a: {  	[spmem:s1] =	stream.indirect_vreg.scatter.add.f32 [tilespmem:s30], [sflag:$0x5], $0x80, v4, vm0, $0xb8;
	[tilespmem:$0x1D200] =	vst v63  }
0x7b: {  	_ =	swait.ge [sflag:s18], $0x800  }
0x7c: {  	[sflag:s18] =	ssyncset.done $0x0  }
0x7d: {  	[sflag:s18] =	ssyncadd.s32 $0xFFFFF800  }
0x7e: {  	v4 =	vld [tilespmem:$0x170];
	_ =	sdelay $0x3  }
0x7f: {  	p0 =	seq.s32 s28, $0x2880  }
0x80: {  	s29 =	sadd.s32 @!p0 $0xFFFFFF80, s28  }
0x81: {  	s30 =	sand.u32 @!p0 $0x7C00, s29  }
0x82: {  	s31 =	simm.s32 $0x3A00;
	s29 =	sand.u32 @!p0 $0x300, s29;
	s30 =	sadd.s32 @!p0 s7, s30  }
0x83: {  	[spmem:s1] =	stream.indirect_vreg.scatter.add.f32 [tilespmem:s31], [sflag:$0x5], $0x80, v4, vm0, $0xb8;
	[tilespmem:$0x1D200] =	vst v63  }
0x84: {  	s29 =	sor.u32 @!p0 s29, s30;
	_ =	swait.ge [sflag:s18], $0x800  }
0x85: {  	s29 =	sshrl.u32 @!p0 s29, $0x3;
	[sflag:s18] =	ssyncset.done $0x0  }
0x86: {  	s30 =	sadd.s32 @!p0 s5, s29;
	s31 =	simm.s32 @!p0 $0x0;
	[sflag:s18] =	ssyncadd.s32 $0xFFFFF800  }
0x87: {  	[tilespmem:s31], [sflag:$0x5] =	stream.linear.gather @!p0 [hbm4b:s30+s31], $0x80, $0x38;
	[tilespmem:$0x1D200] =	vst v63  }
0x88: {  	s30 =	simm.s32 @!p0 $0x5  }
0x89: {  	_ =	swait.ge @!p0 [sflag:s30], $0x80  }
0x8a: {  	[sflag:s30] =	ssyncset.done @!p0 $0x0  }
0x8b: {  	s21 =	simm.s32 @!p0 $0x100;
	s29 =	sadd.s32 @!p0 s6, s29;
	[sflag:s30] =	ssyncadd.s32 @!p0 $0xFFFFFF80  }
0x8c: {  	[tilespmem:s21], [sflag:$0x5] =	stream.linear.gather @!p0 [hbm4b:s29+s31], $0x80, $0x38;
	[tilespmem:$0x1D200] =	vst v63  }
0x8d: {  	_ =	swait.ge @!p0 [sflag:s30], $0x80  }
0x8e: {  	[sflag:s30] =	ssyncset.done @!p0 $0x0  }
0x8f: {  	s21 =	simm.s32 @!p0 $0x80;
	s29 =	simm.s32 @!p0 $0x200;
	[sflag:s30] =	ssyncadd.s32 @!p0 $0xFFFFFF80  }
0x90: {  	[tilespmem:s29], [sflag:$0x1] =	stream.indirect.gather @!p0 [hbm4b:s4+s21], $0x80, s31, s21, $0xb8;
	[tilespmem:$0x1D200] =	vst v63  }
0x91: {  	_ =	swait.ge [sflag:s0], $0x4000  }
0x92: {  	[sflag:s0] =	ssyncset.done $0x0  }
0x93: {  	[sflag:s0] =	ssyncadd.s32 $0xFFFFC000  }
0x94: {  	v4 =	vld [tilespmem:$0x180];
	_ =	sdelay $0x7  }
0x95: {  	[spmem:s1] =	stream.indirect_vreg.scatter.add.f32 [tilespmem:s22], [sflag:$0x5], $0x80, v4, vm0, $0xb8;
	[tilespmem:$0x1D200] =	vst v63  }
0x96: {  	_ =	swait.ge [sflag:s18], $0x800  }
0x97: {  	[sflag:s18] =	ssyncset.done $0x0  }
0x98: {  	[sflag:s18] =	ssyncadd.s32 $0xFFFFF800  }
0x99: {  	v4 =	vld [tilespmem:$0x190];
	_ =	sdelay $0x7  }
0x9a: {  	[spmem:s1] =	stream.indirect_vreg.scatter.add.f32 [tilespmem:s3], [sflag:$0x5], $0x80, v4, vm0, $0xb8;
	[tilespmem:$0x1D200] =	vst v63  }
0x9b: {  	_ =	swait.ge [sflag:s18], $0x800  }
0x9c: {  	[sflag:s18] =	ssyncset.done $0x0  }
0x9d: {  	[sflag:s18] =	ssyncadd.s32 $0xFFFFF800  }
0x9e: {  	v4 =	vld [tilespmem:$0x1A0];
	_ =	sdelay $0x7  }
0x9f: {  	[spmem:s1] =	stream.indirect_vreg.scatter.add.f32 [tilespmem:s19], [sflag:$0x5], $0x80, v4, vm0, $0xb8;
	[tilespmem:$0x1D200] =	vst v63  }
0xa0: {  	_ =	swait.ge [sflag:s18], $0x800  }
0xa1: {  	[sflag:s18] =	ssyncset.done $0x0  }
0xa2: {  	[sflag:s18] =	ssyncadd.s32 $0xFFFFF800  }
0xa3: {  	v4 =	vld [tilespmem:$0x1B0];
	_ =	sdelay $0x7  }
0xa4: {  	[spmem:s1] =	stream.indirect_vreg.scatter.add.f32 [tilespmem:s9], [sflag:$0x5], $0x80, v4, vm0, $0xb8;
	[tilespmem:$0x1D200] =	vst v63  }
0xa5: {  	_ =	swait.ge [sflag:s18], $0x800  }
0xa6: {  	[sflag:s18] =	ssyncset.done $0x0  }
0xa7: {  	[sflag:s18] =	ssyncadd.s32 $0xFFFFF800  }
0xa8: {  	v4 =	vld [tilespmem:$0x1C0];
	_ =	sdelay $0x7  }
0xa9: {  	[spmem:s1] =	stream.indirect_vreg.scatter.add.f32 [tilespmem:s10], [sflag:$0x5], $0x80, v4, vm0, $0xb8;
	[tilespmem:$0x1D200] =	vst v63  }
0xaa: {  	_ =	swait.ge [sflag:s18], $0x800  }
0xab: {  	[sflag:s18] =	ssyncset.done $0x0  }
0xac: {  	[sflag:s18] =	ssyncadd.s32 $0xFFFFF800  }
0xad: {  	v4 =	vld [tilespmem:$0x1D0];
	_ =	sdelay $0x7  }
0xae: {  	[spmem:s1] =	stream.indirect_vreg.scatter.add.f32 [tilespmem:s11], [sflag:$0x5], $0x80, v4, vm0, $0xb8;
	[tilespmem:$0x1D200] =	vst v63  }
0xaf: {  	_ =	swait.ge [sflag:s18], $0x800  }
0xb0: {  	[sflag:s18] =	ssyncset.done $0x0  }
0xb1: {  	[sflag:s18] =	ssyncadd.s32 $0xFFFFF800  }
0xb2: {  	v4 =	vld [tilespmem:$0x1E0];
	_ =	sdelay $0x7  }
0xb3: {  	[spmem:s1] =	stream.indirect_vreg.scatter.add.f32 [tilespmem:s12], [sflag:$0x5], $0x80, v4, vm0, $0xb8;
	[tilespmem:$0x1D200] =	vst v63  }
0xb4: {  	_ =	swait.ge [sflag:s18], $0x800  }
0xb5: {  	[sflag:s18] =	ssyncset.done $0x0  }
0xb6: {  	[sflag:s18] =	ssyncadd.s32 $0xFFFFF800  }
0xb7: {  	v4 =	vld [tilespmem:$0x1F0];
	_ =	sdelay $0x6  }
.Ltmp4:
0xb8: {  	_ = 	snop;
	(pc) =	sbr.rel @p0 .LBB2_8-.Ltmp4, $4  }
0xb9: {  	[spmem:s1] =	stream.indirect_vreg.scatter.add.f32 [tilespmem:s13], [sflag:$0x5], $0x80, v4, vm0, $0xb8;
	[tilespmem:$0x1D200] =	vst v63  }
0xba: {  	_ =	swait.ge [sflag:s18], $0x800  }
0xbb: {  	[sflag:s18] =	ssyncset.done $0x0  }
0xbc: {  	[sflag:s18] =	ssyncadd.s32 $0xFFFFF800  }
0xbd: {  	s21 =	sand.u32 $0x7C00, s28  }
0xbe: {  	s29 =	sand.u32 $0x380, s28;
	s21 =	sadd.s32 s7, s21  }
0xbf: {  	s21 =	sor.u32 s29, s21  }
0xc0: {  	s21 =	sshrl.u32 s21, $0x3  }
0xc1: {  	s31 =	sadd.s32 s5, s21  }
0xc2: {  	[tilespmem:s20], [sflag:$0x5] =	stream.linear.gather [hbm4b:s31+s2], $0x80, $0x38;
	[tilespmem:$0x1D200] =	vst v63  }
0xc3: {  	_ =	swait.ge [sflag:s18], $0x80  }
0xc4: {  	[sflag:s18] =	ssyncset.done $0x0  }
0xc5: {  	s21 =	sadd.s32 s6, s21;
	[sflag:s18] =	ssyncadd.s32 $0xFFFFFF80  }
0xc6: {  	[tilespmem:s26], [sflag:$0x5] =	stream.linear.gather [hbm4b:s21+s2], $0x80, $0x38;
	[tilespmem:$0x1D200] =	vst v63  }
.Ltmp5:
0xc7: {  	_ = 	snop;
	(pc) =	sbr.rel .LBB2_6-.Ltmp5, $4  }
0xc8: {  	_ =	swait.ge [sflag:s18], $0x80  }
0xc9: {  	[sflag:s18] =	ssyncset.done $0x0  }
0xca: {  	s28 =	sadd.s32 $0x100, s28;
	[sflag:s18] =	ssyncadd.s32 $0xFFFFFF80  }
0xcb: {  	[tilespmem:s22], [sflag:$0x2] =	stream.indirect.gather [hbm4b:s4+s20], $0x80, s20, s20, $0xb8;
	[tilespmem:$0x1D200] =	vst v63  }
.LBB2_8:
0xcc: {  	_ =	sdelay $0x2  }
0xcd: {  	[bflag:$0x0] =	sbarrier.arrive $0xFFFF  }
0xce: {  	[tilespmem:s17], [sflag:$0x3] =	stream.indirect_vreg.gather [spmem:s1], $0x80, v2, vm0, $0xb8;
	[tilespmem:$0x1D200] =	vst v63  }
0xcf: {  	s28 =	simm.s32 $0x0;
	s29 =	rddreg [dreg:$0x8]  }
0xd0: {  	[tilespmem:s15], [sflag:$0x4] =	stream.indirect_vreg.gather [spmem:s1], $0x80, v1, vm0, $0xb8;
	[tilespmem:$0x1D200] =	vst v63  }
.LBB2_9:
0xd1: {  	_ =	swait.ge [sflag:s24], $0x800;
	p0 =	seq.s32 s28, $0x2600  }
0xd2: {  	[sflag:s24] =	ssyncset.done $0x0;
	s21 =	sadd.s32 @!p0 $0xFFFFFFF0, s29;
	v4 =	vlaneseq.u32 @!p0  }
0xd3: {  	s30 =	sadd.s32 s28, s14;
	[sflag:s24] =	ssyncadd.s32 $0xFFFFF800;
	v4 =	vor.u32 @!p0 s21, v4  }
0xd4: {  	[hbm4b:s30+s2] =	stream.linear.scatter [tilespmem:s17], [sflag:$0x5], $0x800, $0x38;
	[tilespmem:$0x1D200] =	vst v63  }
0xd5: {  	_ =	swait.ge [sflag:s18], $0x800  }
0xd6: {  	[sflag:s18] =	ssyncset.done $0x0  }
0xd7: {  	vm1 =	vmmov @!p0 $0xffff;
	s21 =	simm.s32 @!p0 $0x8200;
	[sflag:s18] =	ssyncadd.s32 $0xFFFFF800  }
0xd8: {  	[tilespmem:s21], [sflag:$0x3] =	stream.indirect_vreg.gather @!p0 [spmem:s1], $0x80, v4, vm1, $0xb8;
	[tilespmem:$0x1D200] =	vst v63  }
0xd9: {  	_ =	swait.ge [sflag:s25], $0x800  }
0xda: {  	[sflag:s25] =	ssyncset.done $0x0  }
.Ltmp6:
0xdb: {  	s31 =	sadd.s32 s28, s16;
	[sflag:s25] =	ssyncadd.s32 $0xFFFFF800;
	(pc) =	sbr.rel @p0 .LBB2_11-.Ltmp6, $4  }
0xdc: {  	[hbm4b:s31+s2] =	stream.linear.scatter [tilespmem:s15], [sflag:$0x5], $0x800, $0x38;
	[tilespmem:$0x1D200] =	vst v63  }
0xdd: {  	_ =	swait.ge [sflag:s18], $0x800  }
0xde: {  	[sflag:s18] =	ssyncset.done $0x0  }
0xdf: {  	[sflag:s18] =	ssyncadd.s32 $0xFFFFF800  }
0xe0: {  	v4 =	vor.u32 s29, v0  }
.Ltmp7:
0xe1: {  	_ = 	snop;
	(pc) =	sbr.rel .LBB2_9-.Ltmp7, $3  }
0xe2: {  	_ =	sdelay $0x1  }
0xe3: {  	s28 =	sadd.s32 $0x200, s28;
	s29 =	sadd.s32 $0x20, s29  }
0xe4: {  	[tilespmem:s15], [sflag:$0x4] =	stream.indirect_vreg.gather [spmem:s1], $0x80, v4, vm0, $0xb8;
	[tilespmem:$0x1D200] =	vst v63  }
.LBB2_12:
0xe5: {  	_ =	sfence.sel $0x180000  }
0xe6: {  	[bflag:$0x0] =	sbarrier.arrive $0xFFFF  }
0xe7: {  	_ =	strace $0x9000004D  }
0xe8: {  	s0 =	stileid.u32;
	[bflag:$0x2] =	sbarrier.arrive $0xFFFF  }
0xe9: {  	p0 =	sne.s32 s0, $0x0;
	s0 =	rddreg [dreg:$0x2]  }
0xea: {  	s0 =	sadd.s32 @!p0 $0x100000, s0  }
0xeb: {  	[sflag:s0] =	ssyncadd.tile.s32 @!p0 $0x1;
	_ =	shalt  }
.Lfunc_end2:
_tile_overlayer_lowered:
.L_overlay_start_2:
0xec: {  	(tag) =	ssettag $0x2  }
0xed: {  	s0 =	rddreg [dreg:$0x0];
	s2 =	stileid.u32  }
0xee: {  	s1 =	rddreg [dreg:$0x1];
	p0 =	sne.s32 s2, $0x0  }
0xef: {  	s3 =	rddreg [dreg:$0x2];
	[bflag:$0x3] =	sbarrier.arrive $0xFFFF;
	s2 =	simm.s32 @!p0 $0x1C05  }
0xf0: {  	[timem:s3], [sflag:s2] =	dma.local @!p0 [hbm:s0], s1  }
0xf1: {  	s0 =	simm.s32 @!p0 $0x5  }
0xf2: {  	_ =	swait.ge @!p0 [sflag:s0], s1  }
0xf3: {  	s1 =	ssub.s32 @!p0 $0x0, s1;
	[sflag:s0] =	ssyncset.done @!p0 $0x0  }
0xf4: {  	[sflag:s0] =	ssyncadd.s32 @!p0 s1  }
0xf5: {  	[bflag:$0x3] =	sbarrier.arrive $0xFFFF  }
0xf6: {  	_ =	shalt  }

// kernel: kernel.8.cloned.1.call-start
scs
__scs_entry_jumppad:
0x0: {  	(pc) =	sbr.rel $0x88, $3  }
0x1: {  	(tag) =	ssettag $0x0;
	lr =	simm.s32 $0x1  }
0x2: {  	[smem:$0x3F98] =	sst lr;
	_ =	strace $0xD0000000  }
0x3: {  	_ = 	snop  }
0x4: {  	_ = 	snop  }
0x5: {  	_ = 	snop  }
0x6: {  	_ = 	snop  }
0x7: {  	_ = 	snop  }
__scs_overlays_trampoline_lowered:
0x8: {  	[smem:$0x3FA7] =	sst s0  }
0x9: {  	[smem:$0x3FA8] =	sst s1  }
0xa: {  	[smem:$0x3FA9] =	sst s2  }
0xb: {  	[smem:$0x3FAA] =	sst s3  }
0xc: {  	[smem:$0x3FAB] =	sst s4  }
0xd: {  	[smem:$0x3FAC] =	sst s5  }
0xe: {  	[smem:$0x3FAD] =	sst s6  }
0xf: {  	[smem:$0x3FAE] =	sst s7  }
0x10: {  	[smem:$0x3FAF] =	sst s8  }
0x11: {  	[smem:$0x3FB0] =	sst s9;
	s0 =	simm.s32 @!p0 $0x0  }
0x12: {  	s1 =	sld [smem:$0x3F96];
	s0 =	simm.s32 @p0 $0x1  }
0x13: {  	[smem:$0x3FB1] =	sst s0;
	s0 =	simm.s32 @!p1 $0x0  }
0x14: {  	s2 =	sld [smem:$0x3F95];
	s0 =	simm.s32 @p1 $0x1  }
0x15: {  	[smem:$0x3FB2] =	sst s0;
	s0 =	simm.s32 @!p2 $0x0  }
0x16: {  	s3 =	sld [smem:$0x3FDB];
	s0 =	simm.s32 @p2 $0x1  }
0x17: {  	s4 =	simm.s32 $0x1BF5;
	[smem:$0x3FB4] =	sst s0  }
0x18: {  	s0 =	sld [smem:$0x3F97];
	_ =	swait.ge [sflag:s4], $0x0  }
0x19: {  	s7 =	sld [smem:$0x3F98]  }
0x1a: {  	s8 =	sadd.s32 $0xFFFFE003, lr  }
0x1b: {  	s9 =	sadd.s32 $0xFFFFFEF7, lr;
	s5 =	simm.s32 $0xFFFFFFFF;
	p2 =	slt.u32 s8, $0xFFFFF086  }
0x1c: {  	p1 =	slt.u32 s9, $0xF7A;
	s5 =	simm.s32 @!p2 $0x0  }
0x1d: {  	s5 =	simm.s32 @p1 $0x1;
	p0 =	seq.s32 s7, s2  }
0x1e: {  	s7 =	smul.u32 @!p0 $0xF7A, s2;
	p2 =	seq.s32 @!p0 s5, $0x0  }
0x1f: {  	s9 =	smul.u32 $0xF7A, s1;
	s8 =	simm.s32 @!p0 $0x1BF5;
	p2 =	por !p2, p0  }
0x20: {  	[sflag:s8] =	ssyncset.s32 @!p0 $0xFFFFF086;
	s6 =	sadd.s32 @!p0 s3, s7;
	s7 =	simm.s32 @!p0 $0x108  }
0x21: {  	s3 =	sadd.s32 s3, s9;
	s6 =	sadd.s32 @!p0 $0x88, s6;
	s7 =	simm.s32 @p2 $0x1082  }
0x22: {  	[simem:s7], [sflag:s8] =	dma.local @!p0 [hbm:s6], $0xF7A  }
0x23: {  	s9 =	sor.u32 $0xD0000000, s2;
	s6 =	simm.s32 $0x108;
	_ =	swait.ge @!p0 [sflag:s8], $0x0  }
0x24: {  	s3 =	sadd.s32 $0x88, s3;
	s6 =	simm.s32 @!p1 $0x1082;
	[sflag:s4] =	ssyncset.s32 $0xFFFFF086  }
0x25: {  	[simem:s6], [sflag:s4] =	dma.local [hbm:s3], $0xF7A  }
0x26: {  	[smem:$0x3F98] =	sst s1;
	(tag) =	ssettag s2;
	_ =	strace s9  }
0x27: {  	s1 =	sld [smem:$0x3FA8]  }
0x28: {  	s2 =	sld [smem:$0x3FA9]  }
0x29: {  	s4 =	sld [smem:$0x3FAB]  }
0x2a: {  	p0 =	seq.s32 s5, $0x0;
	s5 =	sld [smem:$0x3FAC]  }
0x2b: {  	s6 =	sld [smem:$0x3FAD]  }
0x2c: {  	s7 =	sld [smem:$0x3FAE]  }
0x2d: {  	s3 =	simm.s32 $0x108;
	s8 =	sld [smem:$0x3FAF]  }
0x2e: {  	s3 =	simm.s32 @!p0 $0x1082;
	s9 =	sld [smem:$0x3FB0]  }
0x2f: {  	lr =	sadd.s32 s0, s3;
	s0 =	sld [smem:$0x3FA7]  }
0x30: {  	s3 =	sld [smem:$0x3FAA]  }
0x31: {  	[smem:$0x3FB3] =	sst s10  }
0x32: {  	s10 =	sld [smem:$0x3FB1];
	_ =	sdelay $0x3  }
0x33: {  	p0 =	seq.s32 s10, $0x1;
	s10 =	sld [smem:$0x3FB3];
	_ =	sdelay $0x3  }
0x34: {  	[smem:$0x3FB3] =	sst s10  }
0x35: {  	s10 =	sld [smem:$0x3FB2];
	_ =	sdelay $0x3  }
0x36: {  	p1 =	seq.s32 s10, $0x1;
	s10 =	sld [smem:$0x3FB3];
	_ =	sdelay $0x3  }
0x37: {  	[smem:$0x3FB3] =	sst s10  }
0x38: {  	s10 =	sld [smem:$0x3FB4]  }
0x39: {  	_ = 	snop;
	(pc) =	sbr.ind lr, $3  }
0x3a: {  	_ = 	snop  }
0x3b: {  	_ = 	snop  }
0x3c: {  	p2 =	seq.s32 s10, $0x1;
	s10 =	sld [smem:$0x3FB3]  }
0x3d: {  	_ =	shalt  }
0x3e: {  	_ =	shalt  }
0x3f: {  	_ =	shalt  }
0x40: {  	_ =	shalt  }
0x41: {  	_ =	shalt  }
0x42: {  	_ =	shalt  }
0x43: {  	_ =	shalt  }
0x44: {  	_ =	shalt  }
0x45: {  	_ =	shalt  }
0x46: {  	_ =	shalt  }
0x47: {  	_ =	shalt  }
0x48: {  	_ =	shalt  }
0x49: {  	_ =	shalt  }
0x4a: {  	_ =	shalt  }
0x4b: {  	_ =	shalt  }
0x4c: {  	_ =	shalt  }
0x4d: {  	_ =	shalt  }
0x4e: {  	_ =	shalt  }
0x4f: {  	_ =	shalt  }
0x50: {  	_ =	shalt  }
0x51: {  	_ =	shalt  }
0x52: {  	_ =	shalt  }
0x53: {  	_ =	shalt  }
0x54: {  	_ =	shalt  }
0x55: {  	_ =	shalt  }
0x56: {  	_ =	shalt  }
0x57: {  	_ =	shalt  }
0x58: {  	_ =	shalt  }
0x59: {  	_ =	shalt  }
0x5a: {  	_ =	shalt  }
0x5b: {  	_ =	shalt  }
0x5c: {  	_ =	shalt  }
0x5d: {  	_ =	shalt  }
0x5e: {  	_ =	shalt  }
0x5f: {  	_ =	shalt  }
0x60: {  	_ =	shalt  }
0x61: {  	_ =	shalt  }
0x62: {  	_ =	shalt  }
0x63: {  	_ =	shalt  }
0x64: {  	_ =	shalt  }
0x65: {  	_ =	shalt  }
0x66: {  	_ =	shalt  }
0x67: {  	_ =	shalt  }
0x68: {  	_ =	shalt  }
0x69: {  	_ =	shalt  }
0x6a: {  	_ =	shalt  }
0x6b: {  	_ =	shalt  }
0x6c: {  	_ =	shalt  }
0x6d: {  	_ =	shalt  }
0x6e: {  	_ =	shalt  }
0x6f: {  	_ =	shalt  }
0x70: {  	_ =	shalt  }
0x71: {  	_ =	shalt  }
0x72: {  	_ =	shalt  }
0x73: {  	_ =	shalt  }
0x74: {  	_ =	shalt  }
0x75: {  	_ =	shalt  }
0x76: {  	_ =	shalt  }
0x77: {  	_ =	shalt  }
0x78: {  	_ =	shalt  }
0x79: {  	_ =	shalt  }
0x7a: {  	_ =	shalt  }
0x7b: {  	_ =	shalt  }
0x7c: {  	_ =	shalt  }
0x7d: {  	_ =	shalt  }
0x7e: {  	_ =	shalt  }
0x7f: {  	_ =	shalt  }
0x80: {  	_ =	shalt  }
0x81: {  	_ =	shalt  }
0x82: {  	_ =	shalt  }
0x83: {  	_ =	shalt  }
0x84: {  	_ =	shalt  }
0x85: {  	_ =	shalt  }
0x86: {  	_ =	shalt  }
0x87: {  	_ =	shalt  }
.Lfunc_end0:
.L_simem_size_0:
called_computation_lowered:
.L_overlay_start_0:
0x88: {  	s2 =	sld [smem:$0x3FD9]  }
0x89: {  	s3 =	sld [smem:$0x3FFE];
	_ =	sdelay $0x1  }
0x8a: {  	s1 =	srdreg.scid  }
0x8b: {  	s0 =	sand.u32 $0x1, s1  }
0x8c: {  	s16 =	sshll.u32 s0, $0xA;
	s2 =	sadd.s32 s3, s2  }
0x8d: {  	s2 =	sadd.s32 s2, s16  }
0x8e: {  	[smem:$0x3FBF] =	sst s2  }
0x8f: {  	_ = 	snop  }
0x90: {  	(tm) =	ssettm $0x1  }
0x91: {  	s17 =	sld [smem:$0x3FFB];
	_ =	sdelay $0x3  }
0x92: {  	_ =	strace s17  }
0x93: {  	s2 =	sld [smem:$0x3FFC];
	_ =	sdelay $0x3  }
0x94: {  	_ =	strace s2  }
0x95: {  	s2 =	sld [smem:$0x3FFD];
	_ =	sdelay $0x3  }
0x96: {  	_ =	strace s2  }
0x97: {  	_ =	strace $0x8FFFFFFF  }
0x98: {  	s18 =	sld [smem:$0x3FDB];
	_ =	sdelay $0x1  }
0x99: {  	s19 =	simm.s32 $_scs_section_size  }
0x9a: {  	s4 =	simm.s32 $_size__tile_overlayer_lowered;
	s5 =	simm.s32 $_tile_overlayer_lowered  }
0x9b: {  	s22 =	simm.s32 $0x1BFF;
	s21 =	sshll.u32 s5, $0x1;
	s2 =	sadd.s32 s19, s18  }
0x9c: {  	s6 =	simm.s32 $0x0;
	s20 =	sshll.u32 s4, $0x1;
	s4 =	sadd.s32 s21, s2  }
0x9d: {  	[timem:s6], [sflag:s22] =	dma.local [hbm:s4], s20  }
0x9e: {  	_ =	swait.ge [sflag:s22], s20  }
0x9f: {  	s3 =	ssub.s32 $0x0, s20;
	[sflag:s22] =	ssyncset.done $0x0  }
0xa0: {  	[sflag:s22] =	ssyncadd.s32 s3;
	_ =	sdelay $0x1  }
0xa1: {  	s23 =	simm.s32 $0x1B8B  }
0xa2: {  	_ =	swait.ge [sflag:s23], $0x1  }
0xa3: {  	[sflag:s23] =	ssyncset.done $0x0  }
0xa4: {  	s25 =	simm.s32 $0x1B8E;
	s24 =	sld [smem:$0x3FFE];
	[sflag:s23] =	ssyncadd.s32 $0xFFFFFFFF  }
0xa5: {  	s26 =	simm.s32 $execute0_lowered;
	[smem:$0x3FD2] =	sst s25  }
0xa6: {  	s4 =	sshll.u32 s26, $0x1;
	_ =	strace $0x80000046;
	[dreg:$0x1] =	wrdreg $0xFFFFFFFF  }
0xa7: {  	s28 =	simm.s32 $_size_execute0_lowered;
	s2 =	sadd.s32 s2, s4;
	[dreg:$0x0] =	wrdreg $0x0  }
0xa8: {  	s4 =	sshll.u32 s28, $0x1;
	[dreg:$0x2] =	wrdreg s2  }
0xa9: {  	[dreg:$0x3] =	wrdreg s4  }
0xaa: {  	[dreg:$0x4] =	wrdreg $0xC0  }
0xab: {  	_ =	task [dreg:s6], $0x5FFFF  }
0xac: {  	[dreg:$0x1] =	wrdreg $0xFFFFFFFF  }
0xad: {  	[dreg:$0x0] =	wrdreg $0x60  }
0xae: {  	[dreg:$0x2] =	wrdreg s24  }
0xaf: {  	[dreg:$0x3] =	wrdreg $0x150000  }
0xb0: {  	[dreg:$0x4] =	wrdreg $0x9  }
0xb1: {  	_ =	task.clear_ibuf [dreg:s6], $0x5FFFF;
	_ =	strace $0x90000046  }
0xb2: {  	s29 =	simm.s32 $0x9;
	_ =	strace $0x80000048  }
0xb3: {  	_ =	swait.ge [sflag:s29], $0x1  }
0xb4: {  	[sflag:s29] =	ssyncadd.s32 $0xFFFFFFFF  }
0xb5: {  	_ =	strace $0x90000048  }
0xb6: {  	_ =	sfence  }
0xb7: {  	s30 =	sld [smem:$0x0];
	_ =	sdelay $0x2  }
0xb8: {  	s31 =	sshll.u32 s1, $0xD;
	s1 =	sshrl.u32 s1, $0x2  }
0xb9: {  	s3 =	sand.u32 $0x4000, s31;
	s1 =	sadd.s32 s1, s30  }
0xba: {  	s0 =	sor.u32 s3, s0;
	s1 =	sshll.u32 s1, $0x11  }
0xbb: {  	s0 =	sor.u32 s1, s0  }
0xbc: {  	s0 =	sadd.s32 $0x8F2B, s0  }
0xbd: {  	[sflag:s0] =	ssyncadd.remote.s32 $0x1  }
0xbe: {  	_ =	sfence.sel $0xFFFF  }
0xbf: {  	[dreg:$0x0] =	wrdreg $0xFFFFFFFF;
	(pc) =	sbr.abs _section_cstart, $3  }
0xc0: {  	[dreg:$0x1] =	wrdreg $0xFFFFFFFF  }
0xc1: {  	_ =	task.clear_ibuf [dreg:s6], $0x2FFFF;
	_ =	strace $0x9FFFFFFF  }
0xc2: {  	(tm) =	ssettm $0x7FFFFFFF  }
0xc3: {  	_ =	shalt  }
tec
execute0_lowered:
.L_overlay_start_1:
0x0: {  	(tag) =	ssettag $0x1  }
0x1: {  	s4 =	rddreg [dreg:$0x0]  }
0x2: {  	s2 =	rddreg [dreg:$0x1];
	s1 =	srdreg.scid  }
0x3: {  	s0 =	rddreg [dreg:$0x2];
	s3 =	simm.s32 $0x0;
	s10 =	simm.s32 $0x14000  }
0x4: {  	s11 =	simm.s32 $0x1;
	s12 =	simm.s32 $0x0;
	s5 =	sand.u32 $0x1, s1  }
0x5: {  	s1 =	stileid.u32;
	s6 =	smul.u32 $0x140000, s5;
	s7 =	sshll.u32 s5, $0x4  }
0x6: {  	s8 =	smul.u32 $0x14000, s1;
	s5 =	ssub.s32 $0x2, s5;
	s7 =	sor.u32 s1, s7  }
0x7: {  	[smem:$0x7FF] =	sst s3;
	s30 =	sshrl.u32 s5, $0x1;
	s7 =	smul.u32 $0x2800, s7  }
0x8: {  	_ =	strace $0x80000047;
	s6 =	sadd.s32 s8, s6;
	s31 =	ssub.s32 s5, s30  }
0x9: {  	s8 =	simm.s32 $0x14800;
	s6 =	sshrl.u32 s6, $0x3;
	s7 =	sadd.s32 s7, s4  }
0xa: {  	v0 =	vimm.f32 $1.000000000e+00;
	s9 =	sadd.s32 s6, s4;
	s4 =	smul.u32 $0x280, s1;
	s6 =	smax.u32 s31, $0x1  }
0xb: {  	v1 =	vimm.f32 $0.0e+00;
	v2 =	vlaneseq.u32;
	vm0 =	vmmov $0xffff;
	s5 =	sadd.s32 $0xD000, s7;
	s7 =	sadd.s32 $0x5D000, s9;
	s9 =	simm.s32 $0x2  }
.LBB2_1:
0xc: {  	[tilespmem:$0x14000] =	vst v0  }
0xd: {  	[tilespmem:$0x14080] =	vst v0  }
0xe: {  	[tilespmem:$0x14100] =	vst v0  }
0xf: {  	[tilespmem:$0x14180] =	vst v0  }
0x10: {  	[tilespmem:$0x14200] =	vst v0  }
0x11: {  	[tilespmem:$0x14280] =	vst v0  }
0x12: {  	[tilespmem:$0x14300] =	vst v0  }
0x13: {  	[tilespmem:$0x14380] =	vst v0  }
0x14: {  	[tilespmem:$0x14400] =	vst v0  }
0x15: {  	[tilespmem:$0x14480] =	vst v0  }
0x16: {  	[tilespmem:$0x14500] =	vst v0  }
0x17: {  	[tilespmem:$0x14580] =	vst v0  }
0x18: {  	[tilespmem:$0x14600] =	vst v0  }
0x19: {  	[tilespmem:$0x14680] =	vst v0  }
0x1a: {  	[tilespmem:$0x14700] =	vst v0  }
0x1b: {  	[tilespmem:$0x14780] =	vst v0  }
0x1c: {  	[tilespmem:$0x14800] =	vst v1  }
0x1d: {  	[tilespmem:$0x14880] =	vst v1  }
0x1e: {  	[tilespmem:$0x14900] =	vst v1  }
0x1f: {  	[tilespmem:$0x14980] =	vst v1  }
0x20: {  	[tilespmem:$0x14A00] =	vst v1  }
0x21: {  	[tilespmem:$0x14A80] =	vst v1  }
0x22: {  	[tilespmem:$0x14B00] =	vst v1  }
0x23: {  	[tilespmem:$0x14B80] =	vst v1  }
0x24: {  	[tilespmem:$0x14C00] =	vst v1  }
0x25: {  	[tilespmem:$0x14C80] =	vst v1  }
0x26: {  	[tilespmem:$0x14D00] =	vst v1;
	s13 =	sadd.s32 $0x0, s4  }
0x27: {  	[tilespmem:$0x14D80] =	vst v1;
	v3 =	vor.u32 s13, v2  }
0x28: {  	[tilespmem:$0x14E00] =	vst v1  }
0x29: {  	[tilespmem:$0x14E80] =	vst v1  }
0x2a: {  	[tilespmem:$0x14F00] =	vst v1  }
0x2b: {  	[tilespmem:$0x14F80] =	vst v1;
	s31 =	sadd.s32 $0x10, s4  }
0x2c: {  	[spmem:s2] =	stream.indirect_vreg.scatter [tilespmem:s8], [sflag:$0x2], $0x10, v3, vm0, $0xb8;
	v3 =	vor.u32 s31, v2;
	[tilespmem:$0x17800] =	vst v63  }
0x2d: {  	_ = 	snop  }
0x2e: {  	_ =	swait.ge [sflag:s9], $0x100  }
0x2f: {  	s13 =	simm.s32 $0x20;
	[sflag:s9] =	ssyncset.done $0x0  }
.LBB2_2:
0x30: {  	s14 =	sadd.s32 s13, s4;
	[sflag:s9] =	ssyncadd.s32 $0xFFFFFF00;
	p0 =	sne.s32 s13, $0x270  }
0x31: {  	[spmem:s2] =	stream.indirect_vreg.scatter [tilespmem:s8], [sflag:$0x2], $0x10, v3, vm0, $0xb8;
	[tilespmem:$0x17800] =	vst v63  }
.Ltmp0:
0x32: {  	_ = 	snop;
	(pc) =	sbr.rel @p0 .LBB2_2-.Ltmp0, $3  }
0x33: {  	v3 =	vor.u32 s14, v2;
	_ =	sdelay $0x1  }
0x34: {  	s13 =	sadd.s32 $0x10, s13;
	_ =	swait.ge [sflag:s9], $0x100  }
0x35: {  	[sflag:s9] =	ssyncset.done $0x0  }
0x36: {  	_ =	sdelay $0x2  }
0x37: {  	[sflag:s9] =	ssyncadd.s32 $0xFFFFFF00  }
0x38: {  	[spmem:s2] =	stream.indirect_vreg.scatter [tilespmem:s8], [sflag:$0x2], $0x10, v3, vm0, $0xb8;
	[tilespmem:$0x17800] =	vst v63  }
0x39: {  	_ =	swait.ge [sflag:s9], $0x100  }
0x3a: {  	[sflag:s9] =	ssyncset.done $0x0  }
0x3b: {  	[sflag:s9] =	ssyncadd.s32 $0xFFFFFF00  }
0x3c: {  	s13 =	simm.s32 $0x0;
	[bflag:$0x0] =	sbarrier.arrive $0xFFFF  }
0x3d: {  	[tilespmem:s13], [sflag:$0x2] =	stream.linear.gather [hbm4b:s5+s13], $0x14000, $0x38;
	[tilespmem:$0x17800] =	vst v63  }
0x3e: {  	_ =	swait.ge [sflag:s9], $0x14000  }
0x3f: {  	[sflag:s9] =	ssyncset.done $0x0  }
0x40: {  	s31 =	simm.s32 $0x0;
	[sflag:s9] =	ssyncadd.s32 $0xFFFEC000  }
0x41: {  	s13 =	simm.s32 $0x200;
	v3 =	vld [tilespmem:s31+$0x0]  }
.LBB2_4:
0x42: {  	p0 =	sne.s32 s13, $0x4FE00;
	_ =	sdelay $0x6  }
0x43: {  	[spmem:s2] =	stream.indirect_vreg.scatter.add.f32 [tilespmem:s10], [sflag:$0x2], $0x10, v3, vm0, $0xb8;
	[tilespmem:$0x17800] =	vst v63  }
.Ltmp1:
0x44: {  	_ = 	snop;
	(pc) =	sbr.rel @p0 .LBB2_4-.Ltmp1, $4  }
0x45: {  	_ =	swait.ge [sflag:s9], $0x100  }
0x46: {  	[sflag:s9] =	ssyncset.done $0x0  }
0x47: {  	s14 =	sshra.s32 s13, $0x2;
	[sflag:s9] =	ssyncadd.s32 $0xFFFFFF00  }
0x48: {  	s13 =	sadd.s32 $0x200, s13;
	v3 =	vld [tilespmem:s14+$0x0]  }
0x49: {  	_ =	sdelay $0x6  }
0x4a: {  	s13 =	sadd.s32 $0x0, s4  }
0x4b: {  	[spmem:s2] =	stream.indirect_vreg.scatter.add.f32 [tilespmem:s10], [sflag:$0x2], $0x10, v3, vm0, $0xb8;
	v3 =	vor.u32 s13, v2;
	[tilespmem:$0x17800] =	vst v63  }
0x4c: {  	_ =	swait.ge [sflag:s9], $0x100  }
0x4d: {  	[sflag:s9] =	ssyncset.done $0x0  }
0x4e: {  	[sflag:s9] =	ssyncadd.s32 $0xFFFFFF00  }
0x4f: {  	[bflag:$0x0] =	sbarrier.arrive $0xFFFF  }
0x50: {  	[tilespmem:s8], [sflag:$0x1] =	stream.indirect_vreg.gather [spmem:s2], $0x10, v3, vm0, $0xb8;
	[tilespmem:$0x17800] =	vst v63  }
0x51: {  	_ =	swait.ge [sflag:s11], $0x100  }
0x52: {  	[sflag:s11] =	ssyncset.done $0x0  }
0x53: {  	s31 =	sadd.s32 $0x10, s4;
	[sflag:s11] =	ssyncadd.s32 $0xFFFFFF00  }
0x54: {  	v3 =	vor.u32 s31, v2;
	[hbm4b:s7+s3] =	stream.linear.scatter [tilespmem:s8], [sflag:$0x2], $0x800, $0x38;
	[tilespmem:$0x17800] =	vst v63  }
0x55: {  	_ =	swait.ge [sflag:s9], $0x800  }
0x56: {  	s14 =	simm.s32 $0x20;
	s13 =	smov.u32 s7;
	[sflag:s9] =	ssyncset.done $0x0  }
.LBB2_6:
0x57: {  	[sflag:s9] =	ssyncadd.s32 $0xFFFFF800  }
0x58: {  	s13 =	sadd.s32 $0x100, s13;
	s15 =	smov.u32 s14;
	s16 =	sadd.s32 $0x10, s14  }
0x59: {  	[tilespmem:s8], [sflag:$0x1] =	stream.indirect_vreg.gather [spmem:s2], $0x10, v3, vm0, $0xb8;
	[tilespmem:$0x17800] =	vst v63  }
0x5a: {  	p0 =	sne.s32 s14, $0x270;
	_ =	swait.ge [sflag:s11], $0x100  }
.Ltmp2:
0x5b: {  	s14 =	sadd.s32 s15, s4;
	[sflag:s11] =	ssyncset.done $0x0;
	(pc) =	sbr.rel @p0 .LBB2_6-.Ltmp2, $4  }
0x5c: {  	v3 =	vor.u32 s14, v2;
	[sflag:s11] =	ssyncadd.s32 $0xFFFFFF00  }
0x5d: {  	[hbm4b:s13+s3] =	stream.linear.scatter [tilespmem:s8], [sflag:$0x2], $0x800, $0x38;
	[tilespmem:$0x17800] =	vst v63  }
0x5e: {  	_ =	swait.ge [sflag:s9], $0x800  }
0x5f: {  	s14 =	smov.u32 s16;
	[sflag:s9] =	ssyncset.done $0x0  }
0x60: {  	_ =	sdelay $0x2  }
0x61: {  	[sflag:s9] =	ssyncadd.s32 $0xFFFFF800  }
0x62: {  	[tilespmem:s8], [sflag:$0x1] =	stream.indirect_vreg.gather [spmem:s2], $0x10, v3, vm0, $0xb8;
	[tilespmem:$0x17800] =	vst v63  }
0x63: {  	s12 =	sadd.s32 $0x1, s12;
	_ =	swait.ge [sflag:s11], $0x100  }
0x64: {  	p0 =	sne.s32 s12, s6;
	[sflag:s11] =	ssyncset.done $0x0  }
.Ltmp3:
0x65: {  	s13 =	sadd.s32 $0x100, s13;
	[sflag:s11] =	ssyncadd.s32 $0xFFFFFF00;
	(pc) =	sbr.rel @p0 .LBB2_1-.Ltmp3, $4  }
0x66: {  	[hbm4b:s13+s3] =	stream.linear.scatter [tilespmem:s8], [sflag:$0x2], $0x800, $0x38;
	[tilespmem:$0x17800] =	vst v63  }
0x67: {  	_ =	swait.ge [sflag:s9], $0x800  }
0x68: {  	[sflag:s9] =	ssyncset.done $0x0  }
0x69: {  	[sflag:s9] =	ssyncadd.s32 $0xFFFFF800  }
0x6a: {  	_ =	sfence.sel $0x180000  }
0x6b: {  	[bflag:$0x0] =	sbarrier.arrive $0xFFFF  }
0x6c: {  	p0 =	sne.s32 s1, $0x0;
	_ =	strace $0x90000047  }
0x6d: {  	s0 =	sadd.s32 @!p0 $0x100000, s0;
	[bflag:$0x2] =	sbarrier.arrive $0xFFFF  }
0x6e: {  	[sflag:s0] =	ssyncadd.tile.s32 @!p0 $0x1;
	_ =	shalt  }
.Lfunc_end2:
_tile_overlayer_lowered:
.L_overlay_start_2:
0x6f: {  	(tag) =	ssettag $0x2  }
0x70: {  	s0 =	rddreg [dreg:$0x0];
	s2 =	stileid.u32  }
0x71: {  	s1 =	rddreg [dreg:$0x1];
	p0 =	sne.s32 s2, $0x0  }
0x72: {  	s3 =	rddreg [dreg:$0x2];
	[bflag:$0x3] =	sbarrier.arrive $0xFFFF;
	s2 =	simm.s32 @!p0 $0x1C02  }
0x73: {  	[timem:s3], [sflag:s2] =	dma.local @!p0 [hbm:s0], s1  }
0x74: {  	s0 =	simm.s32 @!p0 $0x2  }
0x75: {  	_ =	swait.ge @!p0 [sflag:s0], s1  }
0x76: {  	s1 =	ssub.s32 @!p0 $0x0, s1;
	[sflag:s0] =	ssyncset.done @!p0 $0x0  }
0x77: {  	[sflag:s0] =	ssyncadd.s32 @!p0 s1  }
0x78: {  	[bflag:$0x3] =	sbarrier.arrive $0xFFFF  }
0x79: {  	_ =	shalt  }

</sc_bundles>
